<compile_context>
chip_gen: v7x
topology: tpu7x:2x2x1
jax: 0.10.2.dev20260603
libtpu: 0.0.44.dev20260713+nightly
codegen_flags: <defaults>
</compile_context>

<pallas_src>
import math

import jax
import jax.numpy as jnp
from jax import lax
from jax.experimental import pallas as pl
from jax.experimental.pallas import tpu as pltpu
from jax.experimental.pallas import tpu_sc as plsc

_D = 128
_NN = 10000
_NE = 320000
_NCELL = 20000
_L = 16
_NCORES = 2
_NSUB = 16
_EC = 40
_CC = 32
_NCH_E = _NE // _EC
_TPW_E = _NCH_E // (_NCORES * _NSUB)
_CPAD = 20480
_NCH_C = _CPAD // _CC
_TPW_C = _NCH_C // (_NCORES * _NSUB)
_NPAD = 10240
_ROWS = _NPAD // _NSUB


def _tree_sum(vs):
    while len(vs) > 1:
        nxt = [a + b for a, b in zip(vs[::2], vs[1::2])]
        if len(vs) % 2:
            nxt[-1] = nxt[-1] + vs[-1]
        vs = nxt
    return vs[0]



def _edge_stage(recv, send, eattr, nemb, acc_out, den_out,
                idx_r, idx_s, ebuf, nbr, nbs, exm_r, exm_s,
                den_sh, acc_sh, sem_r, sem_s):
    c = lax.axis_index("c")
    s = lax.axis_index("s")
    zv = jnp.zeros((_L,), jnp.float32)

    def zero_row(i, carry):
        for k in range(_D // _L):
            ebuf[i, pl.ds(k * _L, _L)] = zv
        exm_r[i, :] = zv
        return carry

    lax.fori_loop(0, _EC, zero_row, 0)
    row0 = s * _ROWS
    for j in range(_ROWS // _EC):
        pltpu.sync_copy(ebuf, acc_sh.at[pl.ds(row0 + j * _EC, _EC)])
        pltpu.sync_copy(exm_r, den_sh.at[pl.ds(row0 + j * _EC, _EC)])
    plsc.subcore_barrier()

    inv = jnp.float32(1.0 / math.sqrt(float(_D)))

    def chunk_body(t, carry):
        chunk = (t * _NSUB + s) * _NCORES + c
        base = chunk * _EC
        pltpu.sync_copy(recv.at[pl.ds(base, _EC)], idx_r)
        pltpu.sync_copy(send.at[pl.ds(base, _EC)], idx_s)
        cp_r = pltpu.async_copy(nemb.at[idx_r], nbr, sem_r)
        cp_s = pltpu.async_copy(nemb.at[idx_s], nbs, sem_s)
        pltpu.sync_copy(eattr.at[pl.ds(base, _EC)], ebuf)
        cp_r.wait()
        cp_s.wait()

        def edge_body(i, carry2):
            pr = []
            ps = []
            for k in range(_D // _L):
                e = ebuf[i, pl.ds(k * _L, _L)]
                pr.append(e * nbr[i, pl.ds(k * _L, _L)])
                ps.append(e * nbs[i, pl.ds(k * _L, _L)])
            sr = jnp.sum(_tree_sum(pr)) * inv
            ss = jnp.sum(_tree_sum(ps)) * inv
            exr = jnp.exp(jnp.broadcast_to(sr, (_L,)))
            exs = jnp.exp(jnp.broadcast_to(ss, (_L,)))
            exm_r[i, :] = exr
            exm_s[i, :] = exs
            for k in range(_D // _L):
                e = ebuf[i, pl.ds(k * _L, _L)]
                nbr[i, pl.ds(k * _L, _L)] = e * exr
                nbs[i, pl.ds(k * _L, _L)] = e * exs
            return carry2

        lax.fori_loop(0, _EC, edge_body, 0)
        pltpu.sync_copy(nbr, acc_sh.at[idx_r], add=True)
        pltpu.sync_copy(nbs, acc_sh.at[idx_s], add=True)
        pltpu.sync_copy(exm_r, den_sh.at[idx_r], add=True)
        pltpu.sync_copy(exm_s, den_sh.at[idx_s], add=True)
        return carry

    lax.fori_loop(0, _TPW_E, chunk_body, 0)
    plsc.subcore_barrier()
    out0 = c * _NPAD + row0
    pltpu.sync_copy(acc_sh.at[pl.ds(row0, _ROWS)], acc_out.at[pl.ds(out0, _ROWS)])
    pltpu.sync_copy(den_sh.at[pl.ds(row0, _ROWS)], den_out.at[pl.ds(out0, _ROWS)])


_edge_call = pl.kernel(
    _edge_stage,
    out_type=[
        jax.ShapeDtypeStruct((_NCORES * _NPAD, _D), jnp.float32),
        jax.ShapeDtypeStruct((_NCORES * _NPAD, _L), jnp.float32),
    ],
    mesh=plsc.VectorSubcoreMesh(core_axis_name="c", subcore_axis_name="s"),
    compiler_params=pltpu.CompilerParams(needs_layout_passes=False),
    scratch_types=[
        pltpu.VMEM((_EC,), jnp.int32),
        pltpu.VMEM((_EC,), jnp.int32),
        pltpu.VMEM((_EC, _D), jnp.float32),
        pltpu.VMEM((_EC, _D), jnp.float32),
        pltpu.VMEM((_EC, _D), jnp.float32),
        pltpu.VMEM((_EC, _L), jnp.float32),
        pltpu.VMEM((_EC, _L), jnp.float32),
        pltpu.VMEM_SHARED((_NPAD, _L), jnp.float32),
        pltpu.VMEM_SHARED((_NPAD, _D), jnp.float32),
        pltpu.SemaphoreType.DMA,
        pltpu.SemaphoreType.DMA,
    ],
)



def _proj_body(acc0, acc1, den0, den1, w, o):
    d = den0[:, 0:1] + den1[:, 0:1] + 1e-16
    agg = (acc0[...] + acc1[...]) / d
    o[...] = jnp.dot(agg, w[...], preferred_element_type=jnp.float32)


_proj_call = pl.pallas_call(
    _proj_body,
    grid=(10,),
    in_specs=[
        pl.BlockSpec((_NN // 10, _D), lambda i: (i, 0)),
        pl.BlockSpec((_NN // 10, _D), lambda i: (i, 0)),
        pl.BlockSpec((_NN // 10, _L), lambda i: (i, 0)),
        pl.BlockSpec((_NN // 10, _L), lambda i: (i, 0)),
        pl.BlockSpec((_D, _D), lambda i: (0, 0)),
    ],
    out_specs=pl.BlockSpec((_NN // 10, _D), lambda i: (i, 0)),
    out_shape=jax.ShapeDtypeStruct((_NN, _D), jnp.float32),
)


def _ctop_body(x, w, bb, o):
    o[...] = jnp.dot(x[...], w[...], preferred_element_type=jnp.float32) + bb[...]


_ctop_call = pl.pallas_call(
    _ctop_body,
    grid=(10,),
    in_specs=[
        pl.BlockSpec((_CPAD // 10, _D), lambda i: (i, 0)),
        pl.BlockSpec((_D, _D), lambda i: (0, 0)),
        pl.BlockSpec((1, _D), lambda i: (0, 0)),
    ],
    out_specs=pl.BlockSpec((_CPAD // 10, _D), lambda i: (i, 0)),
    out_shape=jax.ShapeDtypeStruct((_CPAD, _D), jnp.float32),
)



def _cell_stage(f0h, f1h, f2h, ctoph, nprojh, cell_out, nsum_out, cnt_out,
                i0, i1, i2, p0, p1, p2, tb, ones,
                cnt_sh, nsum_sh, sem0, sem1, sem2):
    c = lax.axis_index("c")
    s = lax.axis_index("s")
    zv = jnp.zeros((_L,), jnp.float32)

    def zero_row(i, carry):
        for k in range(_D // _L):
            tb[i, pl.ds(k * _L, _L)] = zv
        ones[i, :] = zv
        return carry

    lax.fori_loop(0, _CC, zero_row, 0)
    row0 = s * _ROWS
    for j in range(_ROWS // _CC):
        pltpu.sync_copy(tb, nsum_sh.at[pl.ds(row0 + j * _CC, _CC)])
        pltpu.sync_copy(ones, cnt_sh.at[pl.ds(row0 + j * _CC, _CC)])
    ov = jnp.ones((_L,), jnp.float32)

    def ones_row(i, carry):
        ones[i, :] = ov
        return carry

    lax.fori_loop(0, _CC, ones_row, 0)
    plsc.subcore_barrier()

    third = jnp.float32(1.0 / 3.0)

    def chunk_body(t, carry):
        chunk = (t * _NSUB + s) * _NCORES + c
        base = chunk * _CC
        pltpu.sync_copy(f0h.at[pl.ds(base, _CC)], i0)
        pltpu.sync_copy(f1h.at[pl.ds(base, _CC)], i1)
        pltpu.sync_copy(f2h.at[pl.ds(base, _CC)], i2)
        cp0 = pltpu.async_copy(nprojh.at[i0], p0, sem0)
        cp1 = pltpu.async_copy(nprojh.at[i1], p1, sem1)
        cp2 = pltpu.async_copy(nprojh.at[i2], p2, sem2)
        pltpu.sync_copy(ctoph.at[pl.ds(base, _CC)], tb)
        cp0.wait()
        cp1.wait()
        cp2.wait()

        def cell_body(i, carry2):
            for k in range(_D // _L):
                sl = pl.ds(k * _L, _L)
                p0[i, sl] = (p0[i, sl] + p1[i, sl] + p2[i, sl]) * third + tb[i, sl]
            return carry2

        lax.fori_loop(0, _CC, cell_body, 0)
        pltpu.sync_copy(p0, cell_out.at[pl.ds(base, _CC)])
        pltpu.sync_copy(p0, nsum_sh.at[i0], add=True)
        pltpu.sync_copy(p0, nsum_sh.at[i1], add=True)
        pltpu.sync_copy(p0, nsum_sh.at[i2], add=True)
        pltpu.sync_copy(ones, cnt_sh.at[i0], add=True)
        pltpu.sync_copy(ones, cnt_sh.at[i1], add=True)
        pltpu.sync_copy(ones, cnt_sh.at[i2], add=True)
        return carry

    lax.fori_loop(0, _TPW_C, chunk_body, 0)
    plsc.subcore_barrier()
    out0 = c * _NPAD + row0
    pltpu.sync_copy(nsum_sh.at[pl.ds(row0, _ROWS)], nsum_out.at[pl.ds(out0, _ROWS)])
    pltpu.sync_copy(cnt_sh.at[pl.ds(row0, _ROWS)], cnt_out.at[pl.ds(out0, _ROWS)])


_cell_call = pl.kernel(
    _cell_stage,
    out_type=[
        jax.ShapeDtypeStruct((_CPAD, _D), jnp.float32),
        jax.ShapeDtypeStruct((_NCORES * _NPAD, _D), jnp.float32),
        jax.ShapeDtypeStruct((_NCORES * _NPAD, _L), jnp.float32),
    ],
    mesh=plsc.VectorSubcoreMesh(core_axis_name="c", subcore_axis_name="s"),
    compiler_params=pltpu.CompilerParams(needs_layout_passes=False),
    scratch_types=[
        pltpu.VMEM((_CC,), jnp.int32),
        pltpu.VMEM((_CC,), jnp.int32),
        pltpu.VMEM((_CC,), jnp.int32),
        pltpu.VMEM((_CC, _D), jnp.float32),
        pltpu.VMEM((_CC, _D), jnp.float32),
        pltpu.VMEM((_CC, _D), jnp.float32),
        pltpu.VMEM((_CC, _D), jnp.float32),
        pltpu.VMEM((_CC, _L), jnp.float32),
        pltpu.VMEM_SHARED((_NPAD, _L), jnp.float32),
        pltpu.VMEM_SHARED((_NPAD, _D), jnp.float32),
        pltpu.SemaphoreType.DMA,
        pltpu.SemaphoreType.DMA,
        pltpu.SemaphoreType.DMA,
    ],
)



def _final_body(s0, s1, c0, c1, o):
    cnt = jnp.clip(c0[:, 0:1] + c1[:, 0:1], 1.0, None)
    o[...] = (s0[...] + s1[...]) / cnt


_final_call = pl.pallas_call(
    _final_body,
    grid=(10,),
    in_specs=[
        pl.BlockSpec((_NN // 10, _D), lambda i: (i, 0)),
        pl.BlockSpec((_NN // 10, _D), lambda i: (i, 0)),
        pl.BlockSpec((_NN // 10, _L), lambda i: (i, 0)),
        pl.BlockSpec((_NN // 10, _L), lambda i: (i, 0)),
    ],
    out_specs=pl.BlockSpec((_NN // 10, _D), lambda i: (i, 0)),
    out_shape=jax.ShapeDtypeStruct((_NN, _D), jnp.float32),
)


def kernel(cell_attr, edge_attr, node_embedding, edge_index, face, W, b):
    send = edge_index[0]
    recv = edge_index[1]
    acc, den = _edge_call(recv, send, edge_attr, node_embedding)
    node_proj = _proj_call(acc[:_NN], acc[_NN:], den[:_NN], den[_NN:], W[_D:])
    node_proj_p = jnp.pad(node_proj, ((0, _L), (0, 0)))
    cell_attr_p = jnp.pad(cell_attr, ((0, _CPAD - _NCELL), (0, 0)))
    cell_top = _ctop_call(cell_attr_p, W[:_D], b.reshape(1, _D))
    fpad = jnp.pad(face, ((0, 0), (0, _CPAD - _NCELL)), constant_values=_NN)
    cell_new_p, nsum, cnt = _cell_call(fpad[0], fpad[1], fpad[2], cell_top, node_proj_p)
    node_attr = _final_call(nsum[:_NN], nsum[_NPAD:_NPAD + _NN],
                            cnt[:_NN], cnt[_NPAD:_NPAD + _NN])
    return cell_new_p[:_NCELL], node_attr

# --- scband reference (transcript-rebuilt; emitter-appended) ---
"""Pipeline reference for scband-cell-block-17703855194354 (READ-ONLY COPY).

The authoritative reference and input builder live on the scoring server;
editing this copy changes nothing except your own understanding.
"""

import jax, jax.numpy as jnp
import numpy as np

N_NODE = 10000
N_CELL = 20000
E = 320000
D = 128

def setup_inputs(seed: int = 0):
    key = jax.random.key(seed)
    ks = jax.random.split(key, 8)
    cell_attr = jax.random.normal(ks[0], (N_CELL, D), dtype=jnp.float32)
    edge_attr = jax.random.normal(ks[1], (E, D), dtype=jnp.float32)
    node_embedding = jax.random.normal(ks[2], (N_NODE, D), dtype=jnp.float32)
    edge_index = jax.random.randint(ks[3], (2, E), 0, N_NODE, dtype=jnp.int32)
    face = jax.random.randint(ks[4], (3, N_CELL), 0, N_NODE, dtype=jnp.int32)
    W = jax.random.normal(ks[5], (2 * D, D), dtype=jnp.float32) * 0.02
    b = jnp.zeros((D,), dtype=jnp.float32)
    return {"cell_attr": cell_attr, "edge_attr": edge_attr, "node_embedding": node_embedding,
            "edge_index": edge_index, "face": face, "W": W, "b": b}

def reference(cell_attr, edge_attr, node_embedding, edge_index, face, W, b):
    scale = jnp.sqrt(jnp.asarray(float(D), dtype=jnp.float32))
    senders = edge_index[0]
    receivers = edge_index[1]
    # twoway (bidirectional) connections
    two_out = jnp.concatenate([receivers, senders], axis=0)  # outdegree view
    two_edge = jnp.concatenate([edge_attr, edge_attr], axis=0)
    # attention logits per twoway edge
    att_src = jnp.sum(two_edge * node_embedding[two_out], axis=1, keepdims=True) / scale
    # scatter_softmax over groups defined by two_out
    seg_max = jax.ops.segment_max(att_src, two_out, num_segments=N_NODE)
    seg_max = jnp.where(jnp.isfinite(seg_max), seg_max, 0.0)
    seg_max = jax.lax.stop_gradient(seg_max)
    ex = jnp.exp(att_src - seg_max[two_out])
    denom = jax.ops.segment_sum(ex, two_out, num_segments=N_NODE)
    attention_factor = ex / (denom[two_out] + 1e-16)
    # scatter_add of attention-weighted edge features to nodes
    node_agg = jax.ops.segment_sum(two_edge * attention_factor, two_out, num_segments=N_NODE)
    # gather node aggregates back to cells via the 3 face indices
    cell_agg = (node_agg[face[0]] + node_agg[face[1]] + node_agg[face[2]]) / 3.0
    # self.net: Linear(2D -> D)
    cell_attr_new = jnp.concatenate([cell_attr, cell_agg], axis=1) @ W + b
    # scatter_mean cell features back to nodes
    cells_node_index = jnp.concatenate([face[0], face[1], face[2]], axis=0)
    tripled = jnp.concatenate([cell_attr_new, cell_attr_new, cell_attr_new], axis=0)
    seg_sum = jax.ops.segment_sum(tripled, cells_node_index, num_segments=N_NODE)
    counts = jax.ops.segment_sum(jnp.ones((cells_node_index.shape[0], 1), dtype=jnp.float32),
                                 cells_node_index, num_segments=N_NODE)
    node_attr = seg_sum / jnp.clip(counts, 1.0, None)
    return cell_attr_new, node_attr

if __name__ == "__main__":
    import jax
    _d = setup_inputs()
    print(jax.jit(kernel)(*tuple(_d.values())))

</pallas_src>

<mosaic_0001>
#map = affine_map<(d0, d1) -> (0)>
#map1 = affine_map<(d0, d1) -> (0, 0)>
module attributes {stable_mosaic.version = 14 : i64} {
  func.func @_cell_stage(%arg0: i32, %arg1: i32, %arg2: memref<20480xi32, #tpu.memory_space<hbm>>, %arg3: memref<20480xi32, #tpu.memory_space<hbm>>, %arg4: memref<20480xi32, #tpu.memory_space<hbm>>, %arg5: memref<20480x128xf32, #tpu.memory_space<hbm>>, %arg6: memref<10016x128xf32, #tpu.memory_space<hbm>>, %arg7: memref<20480x128xf32, #tpu.memory_space<hbm>>, %arg8: memref<20480x128xf32, #tpu.memory_space<hbm>>, %arg9: memref<20480x16xf32, #tpu.memory_space<hbm>>, %arg10: memref<32xi32, #tpu.memory_space<vmem>>, %arg11: memref<32xi32, #tpu.memory_space<vmem>>, %arg12: memref<32xi32, #tpu.memory_space<vmem>>, %arg13: memref<32x128xf32, #tpu.memory_space<vmem>>, %arg14: memref<32x128xf32, #tpu.memory_space<vmem>>, %arg15: memref<32x128xf32, #tpu.memory_space<vmem>>, %arg16: memref<32x128xf32, #tpu.memory_space<vmem>>, %arg17: memref<32x16xf32, #tpu.memory_space<vmem>>, %arg18: memref<10240x16xf32, #tpu.memory_space<vmem_shared>>, %arg19: memref<10240x128xf32, #tpu.memory_space<vmem_shared>>, %arg20: memref<!tpu.dma_semaphore, #tpu.memory_space<semaphore_mem>>, %arg21: memref<!tpu.dma_semaphore, #tpu.memory_space<semaphore_mem>>, %arg22: memref<!tpu.dma_semaphore, #tpu.memory_space<semaphore_mem>>) attributes {dimension_semantics = [#tpu.dimension_semantics<core_parallel>, #tpu.dimension_semantics<subcore_parallel>], iteration_bounds = array<i64: 2, 16>, scalar_prefetch = 0 : i64, scratch_operands = 13 : i64, tpu.core_type = #tpu.core_type<sc_vector_subcore>, window_params = [{transform_indices = #map}, {transform_indices = #map}, {transform_indices = #map}, {transform_indices = #map1}, {transform_indices = #map1}, {transform_indices = #map1}, {transform_indices = #map1}, {transform_indices = #map1}]} {
    %broadcast_in_dim3A = arith.constant 0.000000e+00 : f32
    %broadcast_in_dim3A_0 = vector.broadcast %broadcast_in_dim3A : f32 to vector<16xf32>
    %scan3A = arith.constant 0 : i32
    %scan3A_1 = arith.constant 0 : i32
    %scan3A_2 = arith.constant 32 : i32
    %scan3A_3 = arith.addi %scan3A_1, %scan3A_2 : i32
    %scan3A_4 = arith.constant 1 : i32
    scf.for %scan3A_105 = %scan3A_1 to %scan3A_3 step %scan3A_4  : i32 {
      %swap3A = arith.index_cast %scan3A_105 : i32 to index
      %swap3A_106 = arith.constant 0 : index
      %swap3A_107 = tpu.vector_load %arg16[%swap3A, %swap3A_106] {strides = array<i32>} : memref<32x128xf32, #tpu.memory_space<vmem>>, vector<16xf32>,
      tpu.vector_store %arg16[%swap3A, %swap3A_106], %broadcast_in_dim3A_0 {strides = array<i32>} : memref<32x128xf32, #tpu.memory_space<vmem>>, vector<16xf32>,
      %swap3A_108 = arith.index_cast %scan3A_105 : i32 to index
      %swap3A_109 = arith.constant 16 : index
      %swap3A_110 = tpu.vector_load %arg16[%swap3A_108, %swap3A_109] {strides = array<i32>} : memref<32x128xf32, #tpu.memory_space<vmem>>, vector<16xf32>,
      tpu.vector_store %arg16[%swap3A_108, %swap3A_109], %broadcast_in_dim3A_0 {strides = array<i32>} : memref<32x128xf32, #tpu.memory_space<vmem>>, vector<16xf32>,
      %swap3A_111 = arith.index_cast %scan3A_105 : i32 to index
      %swap3A_112 = arith.constant 32 : index
      %swap3A_113 = tpu.vector_load %arg16[%swap3A_111, %swap3A_112] {strides = array<i32>} : memref<32x128xf32, #tpu.memory_space<vmem>>, vector<16xf32>,
      tpu.vector_store %arg16[%swap3A_111, %swap3A_112], %broadcast_in_dim3A_0 {strides = array<i32>} : memref<32x128xf32, #tpu.memory_space<vmem>>, vector<16xf32>,
      %swap3A_114 = arith.index_cast %scan3A_105 : i32 to index
      %swap3A_115 = arith.constant 48 : index
      %swap3A_116 = tpu.vector_load %arg16[%swap3A_114, %swap3A_115] {strides = array<i32>} : memref<32x128xf32, #tpu.memory_space<vmem>>, vector<16xf32>,
      tpu.vector_store %arg16[%swap3A_114, %swap3A_115], %broadcast_in_dim3A_0 {strides = array<i32>} : memref<32x128xf32, #tpu.memory_space<vmem>>, vector<16xf32>,
      %swap3A_117 = arith.index_cast %scan3A_105 : i32 to index
      %swap3A_118 = arith.constant 64 : index
      %swap3A_119 = tpu.vector_load %arg16[%swap3A_117, %swap3A_118] {strides = array<i32>} : memref<32x128xf32, #tpu.memory_space<vmem>>, vector<16xf32>,
      tpu.vector_store %arg16[%swap3A_117, %swap3A_118], %broadcast_in_dim3A_0 {strides = array<i32>} : memref<32x128xf32, #tpu.memory_space<vmem>>, vector<16xf32>,
      %swap3A_120 = arith.index_cast %scan3A_105 : i32 to index
      %swap3A_121 = arith.constant 80 : index
      %swap3A_122 = tpu.vector_load %arg16[%swap3A_120, %swap3A_121] {strides = array<i32>} : memref<32x128xf32, #tpu.memory_space<vmem>>, vector<16xf32>,
      tpu.vector_store %arg16[%swap3A_120, %swap3A_121], %broadcast_in_dim3A_0 {strides = array<i32>} : memref<32x128xf32, #tpu.memory_space<vmem>>, vector<16xf32>,
      %swap3A_123 = arith.index_cast %scan3A_105 : i32 to index
      %swap3A_124 = arith.constant 96 : index
      %swap3A_125 = tpu.vector_load %arg16[%swap3A_123, %swap3A_124] {strides = array<i32>} : memref<32x128xf32, #tpu.memory_space<vmem>>, vector<16xf32>,
      tpu.vector_store %arg16[%swap3A_123, %swap3A_124], %broadcast_in_dim3A_0 {strides = array<i32>} : memref<32x128xf32, #tpu.memory_space<vmem>>, vector<16xf32>,
      %swap3A_126 = arith.index_cast %scan3A_105 : i32 to index
      %swap3A_127 = arith.constant 112 : index
      %swap3A_128 = tpu.vector_load %arg16[%swap3A_126, %swap3A_127] {strides = array<i32>} : memref<32x128xf32, #tpu.memory_space<vmem>>, vector<16xf32>,
      tpu.vector_store %arg16[%swap3A_126, %swap3A_127], %broadcast_in_dim3A_0 {strides = array<i32>} : memref<32x128xf32, #tpu.memory_space<vmem>>, vector<16xf32>,
      %swap3A_129 = arith.index_cast %scan3A_105 : i32 to index
      %swap3A_130 = arith.constant 0 : index
      %swap3A_131 = tpu.vector_load %arg17[%swap3A_129, %swap3A_130] {strides = array<i32>} : memref<32x16xf32, #tpu.memory_space<vmem>>, vector<16xf32>,
      tpu.vector_store %arg17[%swap3A_129, %swap3A_130], %broadcast_in_dim3A_0 {strides = array<i32>} : memref<32x16xf32, #tpu.memory_space<vmem>>, vector<16xf32>,
    }
    %scan3A_5 = arith.constant 32 : i32
    %mul3A = arith.constant 640 : i32
    %mul3A_6 = arith.muli %arg1, %mul3A : i32
    %add3A = arith.constant 0 : i32
    %add3A_7 = arith.addi %mul3A_6, %add3A : i32
    "tpu.region"() ({
      %run_scoped3A = tpu.sem_alloc : memref<!tpu.dma_semaphore, #tpu.memory_space<semaphore_mem>>
      %dma_start3A = arith.constant 0 : i32
      %dma_start3A_105 = tpu.memref_slice %arg19[%add3A_7, %dma_start3A] : memref<10240x128xf32, #tpu.memory_space<vmem_shared>> -> memref<32x128xf32, #tpu.memory_space<vmem_shared>>
      %dma_start3A_106 = arith.constant 0 : i32
      %dma_start3A_107 = tpu.memref_slice %arg19[%add3A_7, %dma_start3A_106] : memref<10240x128xf32, #tpu.memory_space<vmem_shared>> -> memref<32x128xf32, #tpu.memory_space<vmem_shared>>
      tpu.enqueue_dma source(%arg16 : memref<32x128xf32, #tpu.memory_space<vmem>>) target(%dma_start3A_107 : memref<32x128xf32, #tpu.memory_space<vmem_shared>>) target_semaphore(%run_scoped3A : memref<!tpu.dma_semaphore, #tpu.memory_space<semaphore_mem>>)
      %dma_wait3A = arith.constant 0 : i32
      %dma_wait3A_108 = tpu.memref_slice %arg19[%add3A_7, %dma_wait3A] : memref<10240x128xf32, #tpu.memory_space<vmem_shared>> -> memref<32x128xf32, #tpu.memory_space<vmem_shared>>
      %dma_wait3A_109 = arith.constant 0 : i32
      %dma_wait3A_110 = tpu.memref_slice %arg19[%add3A_7, %dma_wait3A_109] : memref<10240x128xf32, #tpu.memory_space<vmem_shared>> -> memref<32x128xf32, #tpu.memory_space<vmem_shared>>
      tpu.wait_dma2 semaphore(%run_scoped3A : memref<!tpu.dma_semaphore, #tpu.memory_space<semaphore_mem>>) src(%arg16 : memref<32x128xf32, #tpu.memory_space<vmem>>) dst(%dma_wait3A_110 : memref<32x128xf32, #tpu.memory_space<vmem_shared>>)
      tpu.yield
    }) : () -> ()
    %add3A_8 = arith.constant 0 : i32
    %add3A_9 = arith.addi %mul3A_6, %add3A_8 : i32
    "tpu.region"() ({
      %run_scoped3A = tpu.sem_alloc : memref<!tpu.dma_semaphore, #tpu.memory_space<semaphore_mem>>
      %dma_start3A = arith.constant 0 : i32
      %dma_start3A_105 = tpu.memref_slice %arg18[%add3A_9, %dma_start3A] : memref<10240x16xf32, #tpu.memory_space<vmem_shared>> -> memref<32x16xf32, #tpu.memory_space<vmem_shared>>
      %dma_start3A_106 = arith.constant 0 : i32
      %dma_start3A_107 = tpu.memref_slice %arg18[%add3A_9, %dma_start3A_106] : memref<10240x16xf32, #tpu.memory_space<vmem_shared>> -> memref<32x16xf32, #tpu.memory_space<vmem_shared>>
      tpu.enqueue_dma source(%arg17 : memref<32x16xf32, #tpu.memory_space<vmem>>) target(%dma_start3A_107 : memref<32x16xf32, #tpu.memory_space<vmem_shared>>) target_semaphore(%run_scoped3A : memref<!tpu.dma_semaphore, #tpu.memory_space<semaphore_mem>>)
      %dma_wait3A = arith.constant 0 : i32
      %dma_wait3A_108 = tpu.memref_slice %arg18[%add3A_9, %dma_wait3A] : memref<10240x16xf32, #tpu.memory_space<vmem_shared>> -> memref<32x16xf32, #tpu.memory_space<vmem_shared>>
      %dma_wait3A_109 = arith.constant 0 : i32
      %dma_wait3A_110 = tpu.memref_slice %arg18[%add3A_9, %dma_wait3A_109] : memref<10240x16xf32, #tpu.memory_space<vmem_shared>> -> memref<32x16xf32, #tpu.memory_space<vmem_shared>>
      tpu.wait_dma2 semaphore(%run_scoped3A : memref<!tpu.dma_semaphore, #tpu.memory_space<semaphore_mem>>) src(%arg17 : memref<32x16xf32, #tpu.memory_space<vmem>>) dst(%dma_wait3A_110 : memref<32x16xf32, #tpu.memory_space<vmem_shared>>)
      tpu.yield
    }) : () -> ()
    %add3A_10 = arith.constant 32 : i32
    %add3A_11 = arith.addi %mul3A_6, %add3A_10 : i32
    "tpu.region"() ({
      %run_scoped3A = tpu.sem_alloc : memref<!tpu.dma_semaphore, #tpu.memory_space<semaphore_mem>>
      %dma_start3A = arith.constant 0 : i32
      %dma_start3A_105 = tpu.memref_slice %arg19[%add3A_11, %dma_start3A] : memref<10240x128xf32, #tpu.memory_space<vmem_shared>> -> memref<32x128xf32, #tpu.memory_space<vmem_shared>>
      %dma_start3A_106 = arith.constant 0 : i32
      %dma_start3A_107 = tpu.memref_slice %arg19[%add3A_11, %dma_start3A_106] : memref<10240x128xf32, #tpu.memory_space<vmem_shared>> -> memref<32x128xf32, #tpu.memory_space<vmem_shared>>
      tpu.enqueue_dma source(%arg16 : memref<32x128xf32, #tpu.memory_space<vmem>>) target(%dma_start3A_107 : memref<32x128xf32, #tpu.memory_space<vmem_shared>>) target_semaphore(%run_scoped3A : memref<!tpu.dma_semaphore, #tpu.memory_space<semaphore_mem>>)
      %dma_wait3A = arith.constant 0 : i32
      %dma_wait3A_108 = tpu.memref_slice %arg19[%add3A_11, %dma_wait3A] : memref<10240x128xf32, #tpu.memory_space<vmem_shared>> -> memref<32x128xf32, #tpu.memory_space<vmem_shared>>
      %dma_wait3A_109 = arith.constant 0 : i32
      %dma_wait3A_110 = tpu.memref_slice %arg19[%add3A_11, %dma_wait3A_109] : memref<10240x128xf32, #tpu.memory_space<vmem_shared>> -> memref<32x128xf32, #tpu.memory_space<vmem_shared>>
      tpu.wait_dma2 semaphore(%run_scoped3A : memref<!tpu.dma_semaphore, #tpu.memory_space<semaphore_mem>>) src(%arg16 : memref<32x128xf32, #tpu.memory_space<vmem>>) dst(%dma_wait3A_110 : memref<32x128xf32, #tpu.memory_space<vmem_shared>>)
      tpu.yield
    }) : () -> ()
    %add3A_12 = arith.constant 32 : i32
    %add3A_13 = arith.addi %mul3A_6, %add3A_12 : i32
    "tpu.region"() ({
      %run_scoped3A = tpu.sem_alloc : memref<!tpu.dma_semaphore, #tpu.memory_space<semaphore_mem>>
      %dma_start3A = arith.constant 0 : i32
      %dma_start3A_105 = tpu.memref_slice %arg18[%add3A_13, %dma_start3A] : memref<10240x16xf32, #tpu.memory_space<vmem_shared>> -> memref<32x16xf32, #tpu.memory_space<vmem_shared>>
      %dma_start3A_106 = arith.constant 0 : i32
      %dma_start3A_107 = tpu.memref_slice %arg18[%add3A_13, %dma_start3A_106] : memref<10240x16xf32, #tpu.memory_space<vmem_shared>> -> memref<32x16xf32, #tpu.memory_space<vmem_shared>>
      tpu.enqueue_dma source(%arg17 : memref<32x16xf32, #tpu.memory_space<vmem>>) target(%dma_start3A_107 : memref<32x16xf32, #tpu.memory_space<vmem_shared>>) target_semaphore(%run_scoped3A : memref<!tpu.dma_semaphore, #tpu.memory_space<semaphore_mem>>)
      %dma_wait3A = arith.constant 0 : i32
      %dma_wait3A_108 = tpu.memref_slice %arg18[%add3A_13, %dma_wait3A] : memref<10240x16xf32, #tpu.memory_space<vmem_shared>> -> memref<32x16xf32, #tpu.memory_space<vmem_shared>>
      %dma_wait3A_109 = arith.constant 0 : i32
      %dma_wait3A_110 = tpu.memref_slice %arg18[%add3A_13, %dma_wait3A_109] : memref<10240x16xf32, #tpu.memory_space<vmem_shared>> -> memref<32x16xf32, #tpu.memory_space<vmem_shared>>
      tpu.wait_dma2 semaphore(%run_scoped3A : memref<!tpu.dma_semaphore, #tpu.memory_space<semaphore_mem>>) src(%arg17 : memref<32x16xf32, #tpu.memory_space<vmem>>) dst(%dma_wait3A_110 : memref<32x16xf32, #tpu.memory_space<vmem_shared>>)
      tpu.yield
    }) : () -> ()
    %add3A_14 = arith.constant 64 : i32
    %add3A_15 = arith.addi %mul3A_6, %add3A_14 : i32
    "tpu.region"() ({
      %run_scoped3A = tpu.sem_alloc : memref<!tpu.dma_semaphore, #tpu.memory_space<semaphore_mem>>
      %dma_start3A = arith.constant 0 : i32
      %dma_start3A_105 = tpu.memref_slice %arg19[%add3A_15, %dma_start3A] : memref<10240x128xf32, #tpu.memory_space<vmem_shared>> -> memref<32x128xf32, #tpu.memory_space<vmem_shared>>
      %dma_start3A_106 = arith.constant 0 : i32
      %dma_start3A_107 = tpu.memref_slice %arg19[%add3A_15, %dma_start3A_106] : memref<10240x128xf32, #tpu.memory_space<vmem_shared>> -> memref<32x128xf32, #tpu.memory_space<vmem_shared>>
      tpu.enqueue_dma source(%arg16 : memref<32x128xf32, #tpu.memory_space<vmem>>) target(%dma_start3A_107 : memref<32x128xf32, #tpu.memory_space<vmem_shared>>) target_semaphore(%run_scoped3A : memref<!tpu.dma_semaphore, #tpu.memory_space<semaphore_mem>>)
      %dma_wait3A = arith.constant 0 : i32
      %dma_wait3A_108 = tpu.memref_slice %arg19[%add3A_15, %dma_wait3A] : memref<10240x128xf32, #tpu.memory_space<vmem_shared>> -> memref<32x128xf32, #tpu.memory_space<vmem_shared>>
      %dma_wait3A_109 = arith.constant 0 : i32
      %dma_wait3A_110 = tpu.memref_slice %arg19[%add3A_15, %dma_wait3A_109] : memref<10240x128xf32, #tpu.memory_space<vmem_shared>> -> memref<32x128xf32, #tpu.memory_space<vmem_shared>>
      tpu.wait_dma2 semaphore(%run_scoped3A : memref<!tpu.dma_semaphore, #tpu.memory_space<semaphore_mem>>) src(%arg16 : memref<32x128xf32, #tpu.memory_space<vmem>>) dst(%dma_wait3A_110 : memref<32x128xf32, #tpu.memory_space<vmem_shared>>)
      tpu.yield
    }) : () -> ()
    %add3A_16 = arith.constant 64 : i32
    %add3A_17 = arith.addi %mul3A_6, %add3A_16 : i32
    "tpu.region"() ({
      %run_scoped3A = tpu.sem_alloc : memref<!tpu.dma_semaphore, #tpu.memory_space<semaphore_mem>>
      %dma_start3A = arith.constant 0 : i32
      %dma_start3A_105 = tpu.memref_slice %arg18[%add3A_17, %dma_start3A] : memref<10240x16xf32, #tpu.memory_space<vmem_shared>> -> memref<32x16xf32, #tpu.memory_space<vmem_shared>>
      %dma_start3A_106 = arith.constant 0 : i32
      %dma_start3A_107 = tpu.memref_slice %arg18[%add3A_17, %dma_start3A_106] : memref<10240x16xf32, #tpu.memory_space<vmem_shared>> -> memref<32x16xf32, #tpu.memory_space<vmem_shared>>
      tpu.enqueue_dma source(%arg17 : memref<32x16xf32, #tpu.memory_space<vmem>>) target(%dma_start3A_107 : memref<32x16xf32, #tpu.memory_space<vmem_shared>>) target_semaphore(%run_scoped3A : memref<!tpu.dma_semaphore, #tpu.memory_space<semaphore_mem>>)
      %dma_wait3A = arith.constant 0 : i32
      %dma_wait3A_108 = tpu.memref_slice %arg18[%add3A_17, %dma_wait3A] : memref<10240x16xf32, #tpu.memory_space<vmem_shared>> -> memref<32x16xf32, #tpu.memory_space<vmem_shared>>
      %dma_wait3A_109 = arith.constant 0 : i32
      %dma_wait3A_110 = tpu.memref_slice %arg18[%add3A_17, %dma_wait3A_109] : memref<10240x16xf32, #tpu.memory_space<vmem_shared>> -> memref<32x16xf32, #tpu.memory_space<vmem_shared>>
      tpu.wait_dma2 semaphore(%run_scoped3A : memref<!tpu.dma_semaphore, #tpu.memory_space<semaphore_mem>>) src(%arg17 : memref<32x16xf32, #tpu.memory_space<vmem>>) dst(%dma_wait3A_110 : memref<32x16xf32, #tpu.memory_space<vmem_shared>>)
      tpu.yield
    }) : () -> ()
    %add3A_18 = arith.constant 96 : i32
    %add3A_19 = arith.addi %mul3A_6, %add3A_18 : i32
    "tpu.region"() ({
      %run_scoped3A = tpu.sem_alloc : memref<!tpu.dma_semaphore, #tpu.memory_space<semaphore_mem>>
      %dma_start3A = arith.constant 0 : i32
      %dma_start3A_105 = tpu.memref_slice %arg19[%add3A_19, %dma_start3A] : memref<10240x128xf32, #tpu.memory_space<vmem_shared>> -> memref<32x128xf32, #tpu.memory_space<vmem_shared>>
      %dma_start3A_106 = arith.constant 0 : i32
      %dma_start3A_107 = tpu.memref_slice %arg19[%add3A_19, %dma_start3A_106] : memref<10240x128xf32, #tpu.memory_space<vmem_shared>> -> memref<32x128xf32, #tpu.memory_space<vmem_shared>>
      tpu.enqueue_dma source(%arg16 : memref<32x128xf32, #tpu.memory_space<vmem>>) target(%dma_start3A_107 : memref<32x128xf32, #tpu.memory_space<vmem_shared>>) target_semaphore(%run_scoped3A : memref<!tpu.dma_semaphore, #tpu.memory_space<semaphore_mem>>)
      %dma_wait3A = arith.constant 0 : i32
      %dma_wait3A_108 = tpu.memref_slice %arg19[%add3A_19, %dma_wait3A] : memref<10240x128xf32, #tpu.memory_space<vmem_shared>> -> memref<32x128xf32, #tpu.memory_space<vmem_shared>>
      %dma_wait3A_109 = arith.constant 0 : i32
      %dma_wait3A_110 = tpu.memref_slice %arg19[%add3A_19, %dma_wait3A_109] : memref<10240x128xf32, #tpu.memory_space<vmem_shared>> -> memref<32x128xf32, #tpu.memory_space<vmem_shared>>
      tpu.wait_dma2 semaphore(%run_scoped3A : memref<!tpu.dma_semaphore, #tpu.memory_space<semaphore_mem>>) src(%arg16 : memref<32x128xf32, #tpu.memory_space<vmem>>) dst(%dma_wait3A_110 : memref<32x128xf32, #tpu.memory_space<vmem_shared>>)
      tpu.yield
    }) : () -> ()
    %add3A_20 = arith.constant 96 : i32
    %add3A_21 = arith.addi %mul3A_6, %add3A_20 : i32
    "tpu.region"() ({
      %run_scoped3A = tpu.sem_alloc : memref<!tpu.dma_semaphore, #tpu.memory_space<semaphore_mem>>
      %dma_start3A = arith.constant 0 : i32
      %dma_start3A_105 = tpu.memref_slice %arg18[%add3A_21, %dma_start3A] : memref<10240x16xf32, #tpu.memory_space<vmem_shared>> -> memref<32x16xf32, #tpu.memory_space<vmem_shared>>
      %dma_start3A_106 = arith.constant 0 : i32
      %dma_start3A_107 = tpu.memref_slice %arg18[%add3A_21, %dma_start3A_106] : memref<10240x16xf32, #tpu.memory_space<vmem_shared>> -> memref<32x16xf32, #tpu.memory_space<vmem_shared>>
      tpu.enqueue_dma source(%arg17 : memref<32x16xf32, #tpu.memory_space<vmem>>) target(%dma_start3A_107 : memref<32x16xf32, #tpu.memory_space<vmem_shared>>) target_semaphore(%run_scoped3A : memref<!tpu.dma_semaphore, #tpu.memory_space<semaphore_mem>>)
      %dma_wait3A = arith.constant 0 : i32
      %dma_wait3A_108 = tpu.memref_slice %arg18[%add3A_21, %dma_wait3A] : memref<10240x16xf32, #tpu.memory_space<vmem_shared>> -> memref<32x16xf32, #tpu.memory_space<vmem_shared>>
      %dma_wait3A_109 = arith.constant 0 : i32
      %dma_wait3A_110 = tpu.memref_slice %arg18[%add3A_21, %dma_wait3A_109] : memref<10240x16xf32, #tpu.memory_space<vmem_shared>> -> memref<32x16xf32, #tpu.memory_space<vmem_shared>>
      tpu.wait_dma2 semaphore(%run_scoped3A : memref<!tpu.dma_semaphore, #tpu.memory_space<semaphore_mem>>) src(%arg17 : memref<32x16xf32, #tpu.memory_space<vmem>>) dst(%dma_wait3A_110 : memref<32x16xf32, #tpu.memory_space<vmem_shared>>)
      tpu.yield
    }) : () -> ()
    %add3A_22 = arith.constant 128 : i32
    %add3A_23 = arith.addi %mul3A_6, %add3A_22 : i32
    "tpu.region"() ({
      %run_scoped3A = tpu.sem_alloc : memref<!tpu.dma_semaphore, #tpu.memory_space<semaphore_mem>>
      %dma_start3A = arith.constant 0 : i32
      %dma_start3A_105 = tpu.memref_slice %arg19[%add3A_23, %dma_start3A] : memref<10240x128xf32, #tpu.memory_space<vmem_shared>> -> memref<32x128xf32, #tpu.memory_space<vmem_shared>>
      %dma_start3A_106 = arith.constant 0 : i32
      %dma_start3A_107 = tpu.memref_slice %arg19[%add3A_23, %dma_start3A_106] : memref<10240x128xf32, #tpu.memory_space<vmem_shared>> -> memref<32x128xf32, #tpu.memory_space<vmem_shared>>
      tpu.enqueue_dma source(%arg16 : memref<32x128xf32, #tpu.memory_space<vmem>>) target(%dma_start3A_107 : memref<32x128xf32, #tpu.memory_space<vmem_shared>>) target_semaphore(%run_scoped3A : memref<!tpu.dma_semaphore, #tpu.memory_space<semaphore_mem>>)
      %dma_wait3A = arith.constant 0 : i32
      %dma_wait3A_108 = tpu.memref_slice %arg19[%add3A_23, %dma_wait3A] : memref<10240x128xf32, #tpu.memory_space<vmem_shared>> -> memref<32x128xf32, #tpu.memory_space<vmem_shared>>
      %dma_wait3A_109 = arith.constant 0 : i32
      %dma_wait3A_110 = tpu.memref_slice %arg19[%add3A_23, %dma_wait3A_109] : memref<10240x128xf32, #tpu.memory_space<vmem_shared>> -> memref<32x128xf32, #tpu.memory_space<vmem_shared>>
      tpu.wait_dma2 semaphore(%run_scoped3A : memref<!tpu.dma_semaphore, #tpu.memory_space<semaphore_mem>>) src(%arg16 : memref<32x128xf32, #tpu.memory_space<vmem>>) dst(%dma_wait3A_110 : memref<32x128xf32, #tpu.memory_space<vmem_shared>>)
      tpu.yield
    }) : () -> ()
    %add3A_24 = arith.constant 128 : i32
    %add3A_25 = arith.addi %mul3A_6, %add3A_24 : i32
    "tpu.region"() ({
      %run_scoped3A = tpu.sem_alloc : memref<!tpu.dma_semaphore, #tpu.memory_space<semaphore_mem>>
      %dma_start3A = arith.constant 0 : i32
      %dma_start3A_105 = tpu.memref_slice %arg18[%add3A_25, %dma_start3A] : memref<10240x16xf32, #tpu.memory_space<vmem_shared>> -> memref<32x16xf32, #tpu.memory_space<vmem_shared>>
      %dma_start3A_106 = arith.constant 0 : i32
      %dma_start3A_107 = tpu.memref_slice %arg18[%add3A_25, %dma_start3A_106] : memref<10240x16xf32, #tpu.memory_space<vmem_shared>> -> memref<32x16xf32, #tpu.memory_space<vmem_shared>>
      tpu.enqueue_dma source(%arg17 : memref<32x16xf32, #tpu.memory_space<vmem>>) target(%dma_start3A_107 : memref<32x16xf32, #tpu.memory_space<vmem_shared>>) target_semaphore(%run_scoped3A : memref<!tpu.dma_semaphore, #tpu.memory_space<semaphore_mem>>)
      %dma_wait3A = arith.constant 0 : i32
      %dma_wait3A_108 = tpu.memref_slice %arg18[%add3A_25, %dma_wait3A] : memref<10240x16xf32, #tpu.memory_space<vmem_shared>> -> memref<32x16xf32, #tpu.memory_space<vmem_shared>>
      %dma_wait3A_109 = arith.constant 0 : i32
      %dma_wait3A_110 = tpu.memref_slice %arg18[%add3A_25, %dma_wait3A_109] : memref<10240x16xf32, #tpu.memory_space<vmem_shared>> -> memref<32x16xf32, #tpu.memory_space<vmem_shared>>
      tpu.wait_dma2 semaphore(%run_scoped3A : memref<!tpu.dma_semaphore, #tpu.memory_space<semaphore_mem>>) src(%arg17 : memref<32x16xf32, #tpu.memory_space<vmem>>) dst(%dma_wait3A_110 : memref<32x16xf32, #tpu.memory_space<vmem_shared>>)
      tpu.yield
    }) : () -> ()
    %add3A_26 = arith.constant 160 : i32
    %add3A_27 = arith.addi %mul3A_6, %add3A_26 : i32
    "tpu.region"() ({
      %run_scoped3A = tpu.sem_alloc : memref<!tpu.dma_semaphore, #tpu.memory_space<semaphore_mem>>
      %dma_start3A = arith.constant 0 : i32
      %dma_start3A_105 = tpu.memref_slice %arg19[%add3A_27, %dma_start3A] : memref<10240x128xf32, #tpu.memory_space<vmem_shared>> -> memref<32x128xf32, #tpu.memory_space<vmem_shared>>
      %dma_start3A_106 = arith.constant 0 : i32
      %dma_start3A_107 = tpu.memref_slice %arg19[%add3A_27, %dma_start3A_106] : memref<10240x128xf32, #tpu.memory_space<vmem_shared>> -> memref<32x128xf32, #tpu.memory_space<vmem_shared>>
      tpu.enqueue_dma source(%arg16 : memref<32x128xf32, #tpu.memory_space<vmem>>) target(%dma_start3A_107 : memref<32x128xf32, #tpu.memory_space<vmem_shared>>) target_semaphore(%run_scoped3A : memref<!tpu.dma_semaphore, #tpu.memory_space<semaphore_mem>>)
      %dma_wait3A = arith.constant 0 : i32
      %dma_wait3A_108 = tpu.memref_slice %arg19[%add3A_27, %dma_wait3A] : memref<10240x128xf32, #tpu.memory_space<vmem_shared>> -> memref<32x128xf32, #tpu.memory_space<vmem_shared>>
      %dma_wait3A_109 = arith.constant 0 : i32
      %dma_wait3A_110 = tpu.memref_slice %arg19[%add3A_27, %dma_wait3A_109] : memref<10240x128xf32, #tpu.memory_space<vmem_shared>> -> memref<32x128xf32, #tpu.memory_space<vmem_shared>>
      tpu.wait_dma2 semaphore(%run_scoped3A : memref<!tpu.dma_semaphore, #tpu.memory_space<semaphore_mem>>) src(%arg16 : memref<32x128xf32, #tpu.memory_space<vmem>>) dst(%dma_wait3A_110 : memref<32x128xf32, #tpu.memory_space<vmem_shared>>)
      tpu.yield
    }) : () -> ()
    %add3A_28 = arith.constant 160 : i32
    %add3A_29 = arith.addi %mul3A_6, %add3A_28 : i32
    "tpu.region"() ({
      %run_scoped3A = tpu.sem_alloc : memref<!tpu.dma_semaphore, #tpu.memory_space<semaphore_mem>>
      %dma_start3A = arith.constant 0 : i32
      %dma_start3A_105 = tpu.memref_slice %arg18[%add3A_29, %dma_start3A] : memref<10240x16xf32, #tpu.memory_space<vmem_shared>> -> memref<32x16xf32, #tpu.memory_space<vmem_shared>>
      %dma_start3A_106 = arith.constant 0 : i32
      %dma_start3A_107 = tpu.memref_slice %arg18[%add3A_29, %dma_start3A_106] : memref<10240x16xf32, #tpu.memory_space<vmem_shared>> -> memref<32x16xf32, #tpu.memory_space<vmem_shared>>
      tpu.enqueue_dma source(%arg17 : memref<32x16xf32, #tpu.memory_space<vmem>>) target(%dma_start3A_107 : memref<32x16xf32, #tpu.memory_space<vmem_shared>>) target_semaphore(%run_scoped3A : memref<!tpu.dma_semaphore, #tpu.memory_space<semaphore_mem>>)
      %dma_wait3A = arith.constant 0 : i32
      %dma_wait3A_108 = tpu.memref_slice %arg18[%add3A_29, %dma_wait3A] : memref<10240x16xf32, #tpu.memory_space<vmem_shared>> -> memref<32x16xf32, #tpu.memory_space<vmem_shared>>
      %dma_wait3A_109 = arith.constant 0 : i32
      %dma_wait3A_110 = tpu.memref_slice %arg18[%add3A_29, %dma_wait3A_109] : memref<10240x16xf32, #tpu.memory_space<vmem_shared>> -> memref<32x16xf32, #tpu.memory_space<vmem_shared>>
      tpu.wait_dma2 semaphore(%run_scoped3A : memref<!tpu.dma_semaphore, #tpu.memory_space<semaphore_mem>>) src(%arg17 : memref<32x16xf32, #tpu.memory_space<vmem>>) dst(%dma_wait3A_110 : memref<32x16xf32, #tpu.memory_space<vmem_shared>>)
      tpu.yield
    }) : () -> ()
    %add3A_30 = arith.constant 192 : i32
    %add3A_31 = arith.addi %mul3A_6, %add3A_30 : i32
    "tpu.region"() ({
      %run_scoped3A = tpu.sem_alloc : memref<!tpu.dma_semaphore, #tpu.memory_space<semaphore_mem>>
      %dma_start3A = arith.constant 0 : i32
      %dma_start3A_105 = tpu.memref_slice %arg19[%add3A_31, %dma_start3A] : memref<10240x128xf32, #tpu.memory_space<vmem_shared>> -> memref<32x128xf32, #tpu.memory_space<vmem_shared>>
      %dma_start3A_106 = arith.constant 0 : i32
      %dma_start3A_107 = tpu.memref_slice %arg19[%add3A_31, %dma_start3A_106] : memref<10240x128xf32, #tpu.memory_space<vmem_shared>> -> memref<32x128xf32, #tpu.memory_space<vmem_shared>>
      tpu.enqueue_dma source(%arg16 : memref<32x128xf32, #tpu.memory_space<vmem>>) target(%dma_start3A_107 : memref<32x128xf32, #tpu.memory_space<vmem_shared>>) target_semaphore(%run_scoped3A : memref<!tpu.dma_semaphore, #tpu.memory_space<semaphore_mem>>)
      %dma_wait3A = arith.constant 0 : i32
      %dma_wait3A_108 = tpu.memref_slice %arg19[%add3A_31, %dma_wait3A] : memref<10240x128xf32, #tpu.memory_space<vmem_shared>> -> memref<32x128xf32, #tpu.memory_space<vmem_shared>>
      %dma_wait3A_109 = arith.constant 0 : i32
      %dma_wait3A_110 = tpu.memref_slice %arg19[%add3A_31, %dma_wait3A_109] : memref<10240x128xf32, #tpu.memory_space<vmem_shared>> -> memref<32x128xf32, #tpu.memory_space<vmem_shared>>
      tpu.wait_dma2 semaphore(%run_scoped3A : memref<!tpu.dma_semaphore, #tpu.memory_space<semaphore_mem>>) src(%arg16 : memref<32x128xf32, #tpu.memory_space<vmem>>) dst(%dma_wait3A_110 : memref<32x128xf32, #tpu.memory_space<vmem_shared>>)
      tpu.yield
    }) : () -> ()
    %add3A_32 = arith.constant 192 : i32
    %add3A_33 = arith.addi %mul3A_6, %add3A_32 : i32
    "tpu.region"() ({
      %run_scoped3A = tpu.sem_alloc : memref<!tpu.dma_semaphore, #tpu.memory_space<semaphore_mem>>
      %dma_start3A = arith.constant 0 : i32
      %dma_start3A_105 = tpu.memref_slice %arg18[%add3A_33, %dma_start3A] : memref<10240x16xf32, #tpu.memory_space<vmem_shared>> -> memref<32x16xf32, #tpu.memory_space<vmem_shared>>
      %dma_start3A_106 = arith.constant 0 : i32
      %dma_start3A_107 = tpu.memref_slice %arg18[%add3A_33, %dma_start3A_106] : memref<10240x16xf32, #tpu.memory_space<vmem_shared>> -> memref<32x16xf32, #tpu.memory_space<vmem_shared>>
      tpu.enqueue_dma source(%arg17 : memref<32x16xf32, #tpu.memory_space<vmem>>) target(%dma_start3A_107 : memref<32x16xf32, #tpu.memory_space<vmem_shared>>) target_semaphore(%run_scoped3A : memref<!tpu.dma_semaphore, #tpu.memory_space<semaphore_mem>>)
      %dma_wait3A = arith.constant 0 : i32
      %dma_wait3A_108 = tpu.memref_slice %arg18[%add3A_33, %dma_wait3A] : memref<10240x16xf32, #tpu.memory_space<vmem_shared>> -> memref<32x16xf32, #tpu.memory_space<vmem_shared>>
      %dma_wait3A_109 = arith.constant 0 : i32
      %dma_wait3A_110 = tpu.memref_slice %arg18[%add3A_33, %dma_wait3A_109] : memref<10240x16xf32, #tpu.memory_space<vmem_shared>> -> memref<32x16xf32, #tpu.memory_space<vmem_shared>>
      tpu.wait_dma2 semaphore(%run_scoped3A : memref<!tpu.dma_semaphore, #tpu.memory_space<semaphore_mem>>) src(%arg17 : memref<32x16xf32, #tpu.memory_space<vmem>>) dst(%dma_wait3A_110 : memref<32x16xf32, #tpu.memory_space<vmem_shared>>)
      tpu.yield
    }) : () -> ()
    %add3A_34 = arith.constant 224 : i32
    %add3A_35 = arith.addi %mul3A_6, %add3A_34 : i32
    "tpu.region"() ({
      %run_scoped3A = tpu.sem_alloc : memref<!tpu.dma_semaphore, #tpu.memory_space<semaphore_mem>>
      %dma_start3A = arith.constant 0 : i32
      %dma_start3A_105 = tpu.memref_slice %arg19[%add3A_35, %dma_start3A] : memref<10240x128xf32, #tpu.memory_space<vmem_shared>> -> memref<32x128xf32, #tpu.memory_space<vmem_shared>>
      %dma_start3A_106 = arith.constant 0 : i32
      %dma_start3A_107 = tpu.memref_slice %arg19[%add3A_35, %dma_start3A_106] : memref<10240x128xf32, #tpu.memory_space<vmem_shared>> -> memref<32x128xf32, #tpu.memory_space<vmem_shared>>
      tpu.enqueue_dma source(%arg16 : memref<32x128xf32, #tpu.memory_space<vmem>>) target(%dma_start3A_107 : memref<32x128xf32, #tpu.memory_space<vmem_shared>>) target_semaphore(%run_scoped3A : memref<!tpu.dma_semaphore, #tpu.memory_space<semaphore_mem>>)
      %dma_wait3A = arith.constant 0 : i32
      %dma_wait3A_108 = tpu.memref_slice %arg19[%add3A_35, %dma_wait3A] : memref<10240x128xf32, #tpu.memory_space<vmem_shared>> -> memref<32x128xf32, #tpu.memory_space<vmem_shared>>
      %dma_wait3A_109 = arith.constant 0 : i32
      %dma_wait3A_110 = tpu.memref_slice %arg19[%add3A_35, %dma_wait3A_109] : memref<10240x128xf32, #tpu.memory_space<vmem_shared>> -> memref<32x128xf32, #tpu.memory_space<vmem_shared>>
      tpu.wait_dma2 semaphore(%run_scoped3A : memref<!tpu.dma_semaphore, #tpu.memory_space<semaphore_mem>>) src(%arg16 : memref<32x128xf32, #tpu.memory_space<vmem>>) dst(%dma_wait3A_110 : memref<32x128xf32, #tpu.memory_space<vmem_shared>>)
      tpu.yield
    }) : () -> ()
    %add3A_36 = arith.constant 224 : i32
    %add3A_37 = arith.addi %mul3A_6, %add3A_36 : i32
    "tpu.region"() ({
      %run_scoped3A = tpu.sem_alloc : memref<!tpu.dma_semaphore, #tpu.memory_space<semaphore_mem>>
      %dma_start3A = arith.constant 0 : i32
      %dma_start3A_105 = tpu.memref_slice %arg18[%add3A_37, %dma_start3A] : memref<10240x16xf32, #tpu.memory_space<vmem_shared>> -> memref<32x16xf32, #tpu.memory_space<vmem_shared>>
      %dma_start3A_106 = arith.constant 0 : i32
      %dma_start3A_107 = tpu.memref_slice %arg18[%add3A_37, %dma_start3A_106] : memref<10240x16xf32, #tpu.memory_space<vmem_shared>> -> memref<32x16xf32, #tpu.memory_space<vmem_shared>>
      tpu.enqueue_dma source(%arg17 : memref<32x16xf32, #tpu.memory_space<vmem>>) target(%dma_start3A_107 : memref<32x16xf32, #tpu.memory_space<vmem_shared>>) target_semaphore(%run_scoped3A : memref<!tpu.dma_semaphore, #tpu.memory_space<semaphore_mem>>)
      %dma_wait3A = arith.constant 0 : i32
      %dma_wait3A_108 = tpu.memref_slice %arg18[%add3A_37, %dma_wait3A] : memref<10240x16xf32, #tpu.memory_space<vmem_shared>> -> memref<32x16xf32, #tpu.memory_space<vmem_shared>>
      %dma_wait3A_109 = arith.constant 0 : i32
      %dma_wait3A_110 = tpu.memref_slice %arg18[%add3A_37, %dma_wait3A_109] : memref<10240x16xf32, #tpu.memory_space<vmem_shared>> -> memref<32x16xf32, #tpu.memory_space<vmem_shared>>
      tpu.wait_dma2 semaphore(%run_scoped3A : memref<!tpu.dma_semaphore, #tpu.memory_space<semaphore_mem>>) src(%arg17 : memref<32x16xf32, #tpu.memory_space<vmem>>) dst(%dma_wait3A_110 : memref<32x16xf32, #tpu.memory_space<vmem_shared>>)
      tpu.yield
    }) : () -> ()
    %add3A_38 = arith.constant 256 : i32
    %add3A_39 = arith.addi %mul3A_6, %add3A_38 : i32
    "tpu.region"() ({
      %run_scoped3A = tpu.sem_alloc : memref<!tpu.dma_semaphore, #tpu.memory_space<semaphore_mem>>
      %dma_start3A = arith.constant 0 : i32
      %dma_start3A_105 = tpu.memref_slice %arg19[%add3A_39, %dma_start3A] : memref<10240x128xf32, #tpu.memory_space<vmem_shared>> -> memref<32x128xf32, #tpu.memory_space<vmem_shared>>
      %dma_start3A_106 = arith.constant 0 : i32
      %dma_start3A_107 = tpu.memref_slice %arg19[%add3A_39, %dma_start3A_106] : memref<10240x128xf32, #tpu.memory_space<vmem_shared>> -> memref<32x128xf32, #tpu.memory_space<vmem_shared>>
      tpu.enqueue_dma source(%arg16 : memref<32x128xf32, #tpu.memory_space<vmem>>) target(%dma_start3A_107 : memref<32x128xf32, #tpu.memory_space<vmem_shared>>) target_semaphore(%run_scoped3A : memref<!tpu.dma_semaphore, #tpu.memory_space<semaphore_mem>>)
      %dma_wait3A = arith.constant 0 : i32
      %dma_wait3A_108 = tpu.memref_slice %arg19[%add3A_39, %dma_wait3A] : memref<10240x128xf32, #tpu.memory_space<vmem_shared>> -> memref<32x128xf32, #tpu.memory_space<vmem_shared>>
      %dma_wait3A_109 = arith.constant 0 : i32
      %dma_wait3A_110 = tpu.memref_slice %arg19[%add3A_39, %dma_wait3A_109] : memref<10240x128xf32, #tpu.memory_space<vmem_shared>> -> memref<32x128xf32, #tpu.memory_space<vmem_shared>>
      tpu.wait_dma2 semaphore(%run_scoped3A : memref<!tpu.dma_semaphore, #tpu.memory_space<semaphore_mem>>) src(%arg16 : memref<32x128xf32, #tpu.memory_space<vmem>>) dst(%dma_wait3A_110 : memref<32x128xf32, #tpu.memory_space<vmem_shared>>)
      tpu.yield
    }) : () -> ()
    %add3A_40 = arith.constant 256 : i32
    %add3A_41 = arith.addi %mul3A_6, %add3A_40 : i32
    "tpu.region"() ({
      %run_scoped3A = tpu.sem_alloc : memref<!tpu.dma_semaphore, #tpu.memory_space<semaphore_mem>>
      %dma_start3A = arith.constant 0 : i32
      %dma_start3A_105 = tpu.memref_slice %arg18[%add3A_41, %dma_start3A] : memref<10240x16xf32, #tpu.memory_space<vmem_shared>> -> memref<32x16xf32, #tpu.memory_space<vmem_shared>>
      %dma_start3A_106 = arith.constant 0 : i32
      %dma_start3A_107 = tpu.memref_slice %arg18[%add3A_41, %dma_start3A_106] : memref<10240x16xf32, #tpu.memory_space<vmem_shared>> -> memref<32x16xf32, #tpu.memory_space<vmem_shared>>
      tpu.enqueue_dma source(%arg17 : memref<32x16xf32, #tpu.memory_space<vmem>>) target(%dma_start3A_107 : memref<32x16xf32, #tpu.memory_space<vmem_shared>>) target_semaphore(%run_scoped3A : memref<!tpu.dma_semaphore, #tpu.memory_space<semaphore_mem>>)
      %dma_wait3A = arith.constant 0 : i32
      %dma_wait3A_108 = tpu.memref_slice %arg18[%add3A_41, %dma_wait3A] : memref<10240x16xf32, #tpu.memory_space<vmem_shared>> -> memref<32x16xf32, #tpu.memory_space<vmem_shared>>
      %dma_wait3A_109 = arith.constant 0 : i32
      %dma_wait3A_110 = tpu.memref_slice %arg18[%add3A_41, %dma_wait3A_109] : memref<10240x16xf32, #tpu.memory_space<vmem_shared>> -> memref<32x16xf32, #tpu.memory_space<vmem_shared>>
      tpu.wait_dma2 semaphore(%run_scoped3A : memref<!tpu.dma_semaphore, #tpu.memory_space<semaphore_mem>>) src(%arg17 : memref<32x16xf32, #tpu.memory_space<vmem>>) dst(%dma_wait3A_110 : memref<32x16xf32, #tpu.memory_space<vmem_shared>>)
      tpu.yield
    }) : () -> ()
    %add3A_42 = arith.constant 288 : i32
    %add3A_43 = arith.addi %mul3A_6, %add3A_42 : i32
    "tpu.region"() ({
      %run_scoped3A = tpu.sem_alloc : memref<!tpu.dma_semaphore, #tpu.memory_space<semaphore_mem>>
      %dma_start3A = arith.constant 0 : i32
      %dma_start3A_105 = tpu.memref_slice %arg19[%add3A_43, %dma_start3A] : memref<10240x128xf32, #tpu.memory_space<vmem_shared>> -> memref<32x128xf32, #tpu.memory_space<vmem_shared>>
      %dma_start3A_106 = arith.constant 0 : i32
      %dma_start3A_107 = tpu.memref_slice %arg19[%add3A_43, %dma_start3A_106] : memref<10240x128xf32, #tpu.memory_space<vmem_shared>> -> memref<32x128xf32, #tpu.memory_space<vmem_shared>>
      tpu.enqueue_dma source(%arg16 : memref<32x128xf32, #tpu.memory_space<vmem>>) target(%dma_start3A_107 : memref<32x128xf32, #tpu.memory_space<vmem_shared>>) target_semaphore(%run_scoped3A : memref<!tpu.dma_semaphore, #tpu.memory_space<semaphore_mem>>)
      %dma_wait3A = arith.constant 0 : i32
      %dma_wait3A_108 = tpu.memref_slice %arg19[%add3A_43, %dma_wait3A] : memref<10240x128xf32, #tpu.memory_space<vmem_shared>> -> memref<32x128xf32, #tpu.memory_space<vmem_shared>>
      %dma_wait3A_109 = arith.constant 0 : i32
      %dma_wait3A_110 = tpu.memref_slice %arg19[%add3A_43, %dma_wait3A_109] : memref<10240x128xf32, #tpu.memory_space<vmem_shared>> -> memref<32x128xf32, #tpu.memory_space<vmem_shared>>
      tpu.wait_dma2 semaphore(%run_scoped3A : memref<!tpu.dma_semaphore, #tpu.memory_space<semaphore_mem>>) src(%arg16 : memref<32x128xf32, #tpu.memory_space<vmem>>) dst(%dma_wait3A_110 : memref<32x128xf32, #tpu.memory_space<vmem_shared>>)
      tpu.yield
    }) : () -> ()
    %add3A_44 = arith.constant 288 : i32
    %add3A_45 = arith.addi %mul3A_6, %add3A_44 : i32
    "tpu.region"() ({
      %run_scoped3A = tpu.sem_alloc : memref<!tpu.dma_semaphore, #tpu.memory_space<semaphore_mem>>
      %dma_start3A = arith.constant 0 : i32
      %dma_start3A_105 = tpu.memref_slice %arg18[%add3A_45, %dma_start3A] : memref<10240x16xf32, #tpu.memory_space<vmem_shared>> -> memref<32x16xf32, #tpu.memory_space<vmem_shared>>
      %dma_start3A_106 = arith.constant 0 : i32
      %dma_start3A_107 = tpu.memref_slice %arg18[%add3A_45, %dma_start3A_106] : memref<10240x16xf32, #tpu.memory_space<vmem_shared>> -> memref<32x16xf32, #tpu.memory_space<vmem_shared>>
      tpu.enqueue_dma source(%arg17 : memref<32x16xf32, #tpu.memory_space<vmem>>) target(%dma_start3A_107 : memref<32x16xf32, #tpu.memory_space<vmem_shared>>) target_semaphore(%run_scoped3A : memref<!tpu.dma_semaphore, #tpu.memory_space<semaphore_mem>>)
      %dma_wait3A = arith.constant 0 : i32
      %dma_wait3A_108 = tpu.memref_slice %arg18[%add3A_45, %dma_wait3A] : memref<10240x16xf32, #tpu.memory_space<vmem_shared>> -> memref<32x16xf32, #tpu.memory_space<vmem_shared>>
      %dma_wait3A_109 = arith.constant 0 : i32
      %dma_wait3A_110 = tpu.memref_slice %arg18[%add3A_45, %dma_wait3A_109] : memref<10240x16xf32, #tpu.memory_space<vmem_shared>> -> memref<32x16xf32, #tpu.memory_space<vmem_shared>>
      tpu.wait_dma2 semaphore(%run_scoped3A : memref<!tpu.dma_semaphore, #tpu.memory_space<semaphore_mem>>) src(%arg17 : memref<32x16xf32, #tpu.memory_space<vmem>>) dst(%dma_wait3A_110 : memref<32x16xf32, #tpu.memory_space<vmem_shared>>)
      tpu.yield
    }) : () -> ()
    %add3A_46 = arith.constant 320 : i32
    %add3A_47 = arith.addi %mul3A_6, %add3A_46 : i32
    "tpu.region"() ({
      %run_scoped3A = tpu.sem_alloc : memref<!tpu.dma_semaphore, #tpu.memory_space<semaphore_mem>>
      %dma_start3A = arith.constant 0 : i32
      %dma_start3A_105 = tpu.memref_slice %arg19[%add3A_47, %dma_start3A] : memref<10240x128xf32, #tpu.memory_space<vmem_shared>> -> memref<32x128xf32, #tpu.memory_space<vmem_shared>>
      %dma_start3A_106 = arith.constant 0 : i32
      %dma_start3A_107 = tpu.memref_slice %arg19[%add3A_47, %dma_start3A_106] : memref<10240x128xf32, #tpu.memory_space<vmem_shared>> -> memref<32x128xf32, #tpu.memory_space<vmem_shared>>
      tpu.enqueue_dma source(%arg16 : memref<32x128xf32, #tpu.memory_space<vmem>>) target(%dma_start3A_107 : memref<32x128xf32, #tpu.memory_space<vmem_shared>>) target_semaphore(%run_scoped3A : memref<!tpu.dma_semaphore, #tpu.memory_space<semaphore_mem>>)
      %dma_wait3A = arith.constant 0 : i32
      %dma_wait3A_108 = tpu.memref_slice %arg19[%add3A_47, %dma_wait3A] : memref<10240x128xf32, #tpu.memory_space<vmem_shared>> -> memref<32x128xf32, #tpu.memory_space<vmem_shared>>
      %dma_wait3A_109 = arith.constant 0 : i32
      %dma_wait3A_110 = tpu.memref_slice %arg19[%add3A_47, %dma_wait3A_109] : memref<10240x128xf32, #tpu.memory_space<vmem_shared>> -> memref<32x128xf32, #tpu.memory_space<vmem_shared>>
      tpu.wait_dma2 semaphore(%run_scoped3A : memref<!tpu.dma_semaphore, #tpu.memory_space<semaphore_mem>>) src(%arg16 : memref<32x128xf32, #tpu.memory_space<vmem>>) dst(%dma_wait3A_110 : memref<32x128xf32, #tpu.memory_space<vmem_shared>>)
      tpu.yield
    }) : () -> ()
    %add3A_48 = arith.constant 320 : i32
    %add3A_49 = arith.addi %mul3A_6, %add3A_48 : i32
    "tpu.region"() ({
      %run_scoped3A = tpu.sem_alloc : memref<!tpu.dma_semaphore, #tpu.memory_space<semaphore_mem>>
      %dma_start3A = arith.constant 0 : i32
      %dma_start3A_105 = tpu.memref_slice %arg18[%add3A_49, %dma_start3A] : memref<10240x16xf32, #tpu.memory_space<vmem_shared>> -> memref<32x16xf32, #tpu.memory_space<vmem_shared>>
      %dma_start3A_106 = arith.constant 0 : i32
      %dma_start3A_107 = tpu.memref_slice %arg18[%add3A_49, %dma_start3A_106] : memref<10240x16xf32, #tpu.memory_space<vmem_shared>> -> memref<32x16xf32, #tpu.memory_space<vmem_shared>>
      tpu.enqueue_dma source(%arg17 : memref<32x16xf32, #tpu.memory_space<vmem>>) target(%dma_start3A_107 : memref<32x16xf32, #tpu.memory_space<vmem_shared>>) target_semaphore(%run_scoped3A : memref<!tpu.dma_semaphore, #tpu.memory_space<semaphore_mem>>)
      %dma_wait3A = arith.constant 0 : i32
      %dma_wait3A_108 = tpu.memref_slice %arg18[%add3A_49, %dma_wait3A] : memref<10240x16xf32, #tpu.memory_space<vmem_shared>> -> memref<32x16xf32, #tpu.memory_space<vmem_shared>>
      %dma_wait3A_109 = arith.constant 0 : i32
      %dma_wait3A_110 = tpu.memref_slice %arg18[%add3A_49, %dma_wait3A_109] : memref<10240x16xf32, #tpu.memory_space<vmem_shared>> -> memref<32x16xf32, #tpu.memory_space<vmem_shared>>
      tpu.wait_dma2 semaphore(%run_scoped3A : memref<!tpu.dma_semaphore, #tpu.memory_space<semaphore_mem>>) src(%arg17 : memref<32x16xf32, #tpu.memory_space<vmem>>) dst(%dma_wait3A_110 : memref<32x16xf32, #tpu.memory_space<vmem_shared>>)
      tpu.yield
    }) : () -> ()
    %add3A_50 = arith.constant 352 : i32
    %add3A_51 = arith.addi %mul3A_6, %add3A_50 : i32
    "tpu.region"() ({
      %run_scoped3A = tpu.sem_alloc : memref<!tpu.dma_semaphore, #tpu.memory_space<semaphore_mem>>
      %dma_start3A = arith.constant 0 : i32
      %dma_start3A_105 = tpu.memref_slice %arg19[%add3A_51, %dma_start3A] : memref<10240x128xf32, #tpu.memory_space<vmem_shared>> -> memref<32x128xf32, #tpu.memory_space<vmem_shared>>
      %dma_start3A_106 = arith.constant 0 : i32
      %dma_start3A_107 = tpu.memref_slice %arg19[%add3A_51, %dma_start3A_106] : memref<10240x128xf32, #tpu.memory_space<vmem_shared>> -> memref<32x128xf32, #tpu.memory_space<vmem_shared>>
      tpu.enqueue_dma source(%arg16 : memref<32x128xf32, #tpu.memory_space<vmem>>) target(%dma_start3A_107 : memref<32x128xf32, #tpu.memory_space<vmem_shared>>) target_semaphore(%run_scoped3A : memref<!tpu.dma_semaphore, #tpu.memory_space<semaphore_mem>>)
      %dma_wait3A = arith.constant 0 : i32
      %dma_wait3A_108 = tpu.memref_slice %arg19[%add3A_51, %dma_wait3A] : memref<10240x128xf32, #tpu.memory_space<vmem_shared>> -> memref<32x128xf32, #tpu.memory_space<vmem_shared>>
      %dma_wait3A_109 = arith.constant 0 : i32
      %dma_wait3A_110 = tpu.memref_slice %arg19[%add3A_51, %dma_wait3A_109] : memref<10240x128xf32, #tpu.memory_space<vmem_shared>> -> memref<32x128xf32, #tpu.memory_space<vmem_shared>>
      tpu.wait_dma2 semaphore(%run_scoped3A : memref<!tpu.dma_semaphore, #tpu.memory_space<semaphore_mem>>) src(%arg16 : memref<32x128xf32, #tpu.memory_space<vmem>>) dst(%dma_wait3A_110 : memref<32x128xf32, #tpu.memory_space<vmem_shared>>)
      tpu.yield
    }) : () -> ()
    %add3A_52 = arith.constant 352 : i32
    %add3A_53 = arith.addi %mul3A_6, %add3A_52 : i32
    "tpu.region"() ({
      %run_scoped3A = tpu.sem_alloc : memref<!tpu.dma_semaphore, #tpu.memory_space<semaphore_mem>>
      %dma_start3A = arith.constant 0 : i32
      %dma_start3A_105 = tpu.memref_slice %arg18[%add3A_53, %dma_start3A] : memref<10240x16xf32, #tpu.memory_space<vmem_shared>> -> memref<32x16xf32, #tpu.memory_space<vmem_shared>>
      %dma_start3A_106 = arith.constant 0 : i32
      %dma_start3A_107 = tpu.memref_slice %arg18[%add3A_53, %dma_start3A_106] : memref<10240x16xf32, #tpu.memory_space<vmem_shared>> -> memref<32x16xf32, #tpu.memory_space<vmem_shared>>
      tpu.enqueue_dma source(%arg17 : memref<32x16xf32, #tpu.memory_space<vmem>>) target(%dma_start3A_107 : memref<32x16xf32, #tpu.memory_space<vmem_shared>>) target_semaphore(%run_scoped3A : memref<!tpu.dma_semaphore, #tpu.memory_space<semaphore_mem>>)
      %dma_wait3A = arith.constant 0 : i32
      %dma_wait3A_108 = tpu.memref_slice %arg18[%add3A_53, %dma_wait3A] : memref<10240x16xf32, #tpu.memory_space<vmem_shared>> -> memref<32x16xf32, #tpu.memory_space<vmem_shared>>
      %dma_wait3A_109 = arith.constant 0 : i32
      %dma_wait3A_110 = tpu.memref_slice %arg18[%add3A_53, %dma_wait3A_109] : memref<10240x16xf32, #tpu.memory_space<vmem_shared>> -> memref<32x16xf32, #tpu.memory_space<vmem_shared>>
      tpu.wait_dma2 semaphore(%run_scoped3A : memref<!tpu.dma_semaphore, #tpu.memory_space<semaphore_mem>>) src(%arg17 : memref<32x16xf32, #tpu.memory_space<vmem>>) dst(%dma_wait3A_110 : memref<32x16xf32, #tpu.memory_space<vmem_shared>>)
      tpu.yield
    }) : () -> ()
    %add3A_54 = arith.constant 384 : i32
    %add3A_55 = arith.addi %mul3A_6, %add3A_54 : i32
    "tpu.region"() ({
      %run_scoped3A = tpu.sem_alloc : memref<!tpu.dma_semaphore, #tpu.memory_space<semaphore_mem>>
      %dma_start3A = arith.constant 0 : i32
      %dma_start3A_105 = tpu.memref_slice %arg19[%add3A_55, %dma_start3A] : memref<10240x128xf32, #tpu.memory_space<vmem_shared>> -> memref<32x128xf32, #tpu.memory_space<vmem_shared>>
      %dma_start3A_106 = arith.constant 0 : i32
      %dma_start3A_107 = tpu.memref_slice %arg19[%add3A_55, %dma_start3A_106] : memref<10240x128xf32, #tpu.memory_space<vmem_shared>> -> memref<32x128xf32, #tpu.memory_space<vmem_shared>>
      tpu.enqueue_dma source(%arg16 : memref<32x128xf32, #tpu.memory_space<vmem>>) target(%dma_start3A_107 : memref<32x128xf32, #tpu.memory_space<vmem_shared>>) target_semaphore(%run_scoped3A : memref<!tpu.dma_semaphore, #tpu.memory_space<semaphore_mem>>)
      %dma_wait3A = arith.constant 0 : i32
      %dma_wait3A_108 = tpu.memref_slice %arg19[%add3A_55, %dma_wait3A] : memref<10240x128xf32, #tpu.memory_space<vmem_shared>> -> memref<32x128xf32, #tpu.memory_space<vmem_shared>>
      %dma_wait3A_109 = arith.constant 0 : i32
      %dma_wait3A_110 = tpu.memref_slice %arg19[%add3A_55, %dma_wait3A_109] : memref<10240x128xf32, #tpu.memory_space<vmem_shared>> -> memref<32x128xf32, #tpu.memory_space<vmem_shared>>
      tpu.wait_dma2 semaphore(%run_scoped3A : memref<!tpu.dma_semaphore, #tpu.memory_space<semaphore_mem>>) src(%arg16 : memref<32x128xf32, #tpu.memory_space<vmem>>) dst(%dma_wait3A_110 : memref<32x128xf32, #tpu.memory_space<vmem_shared>>)
      tpu.yield
    }) : () -> ()
    %add3A_56 = arith.constant 384 : i32
    %add3A_57 = arith.addi %mul3A_6, %add3A_56 : i32
    "tpu.region"() ({
      %run_scoped3A = tpu.sem_alloc : memref<!tpu.dma_semaphore, #tpu.memory_space<semaphore_mem>>
      %dma_start3A = arith.constant 0 : i32
      %dma_start3A_105 = tpu.memref_slice %arg18[%add3A_57, %dma_start3A] : memref<10240x16xf32, #tpu.memory_space<vmem_shared>> -> memref<32x16xf32, #tpu.memory_space<vmem_shared>>
      %dma_start3A_106 = arith.constant 0 : i32
      %dma_start3A_107 = tpu.memref_slice %arg18[%add3A_57, %dma_start3A_106] : memref<10240x16xf32, #tpu.memory_space<vmem_shared>> -> memref<32x16xf32, #tpu.memory_space<vmem_shared>>
      tpu.enqueue_dma source(%arg17 : memref<32x16xf32, #tpu.memory_space<vmem>>) target(%dma_start3A_107 : memref<32x16xf32, #tpu.memory_space<vmem_shared>>) target_semaphore(%run_scoped3A : memref<!tpu.dma_semaphore, #tpu.memory_space<semaphore_mem>>)
      %dma_wait3A = arith.constant 0 : i32
      %dma_wait3A_108 = tpu.memref_slice %arg18[%add3A_57, %dma_wait3A] : memref<10240x16xf32, #tpu.memory_space<vmem_shared>> -> memref<32x16xf32, #tpu.memory_space<vmem_shared>>
      %dma_wait3A_109 = arith.constant 0 : i32
      %dma_wait3A_110 = tpu.memref_slice %arg18[%add3A_57, %dma_wait3A_109] : memref<10240x16xf32, #tpu.memory_space<vmem_shared>> -> memref<32x16xf32, #tpu.memory_space<vmem_shared>>
      tpu.wait_dma2 semaphore(%run_scoped3A : memref<!tpu.dma_semaphore, #tpu.memory_space<semaphore_mem>>) src(%arg17 : memref<32x16xf32, #tpu.memory_space<vmem>>) dst(%dma_wait3A_110 : memref<32x16xf32, #tpu.memory_space<vmem_shared>>)
      tpu.yield
    }) : () -> ()
    %add3A_58 = arith.constant 416 : i32
    %add3A_59 = arith.addi %mul3A_6, %add3A_58 : i32
    "tpu.region"() ({
      %run_scoped3A = tpu.sem_alloc : memref<!tpu.dma_semaphore, #tpu.memory_space<semaphore_mem>>
      %dma_start3A = arith.constant 0 : i32
      %dma_start3A_105 = tpu.memref_slice %arg19[%add3A_59, %dma_start3A] : memref<10240x128xf32, #tpu.memory_space<vmem_shared>> -> memref<32x128xf32, #tpu.memory_space<vmem_shared>>
      %dma_start3A_106 = arith.constant 0 : i32
      %dma_start3A_107 = tpu.memref_slice %arg19[%add3A_59, %dma_start3A_106] : memref<10240x128xf32, #tpu.memory_space<vmem_shared>> -> memref<32x128xf32, #tpu.memory_space<vmem_shared>>
      tpu.enqueue_dma source(%arg16 : memref<32x128xf32, #tpu.memory_space<vmem>>) target(%dma_start3A_107 : memref<32x128xf32, #tpu.memory_space<vmem_shared>>) target_semaphore(%run_scoped3A : memref<!tpu.dma_semaphore, #tpu.memory_space<semaphore_mem>>)
      %dma_wait3A = arith.constant 0 : i32
      %dma_wait3A_108 = tpu.memref_slice %arg19[%add3A_59, %dma_wait3A] : memref<10240x128xf32, #tpu.memory_space<vmem_shared>> -> memref<32x128xf32, #tpu.memory_space<vmem_shared>>
      %dma_wait3A_109 = arith.constant 0 : i32
      %dma_wait3A_110 = tpu.memref_slice %arg19[%add3A_59, %dma_wait3A_109] : memref<10240x128xf32, #tpu.memory_space<vmem_shared>> -> memref<32x128xf32, #tpu.memory_space<vmem_shared>>
      tpu.wait_dma2 semaphore(%run_scoped3A : memref<!tpu.dma_semaphore, #tpu.memory_space<semaphore_mem>>) src(%arg16 : memref<32x128xf32, #tpu.memory_space<vmem>>) dst(%dma_wait3A_110 : memref<32x128xf32, #tpu.memory_space<vmem_shared>>)
      tpu.yield
    }) : () -> ()
    %add3A_60 = arith.constant 416 : i32
    %add3A_61 = arith.addi %mul3A_6, %add3A_60 : i32
    "tpu.region"() ({
      %run_scoped3A = tpu.sem_alloc : memref<!tpu.dma_semaphore, #tpu.memory_space<semaphore_mem>>
      %dma_start3A = arith.constant 0 : i32
      %dma_start3A_105 = tpu.memref_slice %arg18[%add3A_61, %dma_start3A] : memref<10240x16xf32, #tpu.memory_space<vmem_shared>> -> memref<32x16xf32, #tpu.memory_space<vmem_shared>>
      %dma_start3A_106 = arith.constant 0 : i32
      %dma_start3A_107 = tpu.memref_slice %arg18[%add3A_61, %dma_start3A_106] : memref<10240x16xf32, #tpu.memory_space<vmem_shared>> -> memref<32x16xf32, #tpu.memory_space<vmem_shared>>
      tpu.enqueue_dma source(%arg17 : memref<32x16xf32, #tpu.memory_space<vmem>>) target(%dma_start3A_107 : memref<32x16xf32, #tpu.memory_space<vmem_shared>>) target_semaphore(%run_scoped3A : memref<!tpu.dma_semaphore, #tpu.memory_space<semaphore_mem>>)
      %dma_wait3A = arith.constant 0 : i32
      %dma_wait3A_108 = tpu.memref_slice %arg18[%add3A_61, %dma_wait3A] : memref<10240x16xf32, #tpu.memory_space<vmem_shared>> -> memref<32x16xf32, #tpu.memory_space<vmem_shared>>
      %dma_wait3A_109 = arith.constant 0 : i32
      %dma_wait3A_110 = tpu.memref_slice %arg18[%add3A_61, %dma_wait3A_109] : memref<10240x16xf32, #tpu.memory_space<vmem_shared>> -> memref<32x16xf32, #tpu.memory_space<vmem_shared>>
      tpu.wait_dma2 semaphore(%run_scoped3A : memref<!tpu.dma_semaphore, #tpu.memory_space<semaphore_mem>>) src(%arg17 : memref<32x16xf32, #tpu.memory_space<vmem>>) dst(%dma_wait3A_110 : memref<32x16xf32, #tpu.memory_space<vmem_shared>>)
      tpu.yield
    }) : () -> ()
    %add3A_62 = arith.constant 448 : i32
    %add3A_63 = arith.addi %mul3A_6, %add3A_62 : i32
    "tpu.region"() ({
      %run_scoped3A = tpu.sem_alloc : memref<!tpu.dma_semaphore, #tpu.memory_space<semaphore_mem>>
      %dma_start3A = arith.constant 0 : i32
      %dma_start3A_105 = tpu.memref_slice %arg19[%add3A_63, %dma_start3A] : memref<10240x128xf32, #tpu.memory_space<vmem_shared>> -> memref<32x128xf32, #tpu.memory_space<vmem_shared>>
      %dma_start3A_106 = arith.constant 0 : i32
      %dma_start3A_107 = tpu.memref_slice %arg19[%add3A_63, %dma_start3A_106] : memref<10240x128xf32, #tpu.memory_space<vmem_shared>> -> memref<32x128xf32, #tpu.memory_space<vmem_shared>>
      tpu.enqueue_dma source(%arg16 : memref<32x128xf32, #tpu.memory_space<vmem>>) target(%dma_start3A_107 : memref<32x128xf32, #tpu.memory_space<vmem_shared>>) target_semaphore(%run_scoped3A : memref<!tpu.dma_semaphore, #tpu.memory_space<semaphore_mem>>)
      %dma_wait3A = arith.constant 0 : i32
      %dma_wait3A_108 = tpu.memref_slice %arg19[%add3A_63, %dma_wait3A] : memref<10240x128xf32, #tpu.memory_space<vmem_shared>> -> memref<32x128xf32, #tpu.memory_space<vmem_shared>>
      %dma_wait3A_109 = arith.constant 0 : i32
      %dma_wait3A_110 = tpu.memref_slice %arg19[%add3A_63, %dma_wait3A_109] : memref<10240x128xf32, #tpu.memory_space<vmem_shared>> -> memref<32x128xf32, #tpu.memory_space<vmem_shared>>
      tpu.wait_dma2 semaphore(%run_scoped3A : memref<!tpu.dma_semaphore, #tpu.memory_space<semaphore_mem>>) src(%arg16 : memref<32x128xf32, #tpu.memory_space<vmem>>) dst(%dma_wait3A_110 : memref<32x128xf32, #tpu.memory_space<vmem_shared>>)
      tpu.yield
    }) : () -> ()
    %add3A_64 = arith.constant 448 : i32
    %add3A_65 = arith.addi %mul3A_6, %add3A_64 : i32
    "tpu.region"() ({
      %run_scoped3A = tpu.sem_alloc : memref<!tpu.dma_semaphore, #tpu.memory_space<semaphore_mem>>
      %dma_start3A = arith.constant 0 : i32
      %dma_start3A_105 = tpu.memref_slice %arg18[%add3A_65, %dma_start3A] : memref<10240x16xf32, #tpu.memory_space<vmem_shared>> -> memref<32x16xf32, #tpu.memory_space<vmem_shared>>
      %dma_start3A_106 = arith.constant 0 : i32
      %dma_start3A_107 = tpu.memref_slice %arg18[%add3A_65, %dma_start3A_106] : memref<10240x16xf32, #tpu.memory_space<vmem_shared>> -> memref<32x16xf32, #tpu.memory_space<vmem_shared>>
      tpu.enqueue_dma source(%arg17 : memref<32x16xf32, #tpu.memory_space<vmem>>) target(%dma_start3A_107 : memref<32x16xf32, #tpu.memory_space<vmem_shared>>) target_semaphore(%run_scoped3A : memref<!tpu.dma_semaphore, #tpu.memory_space<semaphore_mem>>)
      %dma_wait3A = arith.constant 0 : i32
      %dma_wait3A_108 = tpu.memref_slice %arg18[%add3A_65, %dma_wait3A] : memref<10240x16xf32, #tpu.memory_space<vmem_shared>> -> memref<32x16xf32, #tpu.memory_space<vmem_shared>>
      %dma_wait3A_109 = arith.constant 0 : i32
      %dma_wait3A_110 = tpu.memref_slice %arg18[%add3A_65, %dma_wait3A_109] : memref<10240x16xf32, #tpu.memory_space<vmem_shared>> -> memref<32x16xf32, #tpu.memory_space<vmem_shared>>
      tpu.wait_dma2 semaphore(%run_scoped3A : memref<!tpu.dma_semaphore, #tpu.memory_space<semaphore_mem>>) src(%arg17 : memref<32x16xf32, #tpu.memory_space<vmem>>) dst(%dma_wait3A_110 : memref<32x16xf32, #tpu.memory_space<vmem_shared>>)
      tpu.yield
    }) : () -> ()
    %add3A_66 = arith.constant 480 : i32
    %add3A_67 = arith.addi %mul3A_6, %add3A_66 : i32
    "tpu.region"() ({
      %run_scoped3A = tpu.sem_alloc : memref<!tpu.dma_semaphore, #tpu.memory_space<semaphore_mem>>
      %dma_start3A = arith.constant 0 : i32
      %dma_start3A_105 = tpu.memref_slice %arg19[%add3A_67, %dma_start3A] : memref<10240x128xf32, #tpu.memory_space<vmem_shared>> -> memref<32x128xf32, #tpu.memory_space<vmem_shared>>
      %dma_start3A_106 = arith.constant 0 : i32
      %dma_start3A_107 = tpu.memref_slice %arg19[%add3A_67, %dma_start3A_106] : memref<10240x128xf32, #tpu.memory_space<vmem_shared>> -> memref<32x128xf32, #tpu.memory_space<vmem_shared>>
      tpu.enqueue_dma source(%arg16 : memref<32x128xf32, #tpu.memory_space<vmem>>) target(%dma_start3A_107 : memref<32x128xf32, #tpu.memory_space<vmem_shared>>) target_semaphore(%run_scoped3A : memref<!tpu.dma_semaphore, #tpu.memory_space<semaphore_mem>>)
      %dma_wait3A = arith.constant 0 : i32
      %dma_wait3A_108 = tpu.memref_slice %arg19[%add3A_67, %dma_wait3A] : memref<10240x128xf32, #tpu.memory_space<vmem_shared>> -> memref<32x128xf32, #tpu.memory_space<vmem_shared>>
      %dma_wait3A_109 = arith.constant 0 : i32
      %dma_wait3A_110 = tpu.memref_slice %arg19[%add3A_67, %dma_wait3A_109] : memref<10240x128xf32, #tpu.memory_space<vmem_shared>> -> memref<32x128xf32, #tpu.memory_space<vmem_shared>>
      tpu.wait_dma2 semaphore(%run_scoped3A : memref<!tpu.dma_semaphore, #tpu.memory_space<semaphore_mem>>) src(%arg16 : memref<32x128xf32, #tpu.memory_space<vmem>>) dst(%dma_wait3A_110 : memref<32x128xf32, #tpu.memory_space<vmem_shared>>)
      tpu.yield
    }) : () -> ()
    %add3A_68 = arith.constant 480 : i32
    %add3A_69 = arith.addi %mul3A_6, %add3A_68 : i32
    "tpu.region"() ({
      %run_scoped3A = tpu.sem_alloc : memref<!tpu.dma_semaphore, #tpu.memory_space<semaphore_mem>>
      %dma_start3A = arith.constant 0 : i32
      %dma_start3A_105 = tpu.memref_slice %arg18[%add3A_69, %dma_start3A] : memref<10240x16xf32, #tpu.memory_space<vmem_shared>> -> memref<32x16xf32, #tpu.memory_space<vmem_shared>>
      %dma_start3A_106 = arith.constant 0 : i32
      %dma_start3A_107 = tpu.memref_slice %arg18[%add3A_69, %dma_start3A_106] : memref<10240x16xf32, #tpu.memory_space<vmem_shared>> -> memref<32x16xf32, #tpu.memory_space<vmem_shared>>
      tpu.enqueue_dma source(%arg17 : memref<32x16xf32, #tpu.memory_space<vmem>>) target(%dma_start3A_107 : memref<32x16xf32, #tpu.memory_space<vmem_shared>>) target_semaphore(%run_scoped3A : memref<!tpu.dma_semaphore, #tpu.memory_space<semaphore_mem>>)
      %dma_wait3A = arith.constant 0 : i32
      %dma_wait3A_108 = tpu.memref_slice %arg18[%add3A_69, %dma_wait3A] : memref<10240x16xf32, #tpu.memory_space<vmem_shared>> -> memref<32x16xf32, #tpu.memory_space<vmem_shared>>
      %dma_wait3A_109 = arith.constant 0 : i32
      %dma_wait3A_110 = tpu.memref_slice %arg18[%add3A_69, %dma_wait3A_109] : memref<10240x16xf32, #tpu.memory_space<vmem_shared>> -> memref<32x16xf32, #tpu.memory_space<vmem_shared>>
      tpu.wait_dma2 semaphore(%run_scoped3A : memref<!tpu.dma_semaphore, #tpu.memory_space<semaphore_mem>>) src(%arg17 : memref<32x16xf32, #tpu.memory_space<vmem>>) dst(%dma_wait3A_110 : memref<32x16xf32, #tpu.memory_space<vmem_shared>>)
      tpu.yield
    }) : () -> ()
    %add3A_70 = arith.constant 512 : i32
    %add3A_71 = arith.addi %mul3A_6, %add3A_70 : i32
    "tpu.region"() ({
      %run_scoped3A = tpu.sem_alloc : memref<!tpu.dma_semaphore, #tpu.memory_space<semaphore_mem>>
      %dma_start3A = arith.constant 0 : i32
      %dma_start3A_105 = tpu.memref_slice %arg19[%add3A_71, %dma_start3A] : memref<10240x128xf32, #tpu.memory_space<vmem_shared>> -> memref<32x128xf32, #tpu.memory_space<vmem_shared>>
      %dma_start3A_106 = arith.constant 0 : i32
      %dma_start3A_107 = tpu.memref_slice %arg19[%add3A_71, %dma_start3A_106] : memref<10240x128xf32, #tpu.memory_space<vmem_shared>> -> memref<32x128xf32, #tpu.memory_space<vmem_shared>>
      tpu.enqueue_dma source(%arg16 : memref<32x128xf32, #tpu.memory_space<vmem>>) target(%dma_start3A_107 : memref<32x128xf32, #tpu.memory_space<vmem_shared>>) target_semaphore(%run_scoped3A : memref<!tpu.dma_semaphore, #tpu.memory_space<semaphore_mem>>)
      %dma_wait3A = arith.constant 0 : i32
      %dma_wait3A_108 = tpu.memref_slice %arg19[%add3A_71, %dma_wait3A] : memref<10240x128xf32, #tpu.memory_space<vmem_shared>> -> memref<32x128xf32, #tpu.memory_space<vmem_shared>>
      %dma_wait3A_109 = arith.constant 0 : i32
      %dma_wait3A_110 = tpu.memref_slice %arg19[%add3A_71, %dma_wait3A_109] : memref<10240x128xf32, #tpu.memory_space<vmem_shared>> -> memref<32x128xf32, #tpu.memory_space<vmem_shared>>
      tpu.wait_dma2 semaphore(%run_scoped3A : memref<!tpu.dma_semaphore, #tpu.memory_space<semaphore_mem>>) src(%arg16 : memref<32x128xf32, #tpu.memory_space<vmem>>) dst(%dma_wait3A_110 : memref<32x128xf32, #tpu.memory_space<vmem_shared>>)
      tpu.yield
    }) : () -> ()
    %add3A_72 = arith.constant 512 : i32
    %add3A_73 = arith.addi %mul3A_6, %add3A_72 : i32
    "tpu.region"() ({
      %run_scoped3A = tpu.sem_alloc : memref<!tpu.dma_semaphore, #tpu.memory_space<semaphore_mem>>
      %dma_start3A = arith.constant 0 : i32
      %dma_start3A_105 = tpu.memref_slice %arg18[%add3A_73, %dma_start3A] : memref<10240x16xf32, #tpu.memory_space<vmem_shared>> -> memref<32x16xf32, #tpu.memory_space<vmem_shared>>
      %dma_start3A_106 = arith.constant 0 : i32
      %dma_start3A_107 = tpu.memref_slice %arg18[%add3A_73, %dma_start3A_106] : memref<10240x16xf32, #tpu.memory_space<vmem_shared>> -> memref<32x16xf32, #tpu.memory_space<vmem_shared>>
      tpu.enqueue_dma source(%arg17 : memref<32x16xf32, #tpu.memory_space<vmem>>) target(%dma_start3A_107 : memref<32x16xf32, #tpu.memory_space<vmem_shared>>) target_semaphore(%run_scoped3A : memref<!tpu.dma_semaphore, #tpu.memory_space<semaphore_mem>>)
      %dma_wait3A = arith.constant 0 : i32
      %dma_wait3A_108 = tpu.memref_slice %arg18[%add3A_73, %dma_wait3A] : memref<10240x16xf32, #tpu.memory_space<vmem_shared>> -> memref<32x16xf32, #tpu.memory_space<vmem_shared>>
      %dma_wait3A_109 = arith.constant 0 : i32
      %dma_wait3A_110 = tpu.memref_slice %arg18[%add3A_73, %dma_wait3A_109] : memref<10240x16xf32, #tpu.memory_space<vmem_shared>> -> memref<32x16xf32, #tpu.memory_space<vmem_shared>>
      tpu.wait_dma2 semaphore(%run_scoped3A : memref<!tpu.dma_semaphore, #tpu.memory_space<semaphore_mem>>) src(%arg17 : memref<32x16xf32, #tpu.memory_space<vmem>>) dst(%dma_wait3A_110 : memref<32x16xf32, #tpu.memory_space<vmem_shared>>)
      tpu.yield
    }) : () -> ()
    %add3A_74 = arith.constant 544 : i32
    %add3A_75 = arith.addi %mul3A_6, %add3A_74 : i32
    "tpu.region"() ({
      %run_scoped3A = tpu.sem_alloc : memref<!tpu.dma_semaphore, #tpu.memory_space<semaphore_mem>>
      %dma_start3A = arith.constant 0 : i32
      %dma_start3A_105 = tpu.memref_slice %arg19[%add3A_75, %dma_start3A] : memref<10240x128xf32, #tpu.memory_space<vmem_shared>> -> memref<32x128xf32, #tpu.memory_space<vmem_shared>>
      %dma_start3A_106 = arith.constant 0 : i32
      %dma_start3A_107 = tpu.memref_slice %arg19[%add3A_75, %dma_start3A_106] : memref<10240x128xf32, #tpu.memory_space<vmem_shared>> -> memref<32x128xf32, #tpu.memory_space<vmem_shared>>
      tpu.enqueue_dma source(%arg16 : memref<32x128xf32, #tpu.memory_space<vmem>>) target(%dma_start3A_107 : memref<32x128xf32, #tpu.memory_space<vmem_shared>>) target_semaphore(%run_scoped3A : memref<!tpu.dma_semaphore, #tpu.memory_space<semaphore_mem>>)
      %dma_wait3A = arith.constant 0 : i32
      %dma_wait3A_108 = tpu.memref_slice %arg19[%add3A_75, %dma_wait3A] : memref<10240x128xf32, #tpu.memory_space<vmem_shared>> -> memref<32x128xf32, #tpu.memory_space<vmem_shared>>
      %dma_wait3A_109 = arith.constant 0 : i32
      %dma_wait3A_110 = tpu.memref_slice %arg19[%add3A_75, %dma_wait3A_109] : memref<10240x128xf32, #tpu.memory_space<vmem_shared>> -> memref<32x128xf32, #tpu.memory_space<vmem_shared>>
      tpu.wait_dma2 semaphore(%run_scoped3A : memref<!tpu.dma_semaphore, #tpu.memory_space<semaphore_mem>>) src(%arg16 : memref<32x128xf32, #tpu.memory_space<vmem>>) dst(%dma_wait3A_110 : memref<32x128xf32, #tpu.memory_space<vmem_shared>>)
      tpu.yield
    }) : () -> ()
    %add3A_76 = arith.constant 544 : i32
    %add3A_77 = arith.addi %mul3A_6, %add3A_76 : i32
    "tpu.region"() ({
      %run_scoped3A = tpu.sem_alloc : memref<!tpu.dma_semaphore, #tpu.memory_space<semaphore_mem>>
      %dma_start3A = arith.constant 0 : i32
      %dma_start3A_105 = tpu.memref_slice %arg18[%add3A_77, %dma_start3A] : memref<10240x16xf32, #tpu.memory_space<vmem_shared>> -> memref<32x16xf32, #tpu.memory_space<vmem_shared>>
      %dma_start3A_106 = arith.constant 0 : i32
      %dma_start3A_107 = tpu.memref_slice %arg18[%add3A_77, %dma_start3A_106] : memref<10240x16xf32, #tpu.memory_space<vmem_shared>> -> memref<32x16xf32, #tpu.memory_space<vmem_shared>>
      tpu.enqueue_dma source(%arg17 : memref<32x16xf32, #tpu.memory_space<vmem>>) target(%dma_start3A_107 : memref<32x16xf32, #tpu.memory_space<vmem_shared>>) target_semaphore(%run_scoped3A : memref<!tpu.dma_semaphore, #tpu.memory_space<semaphore_mem>>)
      %dma_wait3A = arith.constant 0 : i32
      %dma_wait3A_108 = tpu.memref_slice %arg18[%add3A_77, %dma_wait3A] : memref<10240x16xf32, #tpu.memory_space<vmem_shared>> -> memref<32x16xf32, #tpu.memory_space<vmem_shared>>
      %dma_wait3A_109 = arith.constant 0 : i32
      %dma_wait3A_110 = tpu.memref_slice %arg18[%add3A_77, %dma_wait3A_109] : memref<10240x16xf32, #tpu.memory_space<vmem_shared>> -> memref<32x16xf32, #tpu.memory_space<vmem_shared>>
      tpu.wait_dma2 semaphore(%run_scoped3A : memref<!tpu.dma_semaphore, #tpu.memory_space<semaphore_mem>>) src(%arg17 : memref<32x16xf32, #tpu.memory_space<vmem>>) dst(%dma_wait3A_110 : memref<32x16xf32, #tpu.memory_space<vmem_shared>>)
      tpu.yield
    }) : () -> ()
    %add3A_78 = arith.constant 576 : i32
    %add3A_79 = arith.addi %mul3A_6, %add3A_78 : i32
    "tpu.region"() ({
      %run_scoped3A = tpu.sem_alloc : memref<!tpu.dma_semaphore, #tpu.memory_space<semaphore_mem>>
      %dma_start3A = arith.constant 0 : i32
      %dma_start3A_105 = tpu.memref_slice %arg19[%add3A_79, %dma_start3A] : memref<10240x128xf32, #tpu.memory_space<vmem_shared>> -> memref<32x128xf32, #tpu.memory_space<vmem_shared>>
      %dma_start3A_106 = arith.constant 0 : i32
      %dma_start3A_107 = tpu.memref_slice %arg19[%add3A_79, %dma_start3A_106] : memref<10240x128xf32, #tpu.memory_space<vmem_shared>> -> memref<32x128xf32, #tpu.memory_space<vmem_shared>>
      tpu.enqueue_dma source(%arg16 : memref<32x128xf32, #tpu.memory_space<vmem>>) target(%dma_start3A_107 : memref<32x128xf32, #tpu.memory_space<vmem_shared>>) target_semaphore(%run_scoped3A : memref<!tpu.dma_semaphore, #tpu.memory_space<semaphore_mem>>)
      %dma_wait3A = arith.constant 0 : i32
      %dma_wait3A_108 = tpu.memref_slice %arg19[%add3A_79, %dma_wait3A] : memref<10240x128xf32, #tpu.memory_space<vmem_shared>> -> memref<32x128xf32, #tpu.memory_space<vmem_shared>>
      %dma_wait3A_109 = arith.constant 0 : i32
      %dma_wait3A_110 = tpu.memref_slice %arg19[%add3A_79, %dma_wait3A_109] : memref<10240x128xf32, #tpu.memory_space<vmem_shared>> -> memref<32x128xf32, #tpu.memory_space<vmem_shared>>
      tpu.wait_dma2 semaphore(%run_scoped3A : memref<!tpu.dma_semaphore, #tpu.memory_space<semaphore_mem>>) src(%arg16 : memref<32x128xf32, #tpu.memory_space<vmem>>) dst(%dma_wait3A_110 : memref<32x128xf32, #tpu.memory_space<vmem_shared>>)
      tpu.yield
    }) : () -> ()
    %add3A_80 = arith.constant 576 : i32
    %add3A_81 = arith.addi %mul3A_6, %add3A_80 : i32
    "tpu.region"() ({
      %run_scoped3A = tpu.sem_alloc : memref<!tpu.dma_semaphore, #tpu.memory_space<semaphore_mem>>
      %dma_start3A = arith.constant 0 : i32
      %dma_start3A_105 = tpu.memref_slice %arg18[%add3A_81, %dma_start3A] : memref<10240x16xf32, #tpu.memory_space<vmem_shared>> -> memref<32x16xf32, #tpu.memory_space<vmem_shared>>
      %dma_start3A_106 = arith.constant 0 : i32
      %dma_start3A_107 = tpu.memref_slice %arg18[%add3A_81, %dma_start3A_106] : memref<10240x16xf32, #tpu.memory_space<vmem_shared>> -> memref<32x16xf32, #tpu.memory_space<vmem_shared>>
      tpu.enqueue_dma source(%arg17 : memref<32x16xf32, #tpu.memory_space<vmem>>) target(%dma_start3A_107 : memref<32x16xf32, #tpu.memory_space<vmem_shared>>) target_semaphore(%run_scoped3A : memref<!tpu.dma_semaphore, #tpu.memory_space<semaphore_mem>>)
      %dma_wait3A = arith.constant 0 : i32
      %dma_wait3A_108 = tpu.memref_slice %arg18[%add3A_81, %dma_wait3A] : memref<10240x16xf32, #tpu.memory_space<vmem_shared>> -> memref<32x16xf32, #tpu.memory_space<vmem_shared>>
      %dma_wait3A_109 = arith.constant 0 : i32
      %dma_wait3A_110 = tpu.memref_slice %arg18[%add3A_81, %dma_wait3A_109] : memref<10240x16xf32, #tpu.memory_space<vmem_shared>> -> memref<32x16xf32, #tpu.memory_space<vmem_shared>>
      tpu.wait_dma2 semaphore(%run_scoped3A : memref<!tpu.dma_semaphore, #tpu.memory_space<semaphore_mem>>) src(%arg17 : memref<32x16xf32, #tpu.memory_space<vmem>>) dst(%dma_wait3A_110 : memref<32x16xf32, #tpu.memory_space<vmem_shared>>)
      tpu.yield
    }) : () -> ()
    %add3A_82 = arith.constant 608 : i32
    %add3A_83 = arith.addi %mul3A_6, %add3A_82 : i32
    "tpu.region"() ({
      %run_scoped3A = tpu.sem_alloc : memref<!tpu.dma_semaphore, #tpu.memory_space<semaphore_mem>>
      %dma_start3A = arith.constant 0 : i32
      %dma_start3A_105 = tpu.memref_slice %arg19[%add3A_83, %dma_start3A] : memref<10240x128xf32, #tpu.memory_space<vmem_shared>> -> memref<32x128xf32, #tpu.memory_space<vmem_shared>>
      %dma_start3A_106 = arith.constant 0 : i32
      %dma_start3A_107 = tpu.memref_slice %arg19[%add3A_83, %dma_start3A_106] : memref<10240x128xf32, #tpu.memory_space<vmem_shared>> -> memref<32x128xf32, #tpu.memory_space<vmem_shared>>
      tpu.enqueue_dma source(%arg16 : memref<32x128xf32, #tpu.memory_space<vmem>>) target(%dma_start3A_107 : memref<32x128xf32, #tpu.memory_space<vmem_shared>>) target_semaphore(%run_scoped3A : memref<!tpu.dma_semaphore, #tpu.memory_space<semaphore_mem>>)
      %dma_wait3A = arith.constant 0 : i32
      %dma_wait3A_108 = tpu.memref_slice %arg19[%add3A_83, %dma_wait3A] : memref<10240x128xf32, #tpu.memory_space<vmem_shared>> -> memref<32x128xf32, #tpu.memory_space<vmem_shared>>
      %dma_wait3A_109 = arith.constant 0 : i32
      %dma_wait3A_110 = tpu.memref_slice %arg19[%add3A_83, %dma_wait3A_109] : memref<10240x128xf32, #tpu.memory_space<vmem_shared>> -> memref<32x128xf32, #tpu.memory_space<vmem_shared>>
      tpu.wait_dma2 semaphore(%run_scoped3A : memref<!tpu.dma_semaphore, #tpu.memory_space<semaphore_mem>>) src(%arg16 : memref<32x128xf32, #tpu.memory_space<vmem>>) dst(%dma_wait3A_110 : memref<32x128xf32, #tpu.memory_space<vmem_shared>>)
      tpu.yield
    }) : () -> ()
    %add3A_84 = arith.constant 608 : i32
    %add3A_85 = arith.addi %mul3A_6, %add3A_84 : i32
    "tpu.region"() ({
      %run_scoped3A = tpu.sem_alloc : memref<!tpu.dma_semaphore, #tpu.memory_space<semaphore_mem>>
      %dma_start3A = arith.constant 0 : i32
      %dma_start3A_105 = tpu.memref_slice %arg18[%add3A_85, %dma_start3A] : memref<10240x16xf32, #tpu.memory_space<vmem_shared>> -> memref<32x16xf32, #tpu.memory_space<vmem_shared>>
      %dma_start3A_106 = arith.constant 0 : i32
      %dma_start3A_107 = tpu.memref_slice %arg18[%add3A_85, %dma_start3A_106] : memref<10240x16xf32, #tpu.memory_space<vmem_shared>> -> memref<32x16xf32, #tpu.memory_space<vmem_shared>>
      tpu.enqueue_dma source(%arg17 : memref<32x16xf32, #tpu.memory_space<vmem>>) target(%dma_start3A_107 : memref<32x16xf32, #tpu.memory_space<vmem_shared>>) target_semaphore(%run_scoped3A : memref<!tpu.dma_semaphore, #tpu.memory_space<semaphore_mem>>)
      %dma_wait3A = arith.constant 0 : i32
      %dma_wait3A_108 = tpu.memref_slice %arg18[%add3A_85, %dma_wait3A] : memref<10240x16xf32, #tpu.memory_space<vmem_shared>> -> memref<32x16xf32, #tpu.memory_space<vmem_shared>>
      %dma_wait3A_109 = arith.constant 0 : i32
      %dma_wait3A_110 = tpu.memref_slice %arg18[%add3A_85, %dma_wait3A_109] : memref<10240x16xf32, #tpu.memory_space<vmem_shared>> -> memref<32x16xf32, #tpu.memory_space<vmem_shared>>
      tpu.wait_dma2 semaphore(%run_scoped3A : memref<!tpu.dma_semaphore, #tpu.memory_space<semaphore_mem>>) src(%arg17 : memref<32x16xf32, #tpu.memory_space<vmem>>) dst(%dma_wait3A_110 : memref<32x16xf32, #tpu.memory_space<vmem_shared>>)
      tpu.yield
    }) : () -> ()
    %broadcast_in_dim3A_86 = arith.constant 1.000000e+00 : f32
    %broadcast_in_dim3A_87 = vector.broadcast %broadcast_in_dim3A_86 : f32 to vector<16xf32>
    %scan3A_88 = arith.constant 0 : i32
    %scan3A_89 = arith.constant 0 : i32
    %scan3A_90 = arith.constant 32 : i32
    %scan3A_91 = arith.addi %scan3A_89, %scan3A_90 : i32
    %scan3A_92 = arith.constant 1 : i32
    scf.for %scan3A_105 = %scan3A_89 to %scan3A_91 step %scan3A_92  : i32 {
      %swap3A = arith.index_cast %scan3A_105 : i32 to index
      %swap3A_106 = arith.constant 0 : index
      %swap3A_107 = tpu.vector_load %arg17[%swap3A, %swap3A_106] {strides = array<i32>} : memref<32x16xf32, #tpu.memory_space<vmem>>, vector<16xf32>,
      tpu.vector_store %arg17[%swap3A, %swap3A_106], %broadcast_in_dim3A_87 {strides = array<i32>} : memref<32x16xf32, #tpu.memory_space<vmem>>, vector<16xf32>,
    }
    %scan3A_93 = arith.constant 32 : i32
    %barrier3A = arith.constant 0 : index
    tpu.barrier barrier_id(%barrier3A)
    %scan3A_94 = arith.constant 0 : i32
    %scan3A_95 = arith.constant 0.333333343 : f32
    %scan3A_96 = arith.constant 0 : i32
    %scan3A_97 = arith.constant 20 : i32
    %scan3A_98 = arith.addi %scan3A_96, %scan3A_97 : i32
    %scan3A_99 = arith.constant 1 : i32
    scf.for %scan3A_105 = %scan3A_96 to %scan3A_98 step %scan3A_99  : i32 {
      %mul3A_106 = arith.constant 16 : i32
      %mul3A_107 = arith.muli %scan3A_105, %mul3A_106 : i32
      %add3A_108 = arith.addi %mul3A_107, %arg1 : i32
      %mul3A_109 = arith.constant 2 : i32
      %mul3A_110 = arith.muli %add3A_108, %mul3A_109 : i32
      %add3A_111 = arith.addi %mul3A_110, %arg0 : i32
      %mul3A_112 = arith.constant 32 : i32
      %mul3A_113 = arith.muli %add3A_111, %mul3A_112 : i32
      "tpu.region"() ({
        %run_scoped3A = tpu.sem_alloc : memref<!tpu.dma_semaphore, #tpu.memory_space<semaphore_mem>>
        %dma_start3A_136 = tpu.memref_slice %arg2[%mul3A_113] : memref<20480xi32, #tpu.memory_space<hbm>> -> memref<32xi32, #tpu.memory_space<hbm>>
        %dma_start3A_137 = tpu.memref_slice %arg2[%mul3A_113] : memref<20480xi32, #tpu.memory_space<hbm>> -> memref<32xi32, #tpu.memory_space<hbm>>
        tpu.enqueue_dma source(%dma_start3A_137 : memref<32xi32, #tpu.memory_space<hbm>>) target(%arg10 : memref<32xi32, #tpu.memory_space<vmem>>) target_semaphore(%run_scoped3A : memref<!tpu.dma_semaphore, #tpu.memory_space<semaphore_mem>>)
        %dma_wait3A_138 = tpu.memref_slice %arg2[%mul3A_113] : memref<20480xi32, #tpu.memory_space<hbm>> -> memref<32xi32, #tpu.memory_space<hbm>>
        %dma_wait3A_139 = tpu.memref_slice %arg2[%mul3A_113] : memref<20480xi32, #tpu.memory_space<hbm>> -> memref<32xi32, #tpu.memory_space<hbm>>
        tpu.wait_dma2 semaphore(%run_scoped3A : memref<!tpu.dma_semaphore, #tpu.memory_space<semaphore_mem>>) src(%dma_wait3A_139 : memref<32xi32, #tpu.memory_space<hbm>>) dst(%arg10 : memref<32xi32, #tpu.memory_space<vmem>>)
        tpu.yield
      }) : () -> ()
      "tpu.region"() ({
        %run_scoped3A = tpu.sem_alloc : memref<!tpu.dma_semaphore, #tpu.memory_space<semaphore_mem>>
        %dma_start3A_136 = tpu.memref_slice %arg3[%mul3A_113] : memref<20480xi32, #tpu.memory_space<hbm>> -> memref<32xi32, #tpu.memory_space<hbm>>
        %dma_start3A_137 = tpu.memref_slice %arg3[%mul3A_113] : memref<20480xi32, #tpu.memory_space<hbm>> -> memref<32xi32, #tpu.memory_space<hbm>>
        tpu.enqueue_dma source(%dma_start3A_137 : memref<32xi32, #tpu.memory_space<hbm>>) target(%arg11 : memref<32xi32, #tpu.memory_space<vmem>>) target_semaphore(%run_scoped3A : memref<!tpu.dma_semaphore, #tpu.memory_space<semaphore_mem>>)
        %dma_wait3A_138 = tpu.memref_slice %arg3[%mul3A_113] : memref<20480xi32, #tpu.memory_space<hbm>> -> memref<32xi32, #tpu.memory_space<hbm>>
        %dma_wait3A_139 = tpu.memref_slice %arg3[%mul3A_113] : memref<20480xi32, #tpu.memory_space<hbm>> -> memref<32xi32, #tpu.memory_space<hbm>>
        tpu.wait_dma2 semaphore(%run_scoped3A : memref<!tpu.dma_semaphore, #tpu.memory_space<semaphore_mem>>) src(%dma_wait3A_139 : memref<32xi32, #tpu.memory_space<hbm>>) dst(%arg11 : memref<32xi32, #tpu.memory_space<vmem>>)
        tpu.yield
      }) : () -> ()
      "tpu.region"() ({
        %run_scoped3A = tpu.sem_alloc : memref<!tpu.dma_semaphore, #tpu.memory_space<semaphore_mem>>
        %dma_start3A_136 = tpu.memref_slice %arg4[%mul3A_113] : memref<20480xi32, #tpu.memory_space<hbm>> -> memref<32xi32, #tpu.memory_space<hbm>>
        %dma_start3A_137 = tpu.memref_slice %arg4[%mul3A_113] : memref<20480xi32, #tpu.memory_space<hbm>> -> memref<32xi32, #tpu.memory_space<hbm>>
        tpu.enqueue_dma source(%dma_start3A_137 : memref<32xi32, #tpu.memory_space<hbm>>) target(%arg12 : memref<32xi32, #tpu.memory_space<vmem>>) target_semaphore(%run_scoped3A : memref<!tpu.dma_semaphore, #tpu.memory_space<semaphore_mem>>)
        %dma_wait3A_138 = tpu.memref_slice %arg4[%mul3A_113] : memref<20480xi32, #tpu.memory_space<hbm>> -> memref<32xi32, #tpu.memory_space<hbm>>
        %dma_wait3A_139 = tpu.memref_slice %arg4[%mul3A_113] : memref<20480xi32, #tpu.memory_space<hbm>> -> memref<32xi32, #tpu.memory_space<hbm>>
        tpu.wait_dma2 semaphore(%run_scoped3A : memref<!tpu.dma_semaphore, #tpu.memory_space<semaphore_mem>>) src(%dma_wait3A_139 : memref<32xi32, #tpu.memory_space<hbm>>) dst(%arg12 : memref<32xi32, #tpu.memory_space<vmem>>)
        tpu.yield
      }) : () -> ()
      %dma_start3A = arith.constant 0 : i32
      %dma_start3A_114 = arith.constant 0 : i32
      %dma_start3A_115 = tpu.memref_slice %arg6[%dma_start3A, %dma_start3A_114] : memref<10016x128xf32, #tpu.memory_space<hbm>> -> memref<10016x128xf32, #tpu.memory_space<hbm>>
      tpu.enqueue_indirect_dma source(%dma_start3A_115 : memref<10016x128xf32, #tpu.memory_space<hbm>>) target(%arg13 : memref<32x128xf32, #tpu.memory_space<vmem>>) offsets(%arg10 : memref<32xi32, #tpu.memory_space<vmem>>) semaphore(%arg20 : memref<!tpu.dma_semaphore, #tpu.memory_space<semaphore_mem>>)
      %dma_start3A_116 = arith.constant 0 : i32
      %dma_start3A_117 = arith.constant 0 : i32
      %dma_start3A_118 = tpu.memref_slice %arg6[%dma_start3A_116, %dma_start3A_117] : memref<10016x128xf32, #tpu.memory_space<hbm>> -> memref<10016x128xf32, #tpu.memory_space<hbm>>
      tpu.enqueue_indirect_dma source(%dma_start3A_118 : memref<10016x128xf32, #tpu.memory_space<hbm>>) target(%arg14 : memref<32x128xf32, #tpu.memory_space<vmem>>) offsets(%arg11 : memref<32xi32, #tpu.memory_space<vmem>>) semaphore(%arg21 : memref<!tpu.dma_semaphore, #tpu.memory_space<semaphore_mem>>)
      %dma_start3A_119 = arith.constant 0 : i32
      %dma_start3A_120 = arith.constant 0 : i32
      %dma_start3A_121 = tpu.memref_slice %arg6[%dma_start3A_119, %dma_start3A_120] : memref<10016x128xf32, #tpu.memory_space<hbm>> -> memref<10016x128xf32, #tpu.memory_space<hbm>>
      tpu.enqueue_indirect_dma source(%dma_start3A_121 : memref<10016x128xf32, #tpu.memory_space<hbm>>) target(%arg15 : memref<32x128xf32, #tpu.memory_space<vmem>>) offsets(%arg12 : memref<32xi32, #tpu.memory_space<vmem>>) semaphore(%arg22 : memref<!tpu.dma_semaphore, #tpu.memory_space<semaphore_mem>>)
      "tpu.region"() ({
        %run_scoped3A = tpu.sem_alloc : memref<!tpu.dma_semaphore, #tpu.memory_space<semaphore_mem>>
        %dma_start3A_136 = arith.constant 0 : i32
        %dma_start3A_137 = tpu.memref_slice %arg5[%mul3A_113, %dma_start3A_136] : memref<20480x128xf32, #tpu.memory_space<hbm>> -> memref<32x128xf32, #tpu.memory_space<hbm>>
        %dma_start3A_138 = arith.constant 0 : i32
        %dma_start3A_139 = tpu.memref_slice %arg5[%mul3A_113, %dma_start3A_138] : memref<20480x128xf32, #tpu.memory_space<hbm>> -> memref<32x128xf32, #tpu.memory_space<hbm>>
        tpu.enqueue_dma source(%dma_start3A_139 : memref<32x128xf32, #tpu.memory_space<hbm>>) target(%arg16 : memref<32x128xf32, #tpu.memory_space<vmem>>) target_semaphore(%run_scoped3A : memref<!tpu.dma_semaphore, #tpu.memory_space<semaphore_mem>>)
        %dma_wait3A_140 = arith.constant 0 : i32
        %dma_wait3A_141 = tpu.memref_slice %arg5[%mul3A_113, %dma_wait3A_140] : memref<20480x128xf32, #tpu.memory_space<hbm>> -> memref<32x128xf32, #tpu.memory_space<hbm>>
        %dma_wait3A_142 = arith.constant 0 : i32
        %dma_wait3A_143 = tpu.memref_slice %arg5[%mul3A_113, %dma_wait3A_142] : memref<20480x128xf32, #tpu.memory_space<hbm>> -> memref<32x128xf32, #tpu.memory_space<hbm>>
        tpu.wait_dma2 semaphore(%run_scoped3A : memref<!tpu.dma_semaphore, #tpu.memory_space<semaphore_mem>>) src(%dma_wait3A_143 : memref<32x128xf32, #tpu.memory_space<hbm>>) dst(%arg16 : memref<32x128xf32, #tpu.memory_space<vmem>>)
        tpu.yield
      }) : () -> ()
      %dma_wait3A = arith.constant 0 : i32
      %dma_wait3A_122 = arith.constant 0 : i32
      %dma_wait3A_123 = tpu.memref_slice %arg6[%dma_wait3A, %dma_wait3A_122] : memref<10016x128xf32, #tpu.memory_space<hbm>> -> memref<10016x128xf32, #tpu.memory_space<hbm>>
      tpu.wait_indirect_dma semaphore(%arg20 : memref<!tpu.dma_semaphore, #tpu.memory_space<semaphore_mem>>) src(%dma_wait3A_123 : memref<10016x128xf32, #tpu.memory_space<hbm>>) dst(%arg13 : memref<32x128xf32, #tpu.memory_space<vmem>>)
      %dma_wait3A_124 = arith.constant 0 : i32
      %dma_wait3A_125 = arith.constant 0 : i32
      %dma_wait3A_126 = tpu.memref_slice %arg6[%dma_wait3A_124, %dma_wait3A_125] : memref<10016x128xf32, #tpu.memory_space<hbm>> -> memref<10016x128xf32, #tpu.memory_space<hbm>>
      tpu.wait_indirect_dma semaphore(%arg21 : memref<!tpu.dma_semaphore, #tpu.memory_space<semaphore_mem>>) src(%dma_wait3A_126 : memref<10016x128xf32, #tpu.memory_space<hbm>>) dst(%arg14 : memref<32x128xf32, #tpu.memory_space<vmem>>)
      %dma_wait3A_127 = arith.constant 0 : i32
      %dma_wait3A_128 = arith.constant 0 : i32
      %dma_wait3A_129 = tpu.memref_slice %arg6[%dma_wait3A_127, %dma_wait3A_128] : memref<10016x128xf32, #tpu.memory_space<hbm>> -> memref<10016x128xf32, #tpu.memory_space<hbm>>
      tpu.wait_indirect_dma semaphore(%arg22 : memref<!tpu.dma_semaphore, #tpu.memory_space<semaphore_mem>>) src(%dma_wait3A_129 : memref<10016x128xf32, #tpu.memory_space<hbm>>) dst(%arg15 : memref<32x128xf32, #tpu.memory_space<vmem>>)
      %scan3A_130 = arith.constant 0 : i32
      %scan3A_131 = arith.constant 0 : i32
      %scan3A_132 = arith.constant 32 : i32
      %scan3A_133 = arith.addi %scan3A_131, %scan3A_132 : i32
      %scan3A_134 = arith.constant 1 : i32
      scf.for %scan3A_136 = %scan3A_131 to %scan3A_133 step %scan3A_134  : i32 {
        %get3A = arith.index_cast %scan3A_136 : i32 to index
        %get3A_137 = arith.constant 0 : index
        %get3A_138 = tpu.vector_load %arg13[%get3A, %get3A_137] {strides = array<i32>} : memref<32x128xf32, #tpu.memory_space<vmem>>, vector<16xf32>,
        %get3A_139 = arith.index_cast %scan3A_136 : i32 to index
        %get3A_140 = arith.constant 0 : index
        %get3A_141 = tpu.vector_load %arg14[%get3A_139, %get3A_140] {strides = array<i32>} : memref<32x128xf32, #tpu.memory_space<vmem>>, vector<16xf32>,
        %add3A_142 = arith.addf %get3A_138, %get3A_141 : vector<16xf32>
        %get3A_143 = arith.index_cast %scan3A_136 : i32 to index
        %get3A_144 = arith.constant 0 : index
        %get3A_145 = tpu.vector_load %arg15[%get3A_143, %get3A_144] {strides = array<i32>} : memref<32x128xf32, #tpu.memory_space<vmem>>, vector<16xf32>,
        %add3A_146 = arith.addf %add3A_142, %get3A_145 : vector<16xf32>
        %mul3A_147 = vector.broadcast %scan3A_95 : f32 to vector<16xf32>
        %mul3A_148 = arith.mulf %add3A_146, %mul3A_147 : vector<16xf32>
        %get3A_149 = arith.index_cast %scan3A_136 : i32 to index
        %get3A_150 = arith.constant 0 : index
        %get3A_151 = tpu.vector_load %arg16[%get3A_149, %get3A_150] {strides = array<i32>} : memref<32x128xf32, #tpu.memory_space<vmem>>, vector<16xf32>,
        %add3A_152 = arith.addf %mul3A_148, %get3A_151 : vector<16xf32>
        %swap3A = arith.index_cast %scan3A_136 : i32 to index
        %swap3A_153 = arith.constant 0 : index
        %swap3A_154 = tpu.vector_load %arg13[%swap3A, %swap3A_153] {strides = array<i32>} : memref<32x128xf32, #tpu.memory_space<vmem>>, vector<16xf32>,
        tpu.vector_store %arg13[%swap3A, %swap3A_153], %add3A_152 {strides = array<i32>} : memref<32x128xf32, #tpu.memory_space<vmem>>, vector<16xf32>,
        %get3A_155 = arith.index_cast %scan3A_136 : i32 to index
        %get3A_156 = arith.constant 16 : index
        %get3A_157 = tpu.vector_load %arg13[%get3A_155, %get3A_156] {strides = array<i32>} : memref<32x128xf32, #tpu.memory_space<vmem>>, vector<16xf32>,
        %get3A_158 = arith.index_cast %scan3A_136 : i32 to index
        %get3A_159 = arith.constant 16 : index
        %get3A_160 = tpu.vector_load %arg14[%get3A_158, %get3A_159] {strides = array<i32>} : memref<32x128xf32, #tpu.memory_space<vmem>>, vector<16xf32>,
        %add3A_161 = arith.addf %get3A_157, %get3A_160 : vector<16xf32>
        %get3A_162 = arith.index_cast %scan3A_136 : i32 to index
        %get3A_163 = arith.constant 16 : index
        %get3A_164 = tpu.vector_load %arg15[%get3A_162, %get3A_163] {strides = array<i32>} : memref<32x128xf32, #tpu.memory_space<vmem>>, vector<16xf32>,
        %add3A_165 = arith.addf %add3A_161, %get3A_164 : vector<16xf32>
        %mul3A_166 = vector.broadcast %scan3A_95 : f32 to vector<16xf32>
        %mul3A_167 = arith.mulf %add3A_165, %mul3A_166 : vector<16xf32>
        %get3A_168 = arith.index_cast %scan3A_136 : i32 to index
        %get3A_169 = arith.constant 16 : index
        %get3A_170 = tpu.vector_load %arg16[%get3A_168, %get3A_169] {strides = array<i32>} : memref<32x128xf32, #tpu.memory_space<vmem>>, vector<16xf32>,
        %add3A_171 = arith.addf %mul3A_167, %get3A_170 : vector<16xf32>
        %swap3A_172 = arith.index_cast %scan3A_136 : i32 to index
        %swap3A_173 = arith.constant 16 : index
        %swap3A_174 = tpu.vector_load %arg13[%swap3A_172, %swap3A_173] {strides = array<i32>} : memref<32x128xf32, #tpu.memory_space<vmem>>, vector<16xf32>,
        tpu.vector_store %arg13[%swap3A_172, %swap3A_173], %add3A_171 {strides = array<i32>} : memref<32x128xf32, #tpu.memory_space<vmem>>, vector<16xf32>,
        %get3A_175 = arith.index_cast %scan3A_136 : i32 to index
        %get3A_176 = arith.constant 32 : index
        %get3A_177 = tpu.vector_load %arg13[%get3A_175, %get3A_176] {strides = array<i32>} : memref<32x128xf32, #tpu.memory_space<vmem>>, vector<16xf32>,
        %get3A_178 = arith.index_cast %scan3A_136 : i32 to index
        %get3A_179 = arith.constant 32 : index
        %get3A_180 = tpu.vector_load %arg14[%get3A_178, %get3A_179] {strides = array<i32>} : memref<32x128xf32, #tpu.memory_space<vmem>>, vector<16xf32>,
        %add3A_181 = arith.addf %get3A_177, %get3A_180 : vector<16xf32>
        %get3A_182 = arith.index_cast %scan3A_136 : i32 to index
        %get3A_183 = arith.constant 32 : index
        %get3A_184 = tpu.vector_load %arg15[%get3A_182, %get3A_183] {strides = array<i32>} : memref<32x128xf32, #tpu.memory_space<vmem>>, vector<16xf32>,
        %add3A_185 = arith.addf %add3A_181, %get3A_184 : vector<16xf32>
        %mul3A_186 = vector.broadcast %scan3A_95 : f32 to vector<16xf32>
        %mul3A_187 = arith.mulf %add3A_185, %mul3A_186 : vector<16xf32>
        %get3A_188 = arith.index_cast %scan3A_136 : i32 to index
        %get3A_189 = arith.constant 32 : index
        %get3A_190 = tpu.vector_load %arg16[%get3A_188, %get3A_189] {strides = array<i32>} : memref<32x128xf32, #tpu.memory_space<vmem>>, vector<16xf32>,
        %add3A_191 = arith.addf %mul3A_187, %get3A_190 : vector<16xf32>
        %swap3A_192 = arith.index_cast %scan3A_136 : i32 to index
        %swap3A_193 = arith.constant 32 : index
        %swap3A_194 = tpu.vector_load %arg13[%swap3A_192, %swap3A_193] {strides = array<i32>} : memref<32x128xf32, #tpu.memory_space<vmem>>, vector<16xf32>,
        tpu.vector_store %arg13[%swap3A_192, %swap3A_193], %add3A_191 {strides = array<i32>} : memref<32x128xf32, #tpu.memory_space<vmem>>, vector<16xf32>,
        %get3A_195 = arith.index_cast %scan3A_136 : i32 to index
        %get3A_196 = arith.constant 48 : index
        %get3A_197 = tpu.vector_load %arg13[%get3A_195, %get3A_196] {strides = array<i32>} : memref<32x128xf32, #tpu.memory_space<vmem>>, vector<16xf32>,
        %get3A_198 = arith.index_cast %scan3A_136 : i32 to index
        %get3A_199 = arith.constant 48 : index
        %get3A_200 = tpu.vector_load %arg14[%get3A_198, %get3A_199] {strides = array<i32>} : memref<32x128xf32, #tpu.memory_space<vmem>>, vector<16xf32>,
        %add3A_201 = arith.addf %get3A_197, %get3A_200 : vector<16xf32>
        %get3A_202 = arith.index_cast %scan3A_136 : i32 to index
        %get3A_203 = arith.constant 48 : index
        %get3A_204 = tpu.vector_load %arg15[%get3A_202, %get3A_203] {strides = array<i32>} : memref<32x128xf32, #tpu.memory_space<vmem>>, vector<16xf32>,
        %add3A_205 = arith.addf %add3A_201, %get3A_204 : vector<16xf32>
        %mul3A_206 = vector.broadcast %scan3A_95 : f32 to vector<16xf32>
        %mul3A_207 = arith.mulf %add3A_205, %mul3A_206 : vector<16xf32>
        %get3A_208 = arith.index_cast %scan3A_136 : i32 to index
        %get3A_209 = arith.constant 48 : index
        %get3A_210 = tpu.vector_load %arg16[%get3A_208, %get3A_209] {strides = array<i32>} : memref<32x128xf32, #tpu.memory_space<vmem>>, vector<16xf32>,
        %add3A_211 = arith.addf %mul3A_207, %get3A_210 : vector<16xf32>
        %swap3A_212 = arith.index_cast %scan3A_136 : i32 to index
        %swap3A_213 = arith.constant 48 : index
        %swap3A_214 = tpu.vector_load %arg13[%swap3A_212, %swap3A_213] {strides = array<i32>} : memref<32x128xf32, #tpu.memory_space<vmem>>, vector<16xf32>,
        tpu.vector_store %arg13[%swap3A_212, %swap3A_213], %add3A_211 {strides = array<i32>} : memref<32x128xf32, #tpu.memory_space<vmem>>, vector<16xf32>,
        %get3A_215 = arith.index_cast %scan3A_136 : i32 to index
        %get3A_216 = arith.constant 64 : index
        %get3A_217 = tpu.vector_load %arg13[%get3A_215, %get3A_216] {strides = array<i32>} : memref<32x128xf32, #tpu.memory_space<vmem>>, vector<16xf32>,
        %get3A_218 = arith.index_cast %scan3A_136 : i32 to index
        %get3A_219 = arith.constant 64 : index
        %get3A_220 = tpu.vector_load %arg14[%get3A_218, %get3A_219] {strides = array<i32>} : memref<32x128xf32, #tpu.memory_space<vmem>>, vector<16xf32>,
        %add3A_221 = arith.addf %get3A_217, %get3A_220 : vector<16xf32>
        %get3A_222 = arith.index_cast %scan3A_136 : i32 to index
        %get3A_223 = arith.constant 64 : index
        %get3A_224 = tpu.vector_load %arg15[%get3A_222, %get3A_223] {strides = array<i32>} : memref<32x128xf32, #tpu.memory_space<vmem>>, vector<16xf32>,
        %add3A_225 = arith.addf %add3A_221, %get3A_224 : vector<16xf32>
        %mul3A_226 = vector.broadcast %scan3A_95 : f32 to vector<16xf32>
        %mul3A_227 = arith.mulf %add3A_225, %mul3A_226 : vector<16xf32>
        %get3A_228 = arith.index_cast %scan3A_136 : i32 to index
        %get3A_229 = arith.constant 64 : index
        %get3A_230 = tpu.vector_load %arg16[%get3A_228, %get3A_229] {strides = array<i32>} : memref<32x128xf32, #tpu.memory_space<vmem>>, vector<16xf32>,
        %add3A_231 = arith.addf %mul3A_227, %get3A_230 : vector<16xf32>
        %swap3A_232 = arith.index_cast %scan3A_136 : i32 to index
        %swap3A_233 = arith.constant 64 : index
        %swap3A_234 = tpu.vector_load %arg13[%swap3A_232, %swap3A_233] {strides = array<i32>} : memref<32x128xf32, #tpu.memory_space<vmem>>, vector<16xf32>,
        tpu.vector_store %arg13[%swap3A_232, %swap3A_233], %add3A_231 {strides = array<i32>} : memref<32x128xf32, #tpu.memory_space<vmem>>, vector<16xf32>,
        %get3A_235 = arith.index_cast %scan3A_136 : i32 to index
        %get3A_236 = arith.constant 80 : index
        %get3A_237 = tpu.vector_load %arg13[%get3A_235, %get3A_236] {strides = array<i32>} : memref<32x128xf32, #tpu.memory_space<vmem>>, vector<16xf32>,
        %get3A_238 = arith.index_cast %scan3A_136 : i32 to index
        %get3A_239 = arith.constant 80 : index
        %get3A_240 = tpu.vector_load %arg14[%get3A_238, %get3A_239] {strides = array<i32>} : memref<32x128xf32, #tpu.memory_space<vmem>>, vector<16xf32>,
        %add3A_241 = arith.addf %get3A_237, %get3A_240 : vector<16xf32>
        %get3A_242 = arith.index_cast %scan3A_136 : i32 to index
        %get3A_243 = arith.constant 80 : index
        %get3A_244 = tpu.vector_load %arg15[%get3A_242, %get3A_243] {strides = array<i32>} : memref<32x128xf32, #tpu.memory_space<vmem>>, vector<16xf32>,
        %add3A_245 = arith.addf %add3A_241, %get3A_244 : vector<16xf32>
        %mul3A_246 = vector.broadcast %scan3A_95 : f32 to vector<16xf32>
        %mul3A_247 = arith.mulf %add3A_245, %mul3A_246 : vector<16xf32>
        %get3A_248 = arith.index_cast %scan3A_136 : i32 to index
        %get3A_249 = arith.constant 80 : index
        %get3A_250 = tpu.vector_load %arg16[%get3A_248, %get3A_249] {strides = array<i32>} : memref<32x128xf32, #tpu.memory_space<vmem>>, vector<16xf32>,
        %add3A_251 = arith.addf %mul3A_247, %get3A_250 : vector<16xf32>
        %swap3A_252 = arith.index_cast %scan3A_136 : i32 to index
        %swap3A_253 = arith.constant 80 : index
        %swap3A_254 = tpu.vector_load %arg13[%swap3A_252, %swap3A_253] {strides = array<i32>} : memref<32x128xf32, #tpu.memory_space<vmem>>, vector<16xf32>,
        tpu.vector_store %arg13[%swap3A_252, %swap3A_253], %add3A_251 {strides = array<i32>} : memref<32x128xf32, #tpu.memory_space<vmem>>, vector<16xf32>,
        %get3A_255 = arith.index_cast %scan3A_136 : i32 to index
        %get3A_256 = arith.constant 96 : index
        %get3A_257 = tpu.vector_load %arg13[%get3A_255, %get3A_256] {strides = array<i32>} : memref<32x128xf32, #tpu.memory_space<vmem>>, vector<16xf32>,
        %get3A_258 = arith.index_cast %scan3A_136 : i32 to index
        %get3A_259 = arith.constant 96 : index
        %get3A_260 = tpu.vector_load %arg14[%get3A_258, %get3A_259] {strides = array<i32>} : memref<32x128xf32, #tpu.memory_space<vmem>>, vector<16xf32>,
        %add3A_261 = arith.addf %get3A_257, %get3A_260 : vector<16xf32>
        %get3A_262 = arith.index_cast %scan3A_136 : i32 to index
        %get3A_263 = arith.constant 96 : index
        %get3A_264 = tpu.vector_load %arg15[%get3A_262, %get3A_263] {strides = array<i32>} : memref<32x128xf32, #tpu.memory_space<vmem>>, vector<16xf32>,
        %add3A_265 = arith.addf %add3A_261, %get3A_264 : vector<16xf32>
        %mul3A_266 = vector.broadcast %scan3A_95 : f32 to vector<16xf32>
        %mul3A_267 = arith.mulf %add3A_265, %mul3A_266 : vector<16xf32>
        %get3A_268 = arith.index_cast %scan3A_136 : i32 to index
        %get3A_269 = arith.constant 96 : index
        %get3A_270 = tpu.vector_load %arg16[%get3A_268, %get3A_269] {strides = array<i32>} : memref<32x128xf32, #tpu.memory_space<vmem>>, vector<16xf32>,
        %add3A_271 = arith.addf %mul3A_267, %get3A_270 : vector<16xf32>
        %swap3A_272 = arith.index_cast %scan3A_136 : i32 to index
        %swap3A_273 = arith.constant 96 : index
        %swap3A_274 = tpu.vector_load %arg13[%swap3A_272, %swap3A_273] {strides = array<i32>} : memref<32x128xf32, #tpu.memory_space<vmem>>, vector<16xf32>,
        tpu.vector_store %arg13[%swap3A_272, %swap3A_273], %add3A_271 {strides = array<i32>} : memref<32x128xf32, #tpu.memory_space<vmem>>, vector<16xf32>,
        %get3A_275 = arith.index_cast %scan3A_136 : i32 to index
        %get3A_276 = arith.constant 112 : index
        %get3A_277 = tpu.vector_load %arg13[%get3A_275, %get3A_276] {strides = array<i32>} : memref<32x128xf32, #tpu.memory_space<vmem>>, vector<16xf32>,
        %get3A_278 = arith.index_cast %scan3A_136 : i32 to index
        %get3A_279 = arith.constant 112 : index
        %get3A_280 = tpu.vector_load %arg14[%get3A_278, %get3A_279] {strides = array<i32>} : memref<32x128xf32, #tpu.memory_space<vmem>>, vector<16xf32>,
        %add3A_281 = arith.addf %get3A_277, %get3A_280 : vector<16xf32>
        %get3A_282 = arith.index_cast %scan3A_136 : i32 to index
        %get3A_283 = arith.constant 112 : index
        %get3A_284 = tpu.vector_load %arg15[%get3A_282, %get3A_283] {strides = array<i32>} : memref<32x128xf32, #tpu.memory_space<vmem>>, vector<16xf32>,
        %add3A_285 = arith.addf %add3A_281, %get3A_284 : vector<16xf32>
        %mul3A_286 = vector.broadcast %scan3A_95 : f32 to vector<16xf32>
        %mul3A_287 = arith.mulf %add3A_285, %mul3A_286 : vector<16xf32>
        %get3A_288 = arith.index_cast %scan3A_136 : i32 to index
        %get3A_289 = arith.constant 112 : index
        %get3A_290 = tpu.vector_load %arg16[%get3A_288, %get3A_289] {strides = array<i32>} : memref<32x128xf32, #tpu.memory_space<vmem>>, vector<16xf32>,
        %add3A_291 = arith.addf %mul3A_287, %get3A_290 : vector<16xf32>
        %swap3A_292 = arith.index_cast %scan3A_136 : i32 to index
        %swap3A_293 = arith.constant 112 : index
        %swap3A_294 = tpu.vector_load %arg13[%swap3A_292, %swap3A_293] {strides = array<i32>} : memref<32x128xf32, #tpu.memory_space<vmem>>, vector<16xf32>,
        tpu.vector_store %arg13[%swap3A_292, %swap3A_293], %add3A_291 {strides = array<i32>} : memref<32x128xf32, #tpu.memory_space<vmem>>, vector<16xf32>,
      }
      %scan3A_135 = arith.constant 32 : i32
      "tpu.region"() ({
        %run_scoped3A = tpu.sem_alloc : memref<!tpu.dma_semaphore, #tpu.memory_space<semaphore_mem>>
        %dma_start3A_136 = arith.constant 0 : i32
        %dma_start3A_137 = tpu.memref_slice %arg7[%mul3A_113, %dma_start3A_136] : memref<20480x128xf32, #tpu.memory_space<hbm>> -> memref<32x128xf32, #tpu.memory_space<hbm>>
        %dma_start3A_138 = arith.constant 0 : i32
        %dma_start3A_139 = tpu.memref_slice %arg7[%mul3A_113, %dma_start3A_138] : memref<20480x128xf32, #tpu.memory_space<hbm>> -> memref<32x128xf32, #tpu.memory_space<hbm>>
        tpu.enqueue_dma source(%arg13 : memref<32x128xf32, #tpu.memory_space<vmem>>) target(%dma_start3A_139 : memref<32x128xf32, #tpu.memory_space<hbm>>) target_semaphore(%run_scoped3A : memref<!tpu.dma_semaphore, #tpu.memory_space<semaphore_mem>>)
        %dma_wait3A_140 = arith.constant 0 : i32
        %dma_wait3A_141 = tpu.memref_slice %arg7[%mul3A_113, %dma_wait3A_140] : memref<20480x128xf32, #tpu.memory_space<hbm>> -> memref<32x128xf32, #tpu.memory_space<hbm>>
        %dma_wait3A_142 = arith.constant 0 : i32
        %dma_wait3A_143 = tpu.memref_slice %arg7[%mul3A_113, %dma_wait3A_142] : memref<20480x128xf32, #tpu.memory_space<hbm>> -> memref<32x128xf32, #tpu.memory_space<hbm>>
        tpu.wait_dma2 semaphore(%run_scoped3A : memref<!tpu.dma_semaphore, #tpu.memory_space<semaphore_mem>>) src(%arg13 : memref<32x128xf32, #tpu.memory_space<vmem>>) dst(%dma_wait3A_143 : memref<32x128xf32, #tpu.memory_space<hbm>>)
        tpu.yield
      }) : () -> ()
      "tpu.region"() ({
        %run_scoped3A = tpu.sem_alloc : memref<!tpu.dma_semaphore, #tpu.memory_space<semaphore_mem>>
        %dma_start3A_136 = arith.constant 0 : i32
        %dma_start3A_137 = arith.constant 0 : i32
        %dma_start3A_138 = tpu.memref_slice %arg19[%dma_start3A_136, %dma_start3A_137] : memref<10240x128xf32, #tpu.memory_space<vmem_shared>> -> memref<10240x128xf32, #tpu.memory_space<vmem_shared>>
        tpu.enqueue_indirect_dma source(%arg13 : memref<32x128xf32, #tpu.memory_space<vmem>>) target(%dma_start3A_138 : memref<10240x128xf32, #tpu.memory_space<vmem_shared>>) offsets(%arg10 : memref<32xi32, #tpu.memory_space<vmem>>) semaphore(%run_scoped3A : memref<!tpu.dma_semaphore, #tpu.memory_space<semaphore_mem>>) {add = true}
        %dma_wait3A_139 = arith.constant 0 : i32
        %dma_wait3A_140 = arith.constant 0 : i32
        %dma_wait3A_141 = tpu.memref_slice %arg19[%dma_wait3A_139, %dma_wait3A_140] : memref<10240x128xf32, #tpu.memory_space<vmem_shared>> -> memref<10240x128xf32, #tpu.memory_space<vmem_shared>>
        tpu.wait_indirect_dma semaphore(%run_scoped3A : memref<!tpu.dma_semaphore, #tpu.memory_space<semaphore_mem>>) src(%arg13 : memref<32x128xf32, #tpu.memory_space<vmem>>) dst(%dma_wait3A_141 : memref<10240x128xf32, #tpu.memory_space<vmem_shared>>)
        tpu.yield
      }) : () -> ()
      "tpu.region"() ({
        %run_scoped3A = tpu.sem_alloc : memref<!tpu.dma_semaphore, #tpu.memory_space<semaphore_mem>>
        %dma_start3A_136 = arith.constant 0 : i32
        %dma_start3A_137 = arith.constant 0 : i32
        %dma_start3A_138 = tpu.memref_slice %arg19[%dma_start3A_136, %dma_start3A_137] : memref<10240x128xf32, #tpu.memory_space<vmem_shared>> -> memref<10240x128xf32, #tpu.memory_space<vmem_shared>>
        tpu.enqueue_indirect_dma source(%arg13 : memref<32x128xf32, #tpu.memory_space<vmem>>) target(%dma_start3A_138 : memref<10240x128xf32, #tpu.memory_space<vmem_shared>>) offsets(%arg11 : memref<32xi32, #tpu.memory_space<vmem>>) semaphore(%run_scoped3A : memref<!tpu.dma_semaphore, #tpu.memory_space<semaphore_mem>>) {add = true}
        %dma_wait3A_139 = arith.constant 0 : i32
        %dma_wait3A_140 = arith.constant 0 : i32
        %dma_wait3A_141 = tpu.memref_slice %arg19[%dma_wait3A_139, %dma_wait3A_140] : memref<10240x128xf32, #tpu.memory_space<vmem_shared>> -> memref<10240x128xf32, #tpu.memory_space<vmem_shared>>
        tpu.wait_indirect_dma semaphore(%run_scoped3A : memref<!tpu.dma_semaphore, #tpu.memory_space<semaphore_mem>>) src(%arg13 : memref<32x128xf32, #tpu.memory_space<vmem>>) dst(%dma_wait3A_141 : memref<10240x128xf32, #tpu.memory_space<vmem_shared>>)
        tpu.yield
      }) : () -> ()
      "tpu.region"() ({
        %run_scoped3A = tpu.sem_alloc : memref<!tpu.dma_semaphore, #tpu.memory_space<semaphore_mem>>
        %dma_start3A_136 = arith.constant 0 : i32
        %dma_start3A_137 = arith.constant 0 : i32
        %dma_start3A_138 = tpu.memref_slice %arg19[%dma_start3A_136, %dma_start3A_137] : memref<10240x128xf32, #tpu.memory_space<vmem_shared>> -> memref<10240x128xf32, #tpu.memory_space<vmem_shared>>
        tpu.enqueue_indirect_dma source(%arg13 : memref<32x128xf32, #tpu.memory_space<vmem>>) target(%dma_start3A_138 : memref<10240x128xf32, #tpu.memory_space<vmem_shared>>) offsets(%arg12 : memref<32xi32, #tpu.memory_space<vmem>>) semaphore(%run_scoped3A : memref<!tpu.dma_semaphore, #tpu.memory_space<semaphore_mem>>) {add = true}
        %dma_wait3A_139 = arith.constant 0 : i32
        %dma_wait3A_140 = arith.constant 0 : i32
        %dma_wait3A_141 = tpu.memref_slice %arg19[%dma_wait3A_139, %dma_wait3A_140] : memref<10240x128xf32, #tpu.memory_space<vmem_shared>> -> memref<10240x128xf32, #tpu.memory_space<vmem_shared>>
        tpu.wait_indirect_dma semaphore(%run_scoped3A : memref<!tpu.dma_semaphore, #tpu.memory_space<semaphore_mem>>) src(%arg13 : memref<32x128xf32, #tpu.memory_space<vmem>>) dst(%dma_wait3A_141 : memref<10240x128xf32, #tpu.memory_space<vmem_shared>>)
        tpu.yield
      }) : () -> ()
      "tpu.region"() ({
        %run_scoped3A = tpu.sem_alloc : memref<!tpu.dma_semaphore, #tpu.memory_space<semaphore_mem>>
        %dma_start3A_136 = arith.constant 0 : i32
        %dma_start3A_137 = arith.constant 0 : i32
        %dma_start3A_138 = tpu.memref_slice %arg18[%dma_start3A_136, %dma_start3A_137] : memref<10240x16xf32, #tpu.memory_space<vmem_shared>> -> memref<10240x16xf32, #tpu.memory_space<vmem_shared>>
        tpu.enqueue_indirect_dma source(%arg17 : memref<32x16xf32, #tpu.memory_space<vmem>>) target(%dma_start3A_138 : memref<10240x16xf32, #tpu.memory_space<vmem_shared>>) offsets(%arg10 : memref<32xi32, #tpu.memory_space<vmem>>) semaphore(%run_scoped3A : memref<!tpu.dma_semaphore, #tpu.memory_space<semaphore_mem>>) {add = true}
        %dma_wait3A_139 = arith.constant 0 : i32
        %dma_wait3A_140 = arith.constant 0 : i32
        %dma_wait3A_141 = tpu.memref_slice %arg18[%dma_wait3A_139, %dma_wait3A_140] : memref<10240x16xf32, #tpu.memory_space<vmem_shared>> -> memref<10240x16xf32, #tpu.memory_space<vmem_shared>>
        tpu.wait_indirect_dma semaphore(%run_scoped3A : memref<!tpu.dma_semaphore, #tpu.memory_space<semaphore_mem>>) src(%arg17 : memref<32x16xf32, #tpu.memory_space<vmem>>) dst(%dma_wait3A_141 : memref<10240x16xf32, #tpu.memory_space<vmem_shared>>)
        tpu.yield
      }) : () -> ()
      "tpu.region"() ({
        %run_scoped3A = tpu.sem_alloc : memref<!tpu.dma_semaphore, #tpu.memory_space<semaphore_mem>>
        %dma_start3A_136 = arith.constant 0 : i32
        %dma_start3A_137 = arith.constant 0 : i32
        %dma_start3A_138 = tpu.memref_slice %arg18[%dma_start3A_136, %dma_start3A_137] : memref<10240x16xf32, #tpu.memory_space<vmem_shared>> -> memref<10240x16xf32, #tpu.memory_space<vmem_shared>>
        tpu.enqueue_indirect_dma source(%arg17 : memref<32x16xf32, #tpu.memory_space<vmem>>) target(%dma_start3A_138 : memref<10240x16xf32, #tpu.memory_space<vmem_shared>>) offsets(%arg11 : memref<32xi32, #tpu.memory_space<vmem>>) semaphore(%run_scoped3A : memref<!tpu.dma_semaphore, #tpu.memory_space<semaphore_mem>>) {add = true}
        %dma_wait3A_139 = arith.constant 0 : i32
        %dma_wait3A_140 = arith.constant 0 : i32
        %dma_wait3A_141 = tpu.memref_slice %arg18[%dma_wait3A_139, %dma_wait3A_140] : memref<10240x16xf32, #tpu.memory_space<vmem_shared>> -> memref<10240x16xf32, #tpu.memory_space<vmem_shared>>
        tpu.wait_indirect_dma semaphore(%run_scoped3A : memref<!tpu.dma_semaphore, #tpu.memory_space<semaphore_mem>>) src(%arg17 : memref<32x16xf32, #tpu.memory_space<vmem>>) dst(%dma_wait3A_141 : memref<10240x16xf32, #tpu.memory_space<vmem_shared>>)
        tpu.yield
      }) : () -> ()
      "tpu.region"() ({
        %run_scoped3A = tpu.sem_alloc : memref<!tpu.dma_semaphore, #tpu.memory_space<semaphore_mem>>
        %dma_start3A_136 = arith.constant 0 : i32
        %dma_start3A_137 = arith.constant 0 : i32
        %dma_start3A_138 = tpu.memref_slice %arg18[%dma_start3A_136, %dma_start3A_137] : memref<10240x16xf32, #tpu.memory_space<vmem_shared>> -> memref<10240x16xf32, #tpu.memory_space<vmem_shared>>
        tpu.enqueue_indirect_dma source(%arg17 : memref<32x16xf32, #tpu.memory_space<vmem>>) target(%dma_start3A_138 : memref<10240x16xf32, #tpu.memory_space<vmem_shared>>) offsets(%arg12 : memref<32xi32, #tpu.memory_space<vmem>>) semaphore(%run_scoped3A : memref<!tpu.dma_semaphore, #tpu.memory_space<semaphore_mem>>) {add = true}
        %dma_wait3A_139 = arith.constant 0 : i32
        %dma_wait3A_140 = arith.constant 0 : i32
        %dma_wait3A_141 = tpu.memref_slice %arg18[%dma_wait3A_139, %dma_wait3A_140] : memref<10240x16xf32, #tpu.memory_space<vmem_shared>> -> memref<10240x16xf32, #tpu.memory_space<vmem_shared>>
        tpu.wait_indirect_dma semaphore(%run_scoped3A : memref<!tpu.dma_semaphore, #tpu.memory_space<semaphore_mem>>) src(%arg17 : memref<32x16xf32, #tpu.memory_space<vmem>>) dst(%dma_wait3A_141 : memref<10240x16xf32, #tpu.memory_space<vmem_shared>>)
        tpu.yield
      }) : () -> ()
    }
    %scan3A_100 = arith.constant 20 : i32
    %barrier3A_101 = arith.constant 0 : index
    tpu.barrier barrier_id(%barrier3A_101)
    %mul3A_102 = arith.constant 10240 : i32
    %mul3A_103 = arith.muli %arg0, %mul3A_102 : i32
    %add3A_104 = arith.addi %mul3A_103, %mul3A_6 : i32
    "tpu.region"() ({
      %run_scoped3A = tpu.sem_alloc : memref<!tpu.dma_semaphore, #tpu.memory_space<semaphore_mem>>
      %dma_start3A = arith.constant 0 : i32
      %dma_start3A_105 = tpu.memref_slice %arg8[%add3A_104, %dma_start3A] : memref<20480x128xf32, #tpu.memory_space<hbm>> -> memref<640x128xf32, #tpu.memory_space<hbm>>
      %dma_start3A_106 = arith.constant 0 : i32
      %dma_start3A_107 = tpu.memref_slice %arg19[%mul3A_6, %dma_start3A_106] : memref<10240x128xf32, #tpu.memory_space<vmem_shared>> -> memref<640x128xf32, #tpu.memory_space<vmem_shared>>
      tpu.enqueue_dma source(%dma_start3A_107 : memref<640x128xf32, #tpu.memory_space<vmem_shared>>) target(%dma_start3A_105 : memref<640x128xf32, #tpu.memory_space<hbm>>) target_semaphore(%run_scoped3A : memref<!tpu.dma_semaphore, #tpu.memory_space<semaphore_mem>>)
      %dma_wait3A = arith.constant 0 : i32
      %dma_wait3A_108 = tpu.memref_slice %arg8[%add3A_104, %dma_wait3A] : memref<20480x128xf32, #tpu.memory_space<hbm>> -> memref<640x128xf32, #tpu.memory_space<hbm>>
      %dma_wait3A_109 = arith.constant 0 : i32
      %dma_wait3A_110 = tpu.memref_slice %arg19[%mul3A_6, %dma_wait3A_109] : memref<10240x128xf32, #tpu.memory_space<vmem_shared>> -> memref<640x128xf32, #tpu.memory_space<vmem_shared>>
      tpu.wait_dma2 semaphore(%run_scoped3A : memref<!tpu.dma_semaphore, #tpu.memory_space<semaphore_mem>>) src(%dma_wait3A_110 : memref<640x128xf32, #tpu.memory_space<vmem_shared>>) dst(%dma_wait3A_108 : memref<640x128xf32, #tpu.memory_space<hbm>>)
      tpu.yield
    }) : () -> ()
    "tpu.region"() ({
      %run_scoped3A = tpu.sem_alloc : memref<!tpu.dma_semaphore, #tpu.memory_space<semaphore_mem>>
      %dma_start3A = arith.constant 0 : i32
      %dma_start3A_105 = tpu.memref_slice %arg9[%add3A_104, %dma_start3A] : memref<20480x16xf32, #tpu.memory_space<hbm>> -> memref<640x16xf32, #tpu.memory_space<hbm>>
      %dma_start3A_106 = arith.constant 0 : i32
      %dma_start3A_107 = tpu.memref_slice %arg18[%mul3A_6, %dma_start3A_106] : memref<10240x16xf32, #tpu.memory_space<vmem_shared>> -> memref<640x16xf32, #tpu.memory_space<vmem_shared>>
      tpu.enqueue_dma source(%dma_start3A_107 : memref<640x16xf32, #tpu.memory_space<vmem_shared>>) target(%dma_start3A_105 : memref<640x16xf32, #tpu.memory_space<hbm>>) target_semaphore(%run_scoped3A : memref<!tpu.dma_semaphore, #tpu.memory_space<semaphore_mem>>)
      %dma_wait3A = arith.constant 0 : i32
      %dma_wait3A_108 = tpu.memref_slice %arg9[%add3A_104, %dma_wait3A] : memref<20480x16xf32, #tpu.memory_space<hbm>> -> memref<640x16xf32, #tpu.memory_space<hbm>>
      %dma_wait3A_109 = arith.constant 0 : i32
      %dma_wait3A_110 = tpu.memref_slice %arg18[%mul3A_6, %dma_wait3A_109] : memref<10240x16xf32, #tpu.memory_space<vmem_shared>> -> memref<640x16xf32, #tpu.memory_space<vmem_shared>>
      tpu.wait_dma2 semaphore(%run_scoped3A : memref<!tpu.dma_semaphore, #tpu.memory_space<semaphore_mem>>) src(%dma_wait3A_110 : memref<640x16xf32, #tpu.memory_space<vmem_shared>>) dst(%dma_wait3A_108 : memref<640x16xf32, #tpu.memory_space<hbm>>)
      tpu.yield
    }) : () -> ()
    return
  }
}

#map = affine_map<(d0, d1) -> (0)>
#map1 = affine_map<(d0, d1) -> (0, 0)>
module attributes {stable_mosaic.version = 14 : i64} {
  func.func @_edge_stage(%arg0: i32, %arg1: i32, %arg2: memref<320000xi32, #tpu.memory_space<hbm>>, %arg3: memref<320000xi32, #tpu.memory_space<hbm>>, %arg4: memref<320000x128xf32, #tpu.memory_space<hbm>>, %arg5: memref<10000x128xf32, #tpu.memory_space<hbm>>, %arg6: memref<20480x128xf32, #tpu.memory_space<hbm>>, %arg7: memref<20480x16xf32, #tpu.memory_space<hbm>>, %arg8: memref<40xi32, #tpu.memory_space<vmem>>, %arg9: memref<40xi32, #tpu.memory_space<vmem>>, %arg10: memref<40x128xf32, #tpu.memory_space<vmem>>, %arg11: memref<40x128xf32, #tpu.memory_space<vmem>>, %arg12: memref<40x128xf32, #tpu.memory_space<vmem>>, %arg13: memref<40x16xf32, #tpu.memory_space<vmem>>, %arg14: memref<40x16xf32, #tpu.memory_space<vmem>>, %arg15: memref<10240x16xf32, #tpu.memory_space<vmem_shared>>, %arg16: memref<10240x128xf32, #tpu.memory_space<vmem_shared>>, %arg17: memref<!tpu.dma_semaphore, #tpu.memory_space<semaphore_mem>>, %arg18: memref<!tpu.dma_semaphore, #tpu.memory_space<semaphore_mem>>) attributes {dimension_semantics = [#tpu.dimension_semantics<core_parallel>, #tpu.dimension_semantics<subcore_parallel>], iteration_bounds = array<i64: 2, 16>, scalar_prefetch = 0 : i64, scratch_operands = 11 : i64, tpu.core_type = #tpu.core_type<sc_vector_subcore>, window_params = [{transform_indices = #map}, {transform_indices = #map}, {transform_indices = #map1}, {transform_indices = #map1}, {transform_indices = #map1}, {transform_indices = #map1}]} {
    %broadcast_in_dim3A = arith.constant 0.000000e+00 : f32
    %broadcast_in_dim3A_0 = vector.broadcast %broadcast_in_dim3A : f32 to vector<16xf32>
    %scan3A = arith.constant 0 : i32
    %scan3A_1 = arith.constant 0 : i32
    %scan3A_2 = arith.constant 40 : i32
    %scan3A_3 = arith.addi %scan3A_1, %scan3A_2 : i32
    %scan3A_4 = arith.constant 1 : i32
    scf.for %scan3A_81 = %scan3A_1 to %scan3A_3 step %scan3A_4  : i32 {
      %swap3A = arith.index_cast %scan3A_81 : i32 to index
      %swap3A_82 = arith.constant 0 : index
      %swap3A_83 = tpu.vector_load %arg10[%swap3A, %swap3A_82] {strides = array<i32>} : memref<40x128xf32, #tpu.memory_space<vmem>>, vector<16xf32>,
      tpu.vector_store %arg10[%swap3A, %swap3A_82], %broadcast_in_dim3A_0 {strides = array<i32>} : memref<40x128xf32, #tpu.memory_space<vmem>>, vector<16xf32>,
      %swap3A_84 = arith.index_cast %scan3A_81 : i32 to index
      %swap3A_85 = arith.constant 16 : index
      %swap3A_86 = tpu.vector_load %arg10[%swap3A_84, %swap3A_85] {strides = array<i32>} : memref<40x128xf32, #tpu.memory_space<vmem>>, vector<16xf32>,
      tpu.vector_store %arg10[%swap3A_84, %swap3A_85], %broadcast_in_dim3A_0 {strides = array<i32>} : memref<40x128xf32, #tpu.memory_space<vmem>>, vector<16xf32>,
      %swap3A_87 = arith.index_cast %scan3A_81 : i32 to index
      %swap3A_88 = arith.constant 32 : index
      %swap3A_89 = tpu.vector_load %arg10[%swap3A_87, %swap3A_88] {strides = array<i32>} : memref<40x128xf32, #tpu.memory_space<vmem>>, vector<16xf32>,
      tpu.vector_store %arg10[%swap3A_87, %swap3A_88], %broadcast_in_dim3A_0 {strides = array<i32>} : memref<40x128xf32, #tpu.memory_space<vmem>>, vector<16xf32>,
      %swap3A_90 = arith.index_cast %scan3A_81 : i32 to index
      %swap3A_91 = arith.constant 48 : index
      %swap3A_92 = tpu.vector_load %arg10[%swap3A_90, %swap3A_91] {strides = array<i32>} : memref<40x128xf32, #tpu.memory_space<vmem>>, vector<16xf32>,
      tpu.vector_store %arg10[%swap3A_90, %swap3A_91], %broadcast_in_dim3A_0 {strides = array<i32>} : memref<40x128xf32, #tpu.memory_space<vmem>>, vector<16xf32>,
      %swap3A_93 = arith.index_cast %scan3A_81 : i32 to index
      %swap3A_94 = arith.constant 64 : index
      %swap3A_95 = tpu.vector_load %arg10[%swap3A_93, %swap3A_94] {strides = array<i32>} : memref<40x128xf32, #tpu.memory_space<vmem>>, vector<16xf32>,
      tpu.vector_store %arg10[%swap3A_93, %swap3A_94], %broadcast_in_dim3A_0 {strides = array<i32>} : memref<40x128xf32, #tpu.memory_space<vmem>>, vector<16xf32>,
      %swap3A_96 = arith.index_cast %scan3A_81 : i32 to index
      %swap3A_97 = arith.constant 80 : index
      %swap3A_98 = tpu.vector_load %arg10[%swap3A_96, %swap3A_97] {strides = array<i32>} : memref<40x128xf32, #tpu.memory_space<vmem>>, vector<16xf32>,
      tpu.vector_store %arg10[%swap3A_96, %swap3A_97], %broadcast_in_dim3A_0 {strides = array<i32>} : memref<40x128xf32, #tpu.memory_space<vmem>>, vector<16xf32>,
      %swap3A_99 = arith.index_cast %scan3A_81 : i32 to index
      %swap3A_100 = arith.constant 96 : index
      %swap3A_101 = tpu.vector_load %arg10[%swap3A_99, %swap3A_100] {strides = array<i32>} : memref<40x128xf32, #tpu.memory_space<vmem>>, vector<16xf32>,
      tpu.vector_store %arg10[%swap3A_99, %swap3A_100], %broadcast_in_dim3A_0 {strides = array<i32>} : memref<40x128xf32, #tpu.memory_space<vmem>>, vector<16xf32>,
      %swap3A_102 = arith.index_cast %scan3A_81 : i32 to index
      %swap3A_103 = arith.constant 112 : index
      %swap3A_104 = tpu.vector_load %arg10[%swap3A_102, %swap3A_103] {strides = array<i32>} : memref<40x128xf32, #tpu.memory_space<vmem>>, vector<16xf32>,
      tpu.vector_store %arg10[%swap3A_102, %swap3A_103], %broadcast_in_dim3A_0 {strides = array<i32>} : memref<40x128xf32, #tpu.memory_space<vmem>>, vector<16xf32>,
      %swap3A_105 = arith.index_cast %scan3A_81 : i32 to index
      %swap3A_106 = arith.constant 0 : index
      %swap3A_107 = tpu.vector_load %arg13[%swap3A_105, %swap3A_106] {strides = array<i32>} : memref<40x16xf32, #tpu.memory_space<vmem>>, vector<16xf32>,
      tpu.vector_store %arg13[%swap3A_105, %swap3A_106], %broadcast_in_dim3A_0 {strides = array<i32>} : memref<40x16xf32, #tpu.memory_space<vmem>>, vector<16xf32>,
    }
    %scan3A_5 = arith.constant 40 : i32
    %mul3A = arith.constant 640 : i32
    %mul3A_6 = arith.muli %arg1, %mul3A : i32
    %add3A = arith.constant 0 : i32
    %add3A_7 = arith.addi %mul3A_6, %add3A : i32
    "tpu.region"() ({
      %run_scoped3A = tpu.sem_alloc : memref<!tpu.dma_semaphore, #tpu.memory_space<semaphore_mem>>
      %dma_start3A = arith.constant 0 : i32
      %dma_start3A_81 = tpu.memref_slice %arg16[%add3A_7, %dma_start3A] : memref<10240x128xf32, #tpu.memory_space<vmem_shared>> -> memref<40x128xf32, #tpu.memory_space<vmem_shared>>
      %dma_start3A_82 = arith.constant 0 : i32
      %dma_start3A_83 = tpu.memref_slice %arg16[%add3A_7, %dma_start3A_82] : memref<10240x128xf32, #tpu.memory_space<vmem_shared>> -> memref<40x128xf32, #tpu.memory_space<vmem_shared>>
      tpu.enqueue_dma source(%arg10 : memref<40x128xf32, #tpu.memory_space<vmem>>) target(%dma_start3A_83 : memref<40x128xf32, #tpu.memory_space<vmem_shared>>) target_semaphore(%run_scoped3A : memref<!tpu.dma_semaphore, #tpu.memory_space<semaphore_mem>>)
      %dma_wait3A = arith.constant 0 : i32
      %dma_wait3A_84 = tpu.memref_slice %arg16[%add3A_7, %dma_wait3A] : memref<10240x128xf32, #tpu.memory_space<vmem_shared>> -> memref<40x128xf32, #tpu.memory_space<vmem_shared>>
      %dma_wait3A_85 = arith.constant 0 : i32
      %dma_wait3A_86 = tpu.memref_slice %arg16[%add3A_7, %dma_wait3A_85] : memref<10240x128xf32, #tpu.memory_space<vmem_shared>> -> memref<40x128xf32, #tpu.memory_space<vmem_shared>>
      tpu.wait_dma2 semaphore(%run_scoped3A : memref<!tpu.dma_semaphore, #tpu.memory_space<semaphore_mem>>) src(%arg10 : memref<40x128xf32, #tpu.memory_space<vmem>>) dst(%dma_wait3A_86 : memref<40x128xf32, #tpu.memory_space<vmem_shared>>)
      tpu.yield
    }) : () -> ()
    %add3A_8 = arith.constant 0 : i32
    %add3A_9 = arith.addi %mul3A_6, %add3A_8 : i32
    "tpu.region"() ({
      %run_scoped3A = tpu.sem_alloc : memref<!tpu.dma_semaphore, #tpu.memory_space<semaphore_mem>>
      %dma_start3A = arith.constant 0 : i32
      %dma_start3A_81 = tpu.memref_slice %arg15[%add3A_9, %dma_start3A] : memref<10240x16xf32, #tpu.memory_space<vmem_shared>> -> memref<40x16xf32, #tpu.memory_space<vmem_shared>>
      %dma_start3A_82 = arith.constant 0 : i32
      %dma_start3A_83 = tpu.memref_slice %arg15[%add3A_9, %dma_start3A_82] : memref<10240x16xf32, #tpu.memory_space<vmem_shared>> -> memref<40x16xf32, #tpu.memory_space<vmem_shared>>
      tpu.enqueue_dma source(%arg13 : memref<40x16xf32, #tpu.memory_space<vmem>>) target(%dma_start3A_83 : memref<40x16xf32, #tpu.memory_space<vmem_shared>>) target_semaphore(%run_scoped3A : memref<!tpu.dma_semaphore, #tpu.memory_space<semaphore_mem>>)
      %dma_wait3A = arith.constant 0 : i32
      %dma_wait3A_84 = tpu.memref_slice %arg15[%add3A_9, %dma_wait3A] : memref<10240x16xf32, #tpu.memory_space<vmem_shared>> -> memref<40x16xf32, #tpu.memory_space<vmem_shared>>
      %dma_wait3A_85 = arith.constant 0 : i32
      %dma_wait3A_86 = tpu.memref_slice %arg15[%add3A_9, %dma_wait3A_85] : memref<10240x16xf32, #tpu.memory_space<vmem_shared>> -> memref<40x16xf32, #tpu.memory_space<vmem_shared>>
      tpu.wait_dma2 semaphore(%run_scoped3A : memref<!tpu.dma_semaphore, #tpu.memory_space<semaphore_mem>>) src(%arg13 : memref<40x16xf32, #tpu.memory_space<vmem>>) dst(%dma_wait3A_86 : memref<40x16xf32, #tpu.memory_space<vmem_shared>>)
      tpu.yield
    }) : () -> ()
    %add3A_10 = arith.constant 40 : i32
    %add3A_11 = arith.addi %mul3A_6, %add3A_10 : i32
    "tpu.region"() ({
      %run_scoped3A = tpu.sem_alloc : memref<!tpu.dma_semaphore, #tpu.memory_space<semaphore_mem>>
      %dma_start3A = arith.constant 0 : i32
      %dma_start3A_81 = tpu.memref_slice %arg16[%add3A_11, %dma_start3A] : memref<10240x128xf32, #tpu.memory_space<vmem_shared>> -> memref<40x128xf32, #tpu.memory_space<vmem_shared>>
      %dma_start3A_82 = arith.constant 0 : i32
      %dma_start3A_83 = tpu.memref_slice %arg16[%add3A_11, %dma_start3A_82] : memref<10240x128xf32, #tpu.memory_space<vmem_shared>> -> memref<40x128xf32, #tpu.memory_space<vmem_shared>>
      tpu.enqueue_dma source(%arg10 : memref<40x128xf32, #tpu.memory_space<vmem>>) target(%dma_start3A_83 : memref<40x128xf32, #tpu.memory_space<vmem_shared>>) target_semaphore(%run_scoped3A : memref<!tpu.dma_semaphore, #tpu.memory_space<semaphore_mem>>)
      %dma_wait3A = arith.constant 0 : i32
      %dma_wait3A_84 = tpu.memref_slice %arg16[%add3A_11, %dma_wait3A] : memref<10240x128xf32, #tpu.memory_space<vmem_shared>> -> memref<40x128xf32, #tpu.memory_space<vmem_shared>>
      %dma_wait3A_85 = arith.constant 0 : i32
      %dma_wait3A_86 = tpu.memref_slice %arg16[%add3A_11, %dma_wait3A_85] : memref<10240x128xf32, #tpu.memory_space<vmem_shared>> -> memref<40x128xf32, #tpu.memory_space<vmem_shared>>
      tpu.wait_dma2 semaphore(%run_scoped3A : memref<!tpu.dma_semaphore, #tpu.memory_space<semaphore_mem>>) src(%arg10 : memref<40x128xf32, #tpu.memory_space<vmem>>) dst(%dma_wait3A_86 : memref<40x128xf32, #tpu.memory_space<vmem_shared>>)
      tpu.yield
    }) : () -> ()
    %add3A_12 = arith.constant 40 : i32
    %add3A_13 = arith.addi %mul3A_6, %add3A_12 : i32
    "tpu.region"() ({
      %run_scoped3A = tpu.sem_alloc : memref<!tpu.dma_semaphore, #tpu.memory_space<semaphore_mem>>
      %dma_start3A = arith.constant 0 : i32
      %dma_start3A_81 = tpu.memref_slice %arg15[%add3A_13, %dma_start3A] : memref<10240x16xf32, #tpu.memory_space<vmem_shared>> -> memref<40x16xf32, #tpu.memory_space<vmem_shared>>
      %dma_start3A_82 = arith.constant 0 : i32
      %dma_start3A_83 = tpu.memref_slice %arg15[%add3A_13, %dma_start3A_82] : memref<10240x16xf32, #tpu.memory_space<vmem_shared>> -> memref<40x16xf32, #tpu.memory_space<vmem_shared>>
      tpu.enqueue_dma source(%arg13 : memref<40x16xf32, #tpu.memory_space<vmem>>) target(%dma_start3A_83 : memref<40x16xf32, #tpu.memory_space<vmem_shared>>) target_semaphore(%run_scoped3A : memref<!tpu.dma_semaphore, #tpu.memory_space<semaphore_mem>>)
      %dma_wait3A = arith.constant 0 : i32
      %dma_wait3A_84 = tpu.memref_slice %arg15[%add3A_13, %dma_wait3A] : memref<10240x16xf32, #tpu.memory_space<vmem_shared>> -> memref<40x16xf32, #tpu.memory_space<vmem_shared>>
      %dma_wait3A_85 = arith.constant 0 : i32
      %dma_wait3A_86 = tpu.memref_slice %arg15[%add3A_13, %dma_wait3A_85] : memref<10240x16xf32, #tpu.memory_space<vmem_shared>> -> memref<40x16xf32, #tpu.memory_space<vmem_shared>>
      tpu.wait_dma2 semaphore(%run_scoped3A : memref<!tpu.dma_semaphore, #tpu.memory_space<semaphore_mem>>) src(%arg13 : memref<40x16xf32, #tpu.memory_space<vmem>>) dst(%dma_wait3A_86 : memref<40x16xf32, #tpu.memory_space<vmem_shared>>)
      tpu.yield
    }) : () -> ()
    %add3A_14 = arith.constant 80 : i32
    %add3A_15 = arith.addi %mul3A_6, %add3A_14 : i32
    "tpu.region"() ({
      %run_scoped3A = tpu.sem_alloc : memref<!tpu.dma_semaphore, #tpu.memory_space<semaphore_mem>>
      %dma_start3A = arith.constant 0 : i32
      %dma_start3A_81 = tpu.memref_slice %arg16[%add3A_15, %dma_start3A] : memref<10240x128xf32, #tpu.memory_space<vmem_shared>> -> memref<40x128xf32, #tpu.memory_space<vmem_shared>>
      %dma_start3A_82 = arith.constant 0 : i32
      %dma_start3A_83 = tpu.memref_slice %arg16[%add3A_15, %dma_start3A_82] : memref<10240x128xf32, #tpu.memory_space<vmem_shared>> -> memref<40x128xf32, #tpu.memory_space<vmem_shared>>
      tpu.enqueue_dma source(%arg10 : memref<40x128xf32, #tpu.memory_space<vmem>>) target(%dma_start3A_83 : memref<40x128xf32, #tpu.memory_space<vmem_shared>>) target_semaphore(%run_scoped3A : memref<!tpu.dma_semaphore, #tpu.memory_space<semaphore_mem>>)
      %dma_wait3A = arith.constant 0 : i32
      %dma_wait3A_84 = tpu.memref_slice %arg16[%add3A_15, %dma_wait3A] : memref<10240x128xf32, #tpu.memory_space<vmem_shared>> -> memref<40x128xf32, #tpu.memory_space<vmem_shared>>
      %dma_wait3A_85 = arith.constant 0 : i32
      %dma_wait3A_86 = tpu.memref_slice %arg16[%add3A_15, %dma_wait3A_85] : memref<10240x128xf32, #tpu.memory_space<vmem_shared>> -> memref<40x128xf32, #tpu.memory_space<vmem_shared>>
      tpu.wait_dma2 semaphore(%run_scoped3A : memref<!tpu.dma_semaphore, #tpu.memory_space<semaphore_mem>>) src(%arg10 : memref<40x128xf32, #tpu.memory_space<vmem>>) dst(%dma_wait3A_86 : memref<40x128xf32, #tpu.memory_space<vmem_shared>>)
      tpu.yield
    }) : () -> ()
    %add3A_16 = arith.constant 80 : i32
    %add3A_17 = arith.addi %mul3A_6, %add3A_16 : i32
    "tpu.region"() ({
      %run_scoped3A = tpu.sem_alloc : memref<!tpu.dma_semaphore, #tpu.memory_space<semaphore_mem>>
      %dma_start3A = arith.constant 0 : i32
      %dma_start3A_81 = tpu.memref_slice %arg15[%add3A_17, %dma_start3A] : memref<10240x16xf32, #tpu.memory_space<vmem_shared>> -> memref<40x16xf32, #tpu.memory_space<vmem_shared>>
      %dma_start3A_82 = arith.constant 0 : i32
      %dma_start3A_83 = tpu.memref_slice %arg15[%add3A_17, %dma_start3A_82] : memref<10240x16xf32, #tpu.memory_space<vmem_shared>> -> memref<40x16xf32, #tpu.memory_space<vmem_shared>>
      tpu.enqueue_dma source(%arg13 : memref<40x16xf32, #tpu.memory_space<vmem>>) target(%dma_start3A_83 : memref<40x16xf32, #tpu.memory_space<vmem_shared>>) target_semaphore(%run_scoped3A : memref<!tpu.dma_semaphore, #tpu.memory_space<semaphore_mem>>)
      %dma_wait3A = arith.constant 0 : i32
      %dma_wait3A_84 = tpu.memref_slice %arg15[%add3A_17, %dma_wait3A] : memref<10240x16xf32, #tpu.memory_space<vmem_shared>> -> memref<40x16xf32, #tpu.memory_space<vmem_shared>>
      %dma_wait3A_85 = arith.constant 0 : i32
      %dma_wait3A_86 = tpu.memref_slice %arg15[%add3A_17, %dma_wait3A_85] : memref<10240x16xf32, #tpu.memory_space<vmem_shared>> -> memref<40x16xf32, #tpu.memory_space<vmem_shared>>
      tpu.wait_dma2 semaphore(%run_scoped3A : memref<!tpu.dma_semaphore, #tpu.memory_space<semaphore_mem>>) src(%arg13 : memref<40x16xf32, #tpu.memory_space<vmem>>) dst(%dma_wait3A_86 : memref<40x16xf32, #tpu.memory_space<vmem_shared>>)
      tpu.yield
    }) : () -> ()
    %add3A_18 = arith.constant 120 : i32
    %add3A_19 = arith.addi %mul3A_6, %add3A_18 : i32
    "tpu.region"() ({
      %run_scoped3A = tpu.sem_alloc : memref<!tpu.dma_semaphore, #tpu.memory_space<semaphore_mem>>
      %dma_start3A = arith.constant 0 : i32
      %dma_start3A_81 = tpu.memref_slice %arg16[%add3A_19, %dma_start3A] : memref<10240x128xf32, #tpu.memory_space<vmem_shared>> -> memref<40x128xf32, #tpu.memory_space<vmem_shared>>
      %dma_start3A_82 = arith.constant 0 : i32
      %dma_start3A_83 = tpu.memref_slice %arg16[%add3A_19, %dma_start3A_82] : memref<10240x128xf32, #tpu.memory_space<vmem_shared>> -> memref<40x128xf32, #tpu.memory_space<vmem_shared>>
      tpu.enqueue_dma source(%arg10 : memref<40x128xf32, #tpu.memory_space<vmem>>) target(%dma_start3A_83 : memref<40x128xf32, #tpu.memory_space<vmem_shared>>) target_semaphore(%run_scoped3A : memref<!tpu.dma_semaphore, #tpu.memory_space<semaphore_mem>>)
      %dma_wait3A = arith.constant 0 : i32
      %dma_wait3A_84 = tpu.memref_slice %arg16[%add3A_19, %dma_wait3A] : memref<10240x128xf32, #tpu.memory_space<vmem_shared>> -> memref<40x128xf32, #tpu.memory_space<vmem_shared>>
      %dma_wait3A_85 = arith.constant 0 : i32
      %dma_wait3A_86 = tpu.memref_slice %arg16[%add3A_19, %dma_wait3A_85] : memref<10240x128xf32, #tpu.memory_space<vmem_shared>> -> memref<40x128xf32, #tpu.memory_space<vmem_shared>>
      tpu.wait_dma2 semaphore(%run_scoped3A : memref<!tpu.dma_semaphore, #tpu.memory_space<semaphore_mem>>) src(%arg10 : memref<40x128xf32, #tpu.memory_space<vmem>>) dst(%dma_wait3A_86 : memref<40x128xf32, #tpu.memory_space<vmem_shared>>)
      tpu.yield
    }) : () -> ()
    %add3A_20 = arith.constant 120 : i32
    %add3A_21 = arith.addi %mul3A_6, %add3A_20 : i32
    "tpu.region"() ({
      %run_scoped3A = tpu.sem_alloc : memref<!tpu.dma_semaphore, #tpu.memory_space<semaphore_mem>>
      %dma_start3A = arith.constant 0 : i32
      %dma_start3A_81 = tpu.memref_slice %arg15[%add3A_21, %dma_start3A] : memref<10240x16xf32, #tpu.memory_space<vmem_shared>> -> memref<40x16xf32, #tpu.memory_space<vmem_shared>>
      %dma_start3A_82 = arith.constant 0 : i32
      %dma_start3A_83 = tpu.memref_slice %arg15[%add3A_21, %dma_start3A_82] : memref<10240x16xf32, #tpu.memory_space<vmem_shared>> -> memref<40x16xf32, #tpu.memory_space<vmem_shared>>
      tpu.enqueue_dma source(%arg13 : memref<40x16xf32, #tpu.memory_space<vmem>>) target(%dma_start3A_83 : memref<40x16xf32, #tpu.memory_space<vmem_shared>>) target_semaphore(%run_scoped3A : memref<!tpu.dma_semaphore, #tpu.memory_space<semaphore_mem>>)
      %dma_wait3A = arith.constant 0 : i32
      %dma_wait3A_84 = tpu.memref_slice %arg15[%add3A_21, %dma_wait3A] : memref<10240x16xf32, #tpu.memory_space<vmem_shared>> -> memref<40x16xf32, #tpu.memory_space<vmem_shared>>
      %dma_wait3A_85 = arith.constant 0 : i32
      %dma_wait3A_86 = tpu.memref_slice %arg15[%add3A_21, %dma_wait3A_85] : memref<10240x16xf32, #tpu.memory_space<vmem_shared>> -> memref<40x16xf32, #tpu.memory_space<vmem_shared>>
      tpu.wait_dma2 semaphore(%run_scoped3A : memref<!tpu.dma_semaphore, #tpu.memory_space<semaphore_mem>>) src(%arg13 : memref<40x16xf32, #tpu.memory_space<vmem>>) dst(%dma_wait3A_86 : memref<40x16xf32, #tpu.memory_space<vmem_shared>>)
      tpu.yield
    }) : () -> ()
    %add3A_22 = arith.constant 160 : i32
    %add3A_23 = arith.addi %mul3A_6, %add3A_22 : i32
    "tpu.region"() ({
      %run_scoped3A = tpu.sem_alloc : memref<!tpu.dma_semaphore, #tpu.memory_space<semaphore_mem>>
      %dma_start3A = arith.constant 0 : i32
      %dma_start3A_81 = tpu.memref_slice %arg16[%add3A_23, %dma_start3A] : memref<10240x128xf32, #tpu.memory_space<vmem_shared>> -> memref<40x128xf32, #tpu.memory_space<vmem_shared>>
      %dma_start3A_82 = arith.constant 0 : i32
      %dma_start3A_83 = tpu.memref_slice %arg16[%add3A_23, %dma_start3A_82] : memref<10240x128xf32, #tpu.memory_space<vmem_shared>> -> memref<40x128xf32, #tpu.memory_space<vmem_shared>>
      tpu.enqueue_dma source(%arg10 : memref<40x128xf32, #tpu.memory_space<vmem>>) target(%dma_start3A_83 : memref<40x128xf32, #tpu.memory_space<vmem_shared>>) target_semaphore(%run_scoped3A : memref<!tpu.dma_semaphore, #tpu.memory_space<semaphore_mem>>)
      %dma_wait3A = arith.constant 0 : i32
      %dma_wait3A_84 = tpu.memref_slice %arg16[%add3A_23, %dma_wait3A] : memref<10240x128xf32, #tpu.memory_space<vmem_shared>> -> memref<40x128xf32, #tpu.memory_space<vmem_shared>>
      %dma_wait3A_85 = arith.constant 0 : i32
      %dma_wait3A_86 = tpu.memref_slice %arg16[%add3A_23, %dma_wait3A_85] : memref<10240x128xf32, #tpu.memory_space<vmem_shared>> -> memref<40x128xf32, #tpu.memory_space<vmem_shared>>
      tpu.wait_dma2 semaphore(%run_scoped3A : memref<!tpu.dma_semaphore, #tpu.memory_space<semaphore_mem>>) src(%arg10 : memref<40x128xf32, #tpu.memory_space<vmem>>) dst(%dma_wait3A_86 : memref<40x128xf32, #tpu.memory_space<vmem_shared>>)
      tpu.yield
    }) : () -> ()
    %add3A_24 = arith.constant 160 : i32
    %add3A_25 = arith.addi %mul3A_6, %add3A_24 : i32
    "tpu.region"() ({
      %run_scoped3A = tpu.sem_alloc : memref<!tpu.dma_semaphore, #tpu.memory_space<semaphore_mem>>
      %dma_start3A = arith.constant 0 : i32
      %dma_start3A_81 = tpu.memref_slice %arg15[%add3A_25, %dma_start3A] : memref<10240x16xf32, #tpu.memory_space<vmem_shared>> -> memref<40x16xf32, #tpu.memory_space<vmem_shared>>
      %dma_start3A_82 = arith.constant 0 : i32
      %dma_start3A_83 = tpu.memref_slice %arg15[%add3A_25, %dma_start3A_82] : memref<10240x16xf32, #tpu.memory_space<vmem_shared>> -> memref<40x16xf32, #tpu.memory_space<vmem_shared>>
      tpu.enqueue_dma source(%arg13 : memref<40x16xf32, #tpu.memory_space<vmem>>) target(%dma_start3A_83 : memref<40x16xf32, #tpu.memory_space<vmem_shared>>) target_semaphore(%run_scoped3A : memref<!tpu.dma_semaphore, #tpu.memory_space<semaphore_mem>>)
      %dma_wait3A = arith.constant 0 : i32
      %dma_wait3A_84 = tpu.memref_slice %arg15[%add3A_25, %dma_wait3A] : memref<10240x16xf32, #tpu.memory_space<vmem_shared>> -> memref<40x16xf32, #tpu.memory_space<vmem_shared>>
      %dma_wait3A_85 = arith.constant 0 : i32
      %dma_wait3A_86 = tpu.memref_slice %arg15[%add3A_25, %dma_wait3A_85] : memref<10240x16xf32, #tpu.memory_space<vmem_shared>> -> memref<40x16xf32, #tpu.memory_space<vmem_shared>>
      tpu.wait_dma2 semaphore(%run_scoped3A : memref<!tpu.dma_semaphore, #tpu.memory_space<semaphore_mem>>) src(%arg13 : memref<40x16xf32, #tpu.memory_space<vmem>>) dst(%dma_wait3A_86 : memref<40x16xf32, #tpu.memory_space<vmem_shared>>)
      tpu.yield
    }) : () -> ()
    %add3A_26 = arith.constant 200 : i32
    %add3A_27 = arith.addi %mul3A_6, %add3A_26 : i32
    "tpu.region"() ({
      %run_scoped3A = tpu.sem_alloc : memref<!tpu.dma_semaphore, #tpu.memory_space<semaphore_mem>>
      %dma_start3A = arith.constant 0 : i32
      %dma_start3A_81 = tpu.memref_slice %arg16[%add3A_27, %dma_start3A] : memref<10240x128xf32, #tpu.memory_space<vmem_shared>> -> memref<40x128xf32, #tpu.memory_space<vmem_shared>>
      %dma_start3A_82 = arith.constant 0 : i32
      %dma_start3A_83 = tpu.memref_slice %arg16[%add3A_27, %dma_start3A_82] : memref<10240x128xf32, #tpu.memory_space<vmem_shared>> -> memref<40x128xf32, #tpu.memory_space<vmem_shared>>
      tpu.enqueue_dma source(%arg10 : memref<40x128xf32, #tpu.memory_space<vmem>>) target(%dma_start3A_83 : memref<40x128xf32, #tpu.memory_space<vmem_shared>>) target_semaphore(%run_scoped3A : memref<!tpu.dma_semaphore, #tpu.memory_space<semaphore_mem>>)
      %dma_wait3A = arith.constant 0 : i32
      %dma_wait3A_84 = tpu.memref_slice %arg16[%add3A_27, %dma_wait3A] : memref<10240x128xf32, #tpu.memory_space<vmem_shared>> -> memref<40x128xf32, #tpu.memory_space<vmem_shared>>
      %dma_wait3A_85 = arith.constant 0 : i32
      %dma_wait3A_86 = tpu.memref_slice %arg16[%add3A_27, %dma_wait3A_85] : memref<10240x128xf32, #tpu.memory_space<vmem_shared>> -> memref<40x128xf32, #tpu.memory_space<vmem_shared>>
      tpu.wait_dma2 semaphore(%run_scoped3A : memref<!tpu.dma_semaphore, #tpu.memory_space<semaphore_mem>>) src(%arg10 : memref<40x128xf32, #tpu.memory_space<vmem>>) dst(%dma_wait3A_86 : memref<40x128xf32, #tpu.memory_space<vmem_shared>>)
      tpu.yield
    }) : () -> ()
    %add3A_28 = arith.constant 200 : i32
    %add3A_29 = arith.addi %mul3A_6, %add3A_28 : i32
    "tpu.region"() ({
      %run_scoped3A = tpu.sem_alloc : memref<!tpu.dma_semaphore, #tpu.memory_space<semaphore_mem>>
      %dma_start3A = arith.constant 0 : i32
      %dma_start3A_81 = tpu.memref_slice %arg15[%add3A_29, %dma_start3A] : memref<10240x16xf32, #tpu.memory_space<vmem_shared>> -> memref<40x16xf32, #tpu.memory_space<vmem_shared>>
      %dma_start3A_82 = arith.constant 0 : i32
      %dma_start3A_83 = tpu.memref_slice %arg15[%add3A_29, %dma_start3A_82] : memref<10240x16xf32, #tpu.memory_space<vmem_shared>> -> memref<40x16xf32, #tpu.memory_space<vmem_shared>>
      tpu.enqueue_dma source(%arg13 : memref<40x16xf32, #tpu.memory_space<vmem>>) target(%dma_start3A_83 : memref<40x16xf32, #tpu.memory_space<vmem_shared>>) target_semaphore(%run_scoped3A : memref<!tpu.dma_semaphore, #tpu.memory_space<semaphore_mem>>)
      %dma_wait3A = arith.constant 0 : i32
      %dma_wait3A_84 = tpu.memref_slice %arg15[%add3A_29, %dma_wait3A] : memref<10240x16xf32, #tpu.memory_space<vmem_shared>> -> memref<40x16xf32, #tpu.memory_space<vmem_shared>>
      %dma_wait3A_85 = arith.constant 0 : i32
      %dma_wait3A_86 = tpu.memref_slice %arg15[%add3A_29, %dma_wait3A_85] : memref<10240x16xf32, #tpu.memory_space<vmem_shared>> -> memref<40x16xf32, #tpu.memory_space<vmem_shared>>
      tpu.wait_dma2 semaphore(%run_scoped3A : memref<!tpu.dma_semaphore, #tpu.memory_space<semaphore_mem>>) src(%arg13 : memref<40x16xf32, #tpu.memory_space<vmem>>) dst(%dma_wait3A_86 : memref<40x16xf32, #tpu.memory_space<vmem_shared>>)
      tpu.yield
    }) : () -> ()
    %add3A_30 = arith.constant 240 : i32
    %add3A_31 = arith.addi %mul3A_6, %add3A_30 : i32
    "tpu.region"() ({
      %run_scoped3A = tpu.sem_alloc : memref<!tpu.dma_semaphore, #tpu.memory_space<semaphore_mem>>
      %dma_start3A = arith.constant 0 : i32
      %dma_start3A_81 = tpu.memref_slice %arg16[%add3A_31, %dma_start3A] : memref<10240x128xf32, #tpu.memory_space<vmem_shared>> -> memref<40x128xf32, #tpu.memory_space<vmem_shared>>
      %dma_start3A_82 = arith.constant 0 : i32
      %dma_start3A_83 = tpu.memref_slice %arg16[%add3A_31, %dma_start3A_82] : memref<10240x128xf32, #tpu.memory_space<vmem_shared>> -> memref<40x128xf32, #tpu.memory_space<vmem_shared>>
      tpu.enqueue_dma source(%arg10 : memref<40x128xf32, #tpu.memory_space<vmem>>) target(%dma_start3A_83 : memref<40x128xf32, #tpu.memory_space<vmem_shared>>) target_semaphore(%run_scoped3A : memref<!tpu.dma_semaphore, #tpu.memory_space<semaphore_mem>>)
      %dma_wait3A = arith.constant 0 : i32
      %dma_wait3A_84 = tpu.memref_slice %arg16[%add3A_31, %dma_wait3A] : memref<10240x128xf32, #tpu.memory_space<vmem_shared>> -> memref<40x128xf32, #tpu.memory_space<vmem_shared>>
      %dma_wait3A_85 = arith.constant 0 : i32
      %dma_wait3A_86 = tpu.memref_slice %arg16[%add3A_31, %dma_wait3A_85] : memref<10240x128xf32, #tpu.memory_space<vmem_shared>> -> memref<40x128xf32, #tpu.memory_space<vmem_shared>>
      tpu.wait_dma2 semaphore(%run_scoped3A : memref<!tpu.dma_semaphore, #tpu.memory_space<semaphore_mem>>) src(%arg10 : memref<40x128xf32, #tpu.memory_space<vmem>>) dst(%dma_wait3A_86 : memref<40x128xf32, #tpu.memory_space<vmem_shared>>)
      tpu.yield
    }) : () -> ()
    %add3A_32 = arith.constant 240 : i32
    %add3A_33 = arith.addi %mul3A_6, %add3A_32 : i32
    "tpu.region"() ({
      %run_scoped3A = tpu.sem_alloc : memref<!tpu.dma_semaphore, #tpu.memory_space<semaphore_mem>>
      %dma_start3A = arith.constant 0 : i32
      %dma_start3A_81 = tpu.memref_slice %arg15[%add3A_33, %dma_start3A] : memref<10240x16xf32, #tpu.memory_space<vmem_shared>> -> memref<40x16xf32, #tpu.memory_space<vmem_shared>>
      %dma_start3A_82 = arith.constant 0 : i32
      %dma_start3A_83 = tpu.memref_slice %arg15[%add3A_33, %dma_start3A_82] : memref<10240x16xf32, #tpu.memory_space<vmem_shared>> -> memref<40x16xf32, #tpu.memory_space<vmem_shared>>
      tpu.enqueue_dma source(%arg13 : memref<40x16xf32, #tpu.memory_space<vmem>>) target(%dma_start3A_83 : memref<40x16xf32, #tpu.memory_space<vmem_shared>>) target_semaphore(%run_scoped3A : memref<!tpu.dma_semaphore, #tpu.memory_space<semaphore_mem>>)
      %dma_wait3A = arith.constant 0 : i32
      %dma_wait3A_84 = tpu.memref_slice %arg15[%add3A_33, %dma_wait3A] : memref<10240x16xf32, #tpu.memory_space<vmem_shared>> -> memref<40x16xf32, #tpu.memory_space<vmem_shared>>
      %dma_wait3A_85 = arith.constant 0 : i32
      %dma_wait3A_86 = tpu.memref_slice %arg15[%add3A_33, %dma_wait3A_85] : memref<10240x16xf32, #tpu.memory_space<vmem_shared>> -> memref<40x16xf32, #tpu.memory_space<vmem_shared>>
      tpu.wait_dma2 semaphore(%run_scoped3A : memref<!tpu.dma_semaphore, #tpu.memory_space<semaphore_mem>>) src(%arg13 : memref<40x16xf32, #tpu.memory_space<vmem>>) dst(%dma_wait3A_86 : memref<40x16xf32, #tpu.memory_space<vmem_shared>>)
      tpu.yield
    }) : () -> ()
    %add3A_34 = arith.constant 280 : i32
    %add3A_35 = arith.addi %mul3A_6, %add3A_34 : i32
    "tpu.region"() ({
      %run_scoped3A = tpu.sem_alloc : memref<!tpu.dma_semaphore, #tpu.memory_space<semaphore_mem>>
      %dma_start3A = arith.constant 0 : i32
      %dma_start3A_81 = tpu.memref_slice %arg16[%add3A_35, %dma_start3A] : memref<10240x128xf32, #tpu.memory_space<vmem_shared>> -> memref<40x128xf32, #tpu.memory_space<vmem_shared>>
      %dma_start3A_82 = arith.constant 0 : i32
      %dma_start3A_83 = tpu.memref_slice %arg16[%add3A_35, %dma_start3A_82] : memref<10240x128xf32, #tpu.memory_space<vmem_shared>> -> memref<40x128xf32, #tpu.memory_space<vmem_shared>>
      tpu.enqueue_dma source(%arg10 : memref<40x128xf32, #tpu.memory_space<vmem>>) target(%dma_start3A_83 : memref<40x128xf32, #tpu.memory_space<vmem_shared>>) target_semaphore(%run_scoped3A : memref<!tpu.dma_semaphore, #tpu.memory_space<semaphore_mem>>)
      %dma_wait3A = arith.constant 0 : i32
      %dma_wait3A_84 = tpu.memref_slice %arg16[%add3A_35, %dma_wait3A] : memref<10240x128xf32, #tpu.memory_space<vmem_shared>> -> memref<40x128xf32, #tpu.memory_space<vmem_shared>>
      %dma_wait3A_85 = arith.constant 0 : i32
      %dma_wait3A_86 = tpu.memref_slice %arg16[%add3A_35, %dma_wait3A_85] : memref<10240x128xf32, #tpu.memory_space<vmem_shared>> -> memref<40x128xf32, #tpu.memory_space<vmem_shared>>
      tpu.wait_dma2 semaphore(%run_scoped3A : memref<!tpu.dma_semaphore, #tpu.memory_space<semaphore_mem>>) src(%arg10 : memref<40x128xf32, #tpu.memory_space<vmem>>) dst(%dma_wait3A_86 : memref<40x128xf32, #tpu.memory_space<vmem_shared>>)
      tpu.yield
    }) : () -> ()
    %add3A_36 = arith.constant 280 : i32
    %add3A_37 = arith.addi %mul3A_6, %add3A_36 : i32
    "tpu.region"() ({
      %run_scoped3A = tpu.sem_alloc : memref<!tpu.dma_semaphore, #tpu.memory_space<semaphore_mem>>
      %dma_start3A = arith.constant 0 : i32
      %dma_start3A_81 = tpu.memref_slice %arg15[%add3A_37, %dma_start3A] : memref<10240x16xf32, #tpu.memory_space<vmem_shared>> -> memref<40x16xf32, #tpu.memory_space<vmem_shared>>
      %dma_start3A_82 = arith.constant 0 : i32
      %dma_start3A_83 = tpu.memref_slice %arg15[%add3A_37, %dma_start3A_82] : memref<10240x16xf32, #tpu.memory_space<vmem_shared>> -> memref<40x16xf32, #tpu.memory_space<vmem_shared>>
      tpu.enqueue_dma source(%arg13 : memref<40x16xf32, #tpu.memory_space<vmem>>) target(%dma_start3A_83 : memref<40x16xf32, #tpu.memory_space<vmem_shared>>) target_semaphore(%run_scoped3A : memref<!tpu.dma_semaphore, #tpu.memory_space<semaphore_mem>>)
      %dma_wait3A = arith.constant 0 : i32
      %dma_wait3A_84 = tpu.memref_slice %arg15[%add3A_37, %dma_wait3A] : memref<10240x16xf32, #tpu.memory_space<vmem_shared>> -> memref<40x16xf32, #tpu.memory_space<vmem_shared>>
      %dma_wait3A_85 = arith.constant 0 : i32
      %dma_wait3A_86 = tpu.memref_slice %arg15[%add3A_37, %dma_wait3A_85] : memref<10240x16xf32, #tpu.memory_space<vmem_shared>> -> memref<40x16xf32, #tpu.memory_space<vmem_shared>>
      tpu.wait_dma2 semaphore(%run_scoped3A : memref<!tpu.dma_semaphore, #tpu.memory_space<semaphore_mem>>) src(%arg13 : memref<40x16xf32, #tpu.memory_space<vmem>>) dst(%dma_wait3A_86 : memref<40x16xf32, #tpu.memory_space<vmem_shared>>)
      tpu.yield
    }) : () -> ()
    %add3A_38 = arith.constant 320 : i32
    %add3A_39 = arith.addi %mul3A_6, %add3A_38 : i32
    "tpu.region"() ({
      %run_scoped3A = tpu.sem_alloc : memref<!tpu.dma_semaphore, #tpu.memory_space<semaphore_mem>>
      %dma_start3A = arith.constant 0 : i32
      %dma_start3A_81 = tpu.memref_slice %arg16[%add3A_39, %dma_start3A] : memref<10240x128xf32, #tpu.memory_space<vmem_shared>> -> memref<40x128xf32, #tpu.memory_space<vmem_shared>>
      %dma_start3A_82 = arith.constant 0 : i32
      %dma_start3A_83 = tpu.memref_slice %arg16[%add3A_39, %dma_start3A_82] : memref<10240x128xf32, #tpu.memory_space<vmem_shared>> -> memref<40x128xf32, #tpu.memory_space<vmem_shared>>
      tpu.enqueue_dma source(%arg10 : memref<40x128xf32, #tpu.memory_space<vmem>>) target(%dma_start3A_83 : memref<40x128xf32, #tpu.memory_space<vmem_shared>>) target_semaphore(%run_scoped3A : memref<!tpu.dma_semaphore, #tpu.memory_space<semaphore_mem>>)
      %dma_wait3A = arith.constant 0 : i32
      %dma_wait3A_84 = tpu.memref_slice %arg16[%add3A_39, %dma_wait3A] : memref<10240x128xf32, #tpu.memory_space<vmem_shared>> -> memref<40x128xf32, #tpu.memory_space<vmem_shared>>
      %dma_wait3A_85 = arith.constant 0 : i32
      %dma_wait3A_86 = tpu.memref_slice %arg16[%add3A_39, %dma_wait3A_85] : memref<10240x128xf32, #tpu.memory_space<vmem_shared>> -> memref<40x128xf32, #tpu.memory_space<vmem_shared>>
      tpu.wait_dma2 semaphore(%run_scoped3A : memref<!tpu.dma_semaphore, #tpu.memory_space<semaphore_mem>>) src(%arg10 : memref<40x128xf32, #tpu.memory_space<vmem>>) dst(%dma_wait3A_86 : memref<40x128xf32, #tpu.memory_space<vmem_shared>>)
      tpu.yield
    }) : () -> ()
    %add3A_40 = arith.constant 320 : i32
    %add3A_41 = arith.addi %mul3A_6, %add3A_40 : i32
    "tpu.region"() ({
      %run_scoped3A = tpu.sem_alloc : memref<!tpu.dma_semaphore, #tpu.memory_space<semaphore_mem>>
      %dma_start3A = arith.constant 0 : i32
      %dma_start3A_81 = tpu.memref_slice %arg15[%add3A_41, %dma_start3A] : memref<10240x16xf32, #tpu.memory_space<vmem_shared>> -> memref<40x16xf32, #tpu.memory_space<vmem_shared>>
      %dma_start3A_82 = arith.constant 0 : i32
      %dma_start3A_83 = tpu.memref_slice %arg15[%add3A_41, %dma_start3A_82] : memref<10240x16xf32, #tpu.memory_space<vmem_shared>> -> memref<40x16xf32, #tpu.memory_space<vmem_shared>>
      tpu.enqueue_dma source(%arg13 : memref<40x16xf32, #tpu.memory_space<vmem>>) target(%dma_start3A_83 : memref<40x16xf32, #tpu.memory_space<vmem_shared>>) target_semaphore(%run_scoped3A : memref<!tpu.dma_semaphore, #tpu.memory_space<semaphore_mem>>)
      %dma_wait3A = arith.constant 0 : i32
      %dma_wait3A_84 = tpu.memref_slice %arg15[%add3A_41, %dma_wait3A] : memref<10240x16xf32, #tpu.memory_space<vmem_shared>> -> memref<40x16xf32, #tpu.memory_space<vmem_shared>>
      %dma_wait3A_85 = arith.constant 0 : i32
      %dma_wait3A_86 = tpu.memref_slice %arg15[%add3A_41, %dma_wait3A_85] : memref<10240x16xf32, #tpu.memory_space<vmem_shared>> -> memref<40x16xf32, #tpu.memory_space<vmem_shared>>
      tpu.wait_dma2 semaphore(%run_scoped3A : memref<!tpu.dma_semaphore, #tpu.memory_space<semaphore_mem>>) src(%arg13 : memref<40x16xf32, #tpu.memory_space<vmem>>) dst(%dma_wait3A_86 : memref<40x16xf32, #tpu.memory_space<vmem_shared>>)
      tpu.yield
    }) : () -> ()
    %add3A_42 = arith.constant 360 : i32
    %add3A_43 = arith.addi %mul3A_6, %add3A_42 : i32
    "tpu.region"() ({
      %run_scoped3A = tpu.sem_alloc : memref<!tpu.dma_semaphore, #tpu.memory_space<semaphore_mem>>
      %dma_start3A = arith.constant 0 : i32
      %dma_start3A_81 = tpu.memref_slice %arg16[%add3A_43, %dma_start3A] : memref<10240x128xf32, #tpu.memory_space<vmem_shared>> -> memref<40x128xf32, #tpu.memory_space<vmem_shared>>
      %dma_start3A_82 = arith.constant 0 : i32
      %dma_start3A_83 = tpu.memref_slice %arg16[%add3A_43, %dma_start3A_82] : memref<10240x128xf32, #tpu.memory_space<vmem_shared>> -> memref<40x128xf32, #tpu.memory_space<vmem_shared>>
      tpu.enqueue_dma source(%arg10 : memref<40x128xf32, #tpu.memory_space<vmem>>) target(%dma_start3A_83 : memref<40x128xf32, #tpu.memory_space<vmem_shared>>) target_semaphore(%run_scoped3A : memref<!tpu.dma_semaphore, #tpu.memory_space<semaphore_mem>>)
      %dma_wait3A = arith.constant 0 : i32
      %dma_wait3A_84 = tpu.memref_slice %arg16[%add3A_43, %dma_wait3A] : memref<10240x128xf32, #tpu.memory_space<vmem_shared>> -> memref<40x128xf32, #tpu.memory_space<vmem_shared>>
      %dma_wait3A_85 = arith.constant 0 : i32
      %dma_wait3A_86 = tpu.memref_slice %arg16[%add3A_43, %dma_wait3A_85] : memref<10240x128xf32, #tpu.memory_space<vmem_shared>> -> memref<40x128xf32, #tpu.memory_space<vmem_shared>>
      tpu.wait_dma2 semaphore(%run_scoped3A : memref<!tpu.dma_semaphore, #tpu.memory_space<semaphore_mem>>) src(%arg10 : memref<40x128xf32, #tpu.memory_space<vmem>>) dst(%dma_wait3A_86 : memref<40x128xf32, #tpu.memory_space<vmem_shared>>)
      tpu.yield
    }) : () -> ()
    %add3A_44 = arith.constant 360 : i32
    %add3A_45 = arith.addi %mul3A_6, %add3A_44 : i32
    "tpu.region"() ({
      %run_scoped3A = tpu.sem_alloc : memref<!tpu.dma_semaphore, #tpu.memory_space<semaphore_mem>>
      %dma_start3A = arith.constant 0 : i32
      %dma_start3A_81 = tpu.memref_slice %arg15[%add3A_45, %dma_start3A] : memref<10240x16xf32, #tpu.memory_space<vmem_shared>> -> memref<40x16xf32, #tpu.memory_space<vmem_shared>>
      %dma_start3A_82 = arith.constant 0 : i32
      %dma_start3A_83 = tpu.memref_slice %arg15[%add3A_45, %dma_start3A_82] : memref<10240x16xf32, #tpu.memory_space<vmem_shared>> -> memref<40x16xf32, #tpu.memory_space<vmem_shared>>
      tpu.enqueue_dma source(%arg13 : memref<40x16xf32, #tpu.memory_space<vmem>>) target(%dma_start3A_83 : memref<40x16xf32, #tpu.memory_space<vmem_shared>>) target_semaphore(%run_scoped3A : memref<!tpu.dma_semaphore, #tpu.memory_space<semaphore_mem>>)
      %dma_wait3A = arith.constant 0 : i32
      %dma_wait3A_84 = tpu.memref_slice %arg15[%add3A_45, %dma_wait3A] : memref<10240x16xf32, #tpu.memory_space<vmem_shared>> -> memref<40x16xf32, #tpu.memory_space<vmem_shared>>
      %dma_wait3A_85 = arith.constant 0 : i32
      %dma_wait3A_86 = tpu.memref_slice %arg15[%add3A_45, %dma_wait3A_85] : memref<10240x16xf32, #tpu.memory_space<vmem_shared>> -> memref<40x16xf32, #tpu.memory_space<vmem_shared>>
      tpu.wait_dma2 semaphore(%run_scoped3A : memref<!tpu.dma_semaphore, #tpu.memory_space<semaphore_mem>>) src(%arg13 : memref<40x16xf32, #tpu.memory_space<vmem>>) dst(%dma_wait3A_86 : memref<40x16xf32, #tpu.memory_space<vmem_shared>>)
      tpu.yield
    }) : () -> ()
    %add3A_46 = arith.constant 400 : i32
    %add3A_47 = arith.addi %mul3A_6, %add3A_46 : i32
    "tpu.region"() ({
      %run_scoped3A = tpu.sem_alloc : memref<!tpu.dma_semaphore, #tpu.memory_space<semaphore_mem>>
      %dma_start3A = arith.constant 0 : i32
      %dma_start3A_81 = tpu.memref_slice %arg16[%add3A_47, %dma_start3A] : memref<10240x128xf32, #tpu.memory_space<vmem_shared>> -> memref<40x128xf32, #tpu.memory_space<vmem_shared>>
      %dma_start3A_82 = arith.constant 0 : i32
      %dma_start3A_83 = tpu.memref_slice %arg16[%add3A_47, %dma_start3A_82] : memref<10240x128xf32, #tpu.memory_space<vmem_shared>> -> memref<40x128xf32, #tpu.memory_space<vmem_shared>>
      tpu.enqueue_dma source(%arg10 : memref<40x128xf32, #tpu.memory_space<vmem>>) target(%dma_start3A_83 : memref<40x128xf32, #tpu.memory_space<vmem_shared>>) target_semaphore(%run_scoped3A : memref<!tpu.dma_semaphore, #tpu.memory_space<semaphore_mem>>)
      %dma_wait3A = arith.constant 0 : i32
      %dma_wait3A_84 = tpu.memref_slice %arg16[%add3A_47, %dma_wait3A] : memref<10240x128xf32, #tpu.memory_space<vmem_shared>> -> memref<40x128xf32, #tpu.memory_space<vmem_shared>>
      %dma_wait3A_85 = arith.constant 0 : i32
      %dma_wait3A_86 = tpu.memref_slice %arg16[%add3A_47, %dma_wait3A_85] : memref<10240x128xf32, #tpu.memory_space<vmem_shared>> -> memref<40x128xf32, #tpu.memory_space<vmem_shared>>
      tpu.wait_dma2 semaphore(%run_scoped3A : memref<!tpu.dma_semaphore, #tpu.memory_space<semaphore_mem>>) src(%arg10 : memref<40x128xf32, #tpu.memory_space<vmem>>) dst(%dma_wait3A_86 : memref<40x128xf32, #tpu.memory_space<vmem_shared>>)
      tpu.yield
    }) : () -> ()
    %add3A_48 = arith.constant 400 : i32
    %add3A_49 = arith.addi %mul3A_6, %add3A_48 : i32
    "tpu.region"() ({
      %run_scoped3A = tpu.sem_alloc : memref<!tpu.dma_semaphore, #tpu.memory_space<semaphore_mem>>
      %dma_start3A = arith.constant 0 : i32
      %dma_start3A_81 = tpu.memref_slice %arg15[%add3A_49, %dma_start3A] : memref<10240x16xf32, #tpu.memory_space<vmem_shared>> -> memref<40x16xf32, #tpu.memory_space<vmem_shared>>
      %dma_start3A_82 = arith.constant 0 : i32
      %dma_start3A_83 = tpu.memref_slice %arg15[%add3A_49, %dma_start3A_82] : memref<10240x16xf32, #tpu.memory_space<vmem_shared>> -> memref<40x16xf32, #tpu.memory_space<vmem_shared>>
      tpu.enqueue_dma source(%arg13 : memref<40x16xf32, #tpu.memory_space<vmem>>) target(%dma_start3A_83 : memref<40x16xf32, #tpu.memory_space<vmem_shared>>) target_semaphore(%run_scoped3A : memref<!tpu.dma_semaphore, #tpu.memory_space<semaphore_mem>>)
      %dma_wait3A = arith.constant 0 : i32
      %dma_wait3A_84 = tpu.memref_slice %arg15[%add3A_49, %dma_wait3A] : memref<10240x16xf32, #tpu.memory_space<vmem_shared>> -> memref<40x16xf32, #tpu.memory_space<vmem_shared>>
      %dma_wait3A_85 = arith.constant 0 : i32
      %dma_wait3A_86 = tpu.memref_slice %arg15[%add3A_49, %dma_wait3A_85] : memref<10240x16xf32, #tpu.memory_space<vmem_shared>> -> memref<40x16xf32, #tpu.memory_space<vmem_shared>>
      tpu.wait_dma2 semaphore(%run_scoped3A : memref<!tpu.dma_semaphore, #tpu.memory_space<semaphore_mem>>) src(%arg13 : memref<40x16xf32, #tpu.memory_space<vmem>>) dst(%dma_wait3A_86 : memref<40x16xf32, #tpu.memory_space<vmem_shared>>)
      tpu.yield
    }) : () -> ()
    %add3A_50 = arith.constant 440 : i32
    %add3A_51 = arith.addi %mul3A_6, %add3A_50 : i32
    "tpu.region"() ({
      %run_scoped3A = tpu.sem_alloc : memref<!tpu.dma_semaphore, #tpu.memory_space<semaphore_mem>>
      %dma_start3A = arith.constant 0 : i32
      %dma_start3A_81 = tpu.memref_slice %arg16[%add3A_51, %dma_start3A] : memref<10240x128xf32, #tpu.memory_space<vmem_shared>> -> memref<40x128xf32, #tpu.memory_space<vmem_shared>>
      %dma_start3A_82 = arith.constant 0 : i32
      %dma_start3A_83 = tpu.memref_slice %arg16[%add3A_51, %dma_start3A_82] : memref<10240x128xf32, #tpu.memory_space<vmem_shared>> -> memref<40x128xf32, #tpu.memory_space<vmem_shared>>
      tpu.enqueue_dma source(%arg10 : memref<40x128xf32, #tpu.memory_space<vmem>>) target(%dma_start3A_83 : memref<40x128xf32, #tpu.memory_space<vmem_shared>>) target_semaphore(%run_scoped3A : memref<!tpu.dma_semaphore, #tpu.memory_space<semaphore_mem>>)
      %dma_wait3A = arith.constant 0 : i32
      %dma_wait3A_84 = tpu.memref_slice %arg16[%add3A_51, %dma_wait3A] : memref<10240x128xf32, #tpu.memory_space<vmem_shared>> -> memref<40x128xf32, #tpu.memory_space<vmem_shared>>
      %dma_wait3A_85 = arith.constant 0 : i32
      %dma_wait3A_86 = tpu.memref_slice %arg16[%add3A_51, %dma_wait3A_85] : memref<10240x128xf32, #tpu.memory_space<vmem_shared>> -> memref<40x128xf32, #tpu.memory_space<vmem_shared>>
      tpu.wait_dma2 semaphore(%run_scoped3A : memref<!tpu.dma_semaphore, #tpu.memory_space<semaphore_mem>>) src(%arg10 : memref<40x128xf32, #tpu.memory_space<vmem>>) dst(%dma_wait3A_86 : memref<40x128xf32, #tpu.memory_space<vmem_shared>>)
      tpu.yield
    }) : () -> ()
    %add3A_52 = arith.constant 440 : i32
    %add3A_53 = arith.addi %mul3A_6, %add3A_52 : i32
    "tpu.region"() ({
      %run_scoped3A = tpu.sem_alloc : memref<!tpu.dma_semaphore, #tpu.memory_space<semaphore_mem>>
      %dma_start3A = arith.constant 0 : i32
      %dma_start3A_81 = tpu.memref_slice %arg15[%add3A_53, %dma_start3A] : memref<10240x16xf32, #tpu.memory_space<vmem_shared>> -> memref<40x16xf32, #tpu.memory_space<vmem_shared>>
      %dma_start3A_82 = arith.constant 0 : i32
      %dma_start3A_83 = tpu.memref_slice %arg15[%add3A_53, %dma_start3A_82] : memref<10240x16xf32, #tpu.memory_space<vmem_shared>> -> memref<40x16xf32, #tpu.memory_space<vmem_shared>>
      tpu.enqueue_dma source(%arg13 : memref<40x16xf32, #tpu.memory_space<vmem>>) target(%dma_start3A_83 : memref<40x16xf32, #tpu.memory_space<vmem_shared>>) target_semaphore(%run_scoped3A : memref<!tpu.dma_semaphore, #tpu.memory_space<semaphore_mem>>)
      %dma_wait3A = arith.constant 0 : i32
      %dma_wait3A_84 = tpu.memref_slice %arg15[%add3A_53, %dma_wait3A] : memref<10240x16xf32, #tpu.memory_space<vmem_shared>> -> memref<40x16xf32, #tpu.memory_space<vmem_shared>>
      %dma_wait3A_85 = arith.constant 0 : i32
      %dma_wait3A_86 = tpu.memref_slice %arg15[%add3A_53, %dma_wait3A_85] : memref<10240x16xf32, #tpu.memory_space<vmem_shared>> -> memref<40x16xf32, #tpu.memory_space<vmem_shared>>
      tpu.wait_dma2 semaphore(%run_scoped3A : memref<!tpu.dma_semaphore, #tpu.memory_space<semaphore_mem>>) src(%arg13 : memref<40x16xf32, #tpu.memory_space<vmem>>) dst(%dma_wait3A_86 : memref<40x16xf32, #tpu.memory_space<vmem_shared>>)
      tpu.yield
    }) : () -> ()
    %add3A_54 = arith.constant 480 : i32
    %add3A_55 = arith.addi %mul3A_6, %add3A_54 : i32
    "tpu.region"() ({
      %run_scoped3A = tpu.sem_alloc : memref<!tpu.dma_semaphore, #tpu.memory_space<semaphore_mem>>
      %dma_start3A = arith.constant 0 : i32
      %dma_start3A_81 = tpu.memref_slice %arg16[%add3A_55, %dma_start3A] : memref<10240x128xf32, #tpu.memory_space<vmem_shared>> -> memref<40x128xf32, #tpu.memory_space<vmem_shared>>
      %dma_start3A_82 = arith.constant 0 : i32
      %dma_start3A_83 = tpu.memref_slice %arg16[%add3A_55, %dma_start3A_82] : memref<10240x128xf32, #tpu.memory_space<vmem_shared>> -> memref<40x128xf32, #tpu.memory_space<vmem_shared>>
      tpu.enqueue_dma source(%arg10 : memref<40x128xf32, #tpu.memory_space<vmem>>) target(%dma_start3A_83 : memref<40x128xf32, #tpu.memory_space<vmem_shared>>) target_semaphore(%run_scoped3A : memref<!tpu.dma_semaphore, #tpu.memory_space<semaphore_mem>>)
      %dma_wait3A = arith.constant 0 : i32
      %dma_wait3A_84 = tpu.memref_slice %arg16[%add3A_55, %dma_wait3A] : memref<10240x128xf32, #tpu.memory_space<vmem_shared>> -> memref<40x128xf32, #tpu.memory_space<vmem_shared>>
      %dma_wait3A_85 = arith.constant 0 : i32
      %dma_wait3A_86 = tpu.memref_slice %arg16[%add3A_55, %dma_wait3A_85] : memref<10240x128xf32, #tpu.memory_space<vmem_shared>> -> memref<40x128xf32, #tpu.memory_space<vmem_shared>>
      tpu.wait_dma2 semaphore(%run_scoped3A : memref<!tpu.dma_semaphore, #tpu.memory_space<semaphore_mem>>) src(%arg10 : memref<40x128xf32, #tpu.memory_space<vmem>>) dst(%dma_wait3A_86 : memref<40x128xf32, #tpu.memory_space<vmem_shared>>)
      tpu.yield
    }) : () -> ()
    %add3A_56 = arith.constant 480 : i32
    %add3A_57 = arith.addi %mul3A_6, %add3A_56 : i32
    "tpu.region"() ({
      %run_scoped3A = tpu.sem_alloc : memref<!tpu.dma_semaphore, #tpu.memory_space<semaphore_mem>>
      %dma_start3A = arith.constant 0 : i32
      %dma_start3A_81 = tpu.memref_slice %arg15[%add3A_57, %dma_start3A] : memref<10240x16xf32, #tpu.memory_space<vmem_shared>> -> memref<40x16xf32, #tpu.memory_space<vmem_shared>>
      %dma_start3A_82 = arith.constant 0 : i32
      %dma_start3A_83 = tpu.memref_slice %arg15[%add3A_57, %dma_start3A_82] : memref<10240x16xf32, #tpu.memory_space<vmem_shared>> -> memref<40x16xf32, #tpu.memory_space<vmem_shared>>
      tpu.enqueue_dma source(%arg13 : memref<40x16xf32, #tpu.memory_space<vmem>>) target(%dma_start3A_83 : memref<40x16xf32, #tpu.memory_space<vmem_shared>>) target_semaphore(%run_scoped3A : memref<!tpu.dma_semaphore, #tpu.memory_space<semaphore_mem>>)
      %dma_wait3A = arith.constant 0 : i32
      %dma_wait3A_84 = tpu.memref_slice %arg15[%add3A_57, %dma_wait3A] : memref<10240x16xf32, #tpu.memory_space<vmem_shared>> -> memref<40x16xf32, #tpu.memory_space<vmem_shared>>
      %dma_wait3A_85 = arith.constant 0 : i32
      %dma_wait3A_86 = tpu.memref_slice %arg15[%add3A_57, %dma_wait3A_85] : memref<10240x16xf32, #tpu.memory_space<vmem_shared>> -> memref<40x16xf32, #tpu.memory_space<vmem_shared>>
      tpu.wait_dma2 semaphore(%run_scoped3A : memref<!tpu.dma_semaphore, #tpu.memory_space<semaphore_mem>>) src(%arg13 : memref<40x16xf32, #tpu.memory_space<vmem>>) dst(%dma_wait3A_86 : memref<40x16xf32, #tpu.memory_space<vmem_shared>>)
      tpu.yield
    }) : () -> ()
    %add3A_58 = arith.constant 520 : i32
    %add3A_59 = arith.addi %mul3A_6, %add3A_58 : i32
    "tpu.region"() ({
      %run_scoped3A = tpu.sem_alloc : memref<!tpu.dma_semaphore, #tpu.memory_space<semaphore_mem>>
      %dma_start3A = arith.constant 0 : i32
      %dma_start3A_81 = tpu.memref_slice %arg16[%add3A_59, %dma_start3A] : memref<10240x128xf32, #tpu.memory_space<vmem_shared>> -> memref<40x128xf32, #tpu.memory_space<vmem_shared>>
      %dma_start3A_82 = arith.constant 0 : i32
      %dma_start3A_83 = tpu.memref_slice %arg16[%add3A_59, %dma_start3A_82] : memref<10240x128xf32, #tpu.memory_space<vmem_shared>> -> memref<40x128xf32, #tpu.memory_space<vmem_shared>>
      tpu.enqueue_dma source(%arg10 : memref<40x128xf32, #tpu.memory_space<vmem>>) target(%dma_start3A_83 : memref<40x128xf32, #tpu.memory_space<vmem_shared>>) target_semaphore(%run_scoped3A : memref<!tpu.dma_semaphore, #tpu.memory_space<semaphore_mem>>)
      %dma_wait3A = arith.constant 0 : i32
      %dma_wait3A_84 = tpu.memref_slice %arg16[%add3A_59, %dma_wait3A] : memref<10240x128xf32, #tpu.memory_space<vmem_shared>> -> memref<40x128xf32, #tpu.memory_space<vmem_shared>>
      %dma_wait3A_85 = arith.constant 0 : i32
      %dma_wait3A_86 = tpu.memref_slice %arg16[%add3A_59, %dma_wait3A_85] : memref<10240x128xf32, #tpu.memory_space<vmem_shared>> -> memref<40x128xf32, #tpu.memory_space<vmem_shared>>
      tpu.wait_dma2 semaphore(%run_scoped3A : memref<!tpu.dma_semaphore, #tpu.memory_space<semaphore_mem>>) src(%arg10 : memref<40x128xf32, #tpu.memory_space<vmem>>) dst(%dma_wait3A_86 : memref<40x128xf32, #tpu.memory_space<vmem_shared>>)
      tpu.yield
    }) : () -> ()
    %add3A_60 = arith.constant 520 : i32
    %add3A_61 = arith.addi %mul3A_6, %add3A_60 : i32
    "tpu.region"() ({
      %run_scoped3A = tpu.sem_alloc : memref<!tpu.dma_semaphore, #tpu.memory_space<semaphore_mem>>
      %dma_start3A = arith.constant 0 : i32
      %dma_start3A_81 = tpu.memref_slice %arg15[%add3A_61, %dma_start3A] : memref<10240x16xf32, #tpu.memory_space<vmem_shared>> -> memref<40x16xf32, #tpu.memory_space<vmem_shared>>
      %dma_start3A_82 = arith.constant 0 : i32
      %dma_start3A_83 = tpu.memref_slice %arg15[%add3A_61, %dma_start3A_82] : memref<10240x16xf32, #tpu.memory_space<vmem_shared>> -> memref<40x16xf32, #tpu.memory_space<vmem_shared>>
      tpu.enqueue_dma source(%arg13 : memref<40x16xf32, #tpu.memory_space<vmem>>) target(%dma_start3A_83 : memref<40x16xf32, #tpu.memory_space<vmem_shared>>) target_semaphore(%run_scoped3A : memref<!tpu.dma_semaphore, #tpu.memory_space<semaphore_mem>>)
      %dma_wait3A = arith.constant 0 : i32
      %dma_wait3A_84 = tpu.memref_slice %arg15[%add3A_61, %dma_wait3A] : memref<10240x16xf32, #tpu.memory_space<vmem_shared>> -> memref<40x16xf32, #tpu.memory_space<vmem_shared>>
      %dma_wait3A_85 = arith.constant 0 : i32
      %dma_wait3A_86 = tpu.memref_slice %arg15[%add3A_61, %dma_wait3A_85] : memref<10240x16xf32, #tpu.memory_space<vmem_shared>> -> memref<40x16xf32, #tpu.memory_space<vmem_shared>>
      tpu.wait_dma2 semaphore(%run_scoped3A : memref<!tpu.dma_semaphore, #tpu.memory_space<semaphore_mem>>) src(%arg13 : memref<40x16xf32, #tpu.memory_space<vmem>>) dst(%dma_wait3A_86 : memref<40x16xf32, #tpu.memory_space<vmem_shared>>)
      tpu.yield
    }) : () -> ()
    %add3A_62 = arith.constant 560 : i32
    %add3A_63 = arith.addi %mul3A_6, %add3A_62 : i32
    "tpu.region"() ({
      %run_scoped3A = tpu.sem_alloc : memref<!tpu.dma_semaphore, #tpu.memory_space<semaphore_mem>>
      %dma_start3A = arith.constant 0 : i32
      %dma_start3A_81 = tpu.memref_slice %arg16[%add3A_63, %dma_start3A] : memref<10240x128xf32, #tpu.memory_space<vmem_shared>> -> memref<40x128xf32, #tpu.memory_space<vmem_shared>>
      %dma_start3A_82 = arith.constant 0 : i32
      %dma_start3A_83 = tpu.memref_slice %arg16[%add3A_63, %dma_start3A_82] : memref<10240x128xf32, #tpu.memory_space<vmem_shared>> -> memref<40x128xf32, #tpu.memory_space<vmem_shared>>
      tpu.enqueue_dma source(%arg10 : memref<40x128xf32, #tpu.memory_space<vmem>>) target(%dma_start3A_83 : memref<40x128xf32, #tpu.memory_space<vmem_shared>>) target_semaphore(%run_scoped3A : memref<!tpu.dma_semaphore, #tpu.memory_space<semaphore_mem>>)
      %dma_wait3A = arith.constant 0 : i32
      %dma_wait3A_84 = tpu.memref_slice %arg16[%add3A_63, %dma_wait3A] : memref<10240x128xf32, #tpu.memory_space<vmem_shared>> -> memref<40x128xf32, #tpu.memory_space<vmem_shared>>
      %dma_wait3A_85 = arith.constant 0 : i32
      %dma_wait3A_86 = tpu.memref_slice %arg16[%add3A_63, %dma_wait3A_85] : memref<10240x128xf32, #tpu.memory_space<vmem_shared>> -> memref<40x128xf32, #tpu.memory_space<vmem_shared>>
      tpu.wait_dma2 semaphore(%run_scoped3A : memref<!tpu.dma_semaphore, #tpu.memory_space<semaphore_mem>>) src(%arg10 : memref<40x128xf32, #tpu.memory_space<vmem>>) dst(%dma_wait3A_86 : memref<40x128xf32, #tpu.memory_space<vmem_shared>>)
      tpu.yield
    }) : () -> ()
    %add3A_64 = arith.constant 560 : i32
    %add3A_65 = arith.addi %mul3A_6, %add3A_64 : i32
    "tpu.region"() ({
      %run_scoped3A = tpu.sem_alloc : memref<!tpu.dma_semaphore, #tpu.memory_space<semaphore_mem>>
      %dma_start3A = arith.constant 0 : i32
      %dma_start3A_81 = tpu.memref_slice %arg15[%add3A_65, %dma_start3A] : memref<10240x16xf32, #tpu.memory_space<vmem_shared>> -> memref<40x16xf32, #tpu.memory_space<vmem_shared>>
      %dma_start3A_82 = arith.constant 0 : i32
      %dma_start3A_83 = tpu.memref_slice %arg15[%add3A_65, %dma_start3A_82] : memref<10240x16xf32, #tpu.memory_space<vmem_shared>> -> memref<40x16xf32, #tpu.memory_space<vmem_shared>>
      tpu.enqueue_dma source(%arg13 : memref<40x16xf32, #tpu.memory_space<vmem>>) target(%dma_start3A_83 : memref<40x16xf32, #tpu.memory_space<vmem_shared>>) target_semaphore(%run_scoped3A : memref<!tpu.dma_semaphore, #tpu.memory_space<semaphore_mem>>)
      %dma_wait3A = arith.constant 0 : i32
      %dma_wait3A_84 = tpu.memref_slice %arg15[%add3A_65, %dma_wait3A] : memref<10240x16xf32, #tpu.memory_space<vmem_shared>> -> memref<40x16xf32, #tpu.memory_space<vmem_shared>>
      %dma_wait3A_85 = arith.constant 0 : i32
      %dma_wait3A_86 = tpu.memref_slice %arg15[%add3A_65, %dma_wait3A_85] : memref<10240x16xf32, #tpu.memory_space<vmem_shared>> -> memref<40x16xf32, #tpu.memory_space<vmem_shared>>
      tpu.wait_dma2 semaphore(%run_scoped3A : memref<!tpu.dma_semaphore, #tpu.memory_space<semaphore_mem>>) src(%arg13 : memref<40x16xf32, #tpu.memory_space<vmem>>) dst(%dma_wait3A_86 : memref<40x16xf32, #tpu.memory_space<vmem_shared>>)
      tpu.yield
    }) : () -> ()
    %add3A_66 = arith.constant 600 : i32
    %add3A_67 = arith.addi %mul3A_6, %add3A_66 : i32
    "tpu.region"() ({
      %run_scoped3A = tpu.sem_alloc : memref<!tpu.dma_semaphore, #tpu.memory_space<semaphore_mem>>
      %dma_start3A = arith.constant 0 : i32
      %dma_start3A_81 = tpu.memref_slice %arg16[%add3A_67, %dma_start3A] : memref<10240x128xf32, #tpu.memory_space<vmem_shared>> -> memref<40x128xf32, #tpu.memory_space<vmem_shared>>
      %dma_start3A_82 = arith.constant 0 : i32
      %dma_start3A_83 = tpu.memref_slice %arg16[%add3A_67, %dma_start3A_82] : memref<10240x128xf32, #tpu.memory_space<vmem_shared>> -> memref<40x128xf32, #tpu.memory_space<vmem_shared>>
      tpu.enqueue_dma source(%arg10 : memref<40x128xf32, #tpu.memory_space<vmem>>) target(%dma_start3A_83 : memref<40x128xf32, #tpu.memory_space<vmem_shared>>) target_semaphore(%run_scoped3A : memref<!tpu.dma_semaphore, #tpu.memory_space<semaphore_mem>>)
      %dma_wait3A = arith.constant 0 : i32
      %dma_wait3A_84 = tpu.memref_slice %arg16[%add3A_67, %dma_wait3A] : memref<10240x128xf32, #tpu.memory_space<vmem_shared>> -> memref<40x128xf32, #tpu.memory_space<vmem_shared>>
      %dma_wait3A_85 = arith.constant 0 : i32
      %dma_wait3A_86 = tpu.memref_slice %arg16[%add3A_67, %dma_wait3A_85] : memref<10240x128xf32, #tpu.memory_space<vmem_shared>> -> memref<40x128xf32, #tpu.memory_space<vmem_shared>>
      tpu.wait_dma2 semaphore(%run_scoped3A : memref<!tpu.dma_semaphore, #tpu.memory_space<semaphore_mem>>) src(%arg10 : memref<40x128xf32, #tpu.memory_space<vmem>>) dst(%dma_wait3A_86 : memref<40x128xf32, #tpu.memory_space<vmem_shared>>)
      tpu.yield
    }) : () -> ()
    %add3A_68 = arith.constant 600 : i32
    %add3A_69 = arith.addi %mul3A_6, %add3A_68 : i32
    "tpu.region"() ({
      %run_scoped3A = tpu.sem_alloc : memref<!tpu.dma_semaphore, #tpu.memory_space<semaphore_mem>>
      %dma_start3A = arith.constant 0 : i32
      %dma_start3A_81 = tpu.memref_slice %arg15[%add3A_69, %dma_start3A] : memref<10240x16xf32, #tpu.memory_space<vmem_shared>> -> memref<40x16xf32, #tpu.memory_space<vmem_shared>>
      %dma_start3A_82 = arith.constant 0 : i32
      %dma_start3A_83 = tpu.memref_slice %arg15[%add3A_69, %dma_start3A_82] : memref<10240x16xf32, #tpu.memory_space<vmem_shared>> -> memref<40x16xf32, #tpu.memory_space<vmem_shared>>
      tpu.enqueue_dma source(%arg13 : memref<40x16xf32, #tpu.memory_space<vmem>>) target(%dma_start3A_83 : memref<40x16xf32, #tpu.memory_space<vmem_shared>>) target_semaphore(%run_scoped3A : memref<!tpu.dma_semaphore, #tpu.memory_space<semaphore_mem>>)
      %dma_wait3A = arith.constant 0 : i32
      %dma_wait3A_84 = tpu.memref_slice %arg15[%add3A_69, %dma_wait3A] : memref<10240x16xf32, #tpu.memory_space<vmem_shared>> -> memref<40x16xf32, #tpu.memory_space<vmem_shared>>
      %dma_wait3A_85 = arith.constant 0 : i32
      %dma_wait3A_86 = tpu.memref_slice %arg15[%add3A_69, %dma_wait3A_85] : memref<10240x16xf32, #tpu.memory_space<vmem_shared>> -> memref<40x16xf32, #tpu.memory_space<vmem_shared>>
      tpu.wait_dma2 semaphore(%run_scoped3A : memref<!tpu.dma_semaphore, #tpu.memory_space<semaphore_mem>>) src(%arg13 : memref<40x16xf32, #tpu.memory_space<vmem>>) dst(%dma_wait3A_86 : memref<40x16xf32, #tpu.memory_space<vmem_shared>>)
      tpu.yield
    }) : () -> ()
    %barrier3A = arith.constant 0 : index
    tpu.barrier barrier_id(%barrier3A)
    %scan3A_70 = arith.constant 0 : i32
    %scan3A_71 = arith.constant 0.0883883461 : f32
    %scan3A_72 = arith.constant 0 : i32
    %scan3A_73 = arith.constant 250 : i32
    %scan3A_74 = arith.addi %scan3A_72, %scan3A_73 : i32
    %scan3A_75 = arith.constant 1 : i32
    scf.for %scan3A_81 = %scan3A_72 to %scan3A_74 step %scan3A_75  : i32 {
      %mul3A_82 = arith.constant 16 : i32
      %mul3A_83 = arith.muli %scan3A_81, %mul3A_82 : i32
      %add3A_84 = arith.addi %mul3A_83, %arg1 : i32
      %mul3A_85 = arith.constant 2 : i32
      %mul3A_86 = arith.muli %add3A_84, %mul3A_85 : i32
      %add3A_87 = arith.addi %mul3A_86, %arg0 : i32
      %mul3A_88 = arith.constant 40 : i32
      %mul3A_89 = arith.muli %add3A_87, %mul3A_88 : i32
      "tpu.region"() ({
        %run_scoped3A = tpu.sem_alloc : memref<!tpu.dma_semaphore, #tpu.memory_space<semaphore_mem>>
        %dma_start3A_106 = tpu.memref_slice %arg2[%mul3A_89] : memref<320000xi32, #tpu.memory_space<hbm>> -> memref<40xi32, #tpu.memory_space<hbm>>
        %dma_start3A_107 = tpu.memref_slice %arg2[%mul3A_89] : memref<320000xi32, #tpu.memory_space<hbm>> -> memref<40xi32, #tpu.memory_space<hbm>>
        tpu.enqueue_dma source(%dma_start3A_107 : memref<40xi32, #tpu.memory_space<hbm>>) target(%arg8 : memref<40xi32, #tpu.memory_space<vmem>>) target_semaphore(%run_scoped3A : memref<!tpu.dma_semaphore, #tpu.memory_space<semaphore_mem>>)
        %dma_wait3A_108 = tpu.memref_slice %arg2[%mul3A_89] : memref<320000xi32, #tpu.memory_space<hbm>> -> memref<40xi32, #tpu.memory_space<hbm>>
        %dma_wait3A_109 = tpu.memref_slice %arg2[%mul3A_89] : memref<320000xi32, #tpu.memory_space<hbm>> -> memref<40xi32, #tpu.memory_space<hbm>>
        tpu.wait_dma2 semaphore(%run_scoped3A : memref<!tpu.dma_semaphore, #tpu.memory_space<semaphore_mem>>) src(%dma_wait3A_109 : memref<40xi32, #tpu.memory_space<hbm>>) dst(%arg8 : memref<40xi32, #tpu.memory_space<vmem>>)
        tpu.yield
      }) : () -> ()
      "tpu.region"() ({
        %run_scoped3A = tpu.sem_alloc : memref<!tpu.dma_semaphore, #tpu.memory_space<semaphore_mem>>
        %dma_start3A_106 = tpu.memref_slice %arg3[%mul3A_89] : memref<320000xi32, #tpu.memory_space<hbm>> -> memref<40xi32, #tpu.memory_space<hbm>>
        %dma_start3A_107 = tpu.memref_slice %arg3[%mul3A_89] : memref<320000xi32, #tpu.memory_space<hbm>> -> memref<40xi32, #tpu.memory_space<hbm>>
        tpu.enqueue_dma source(%dma_start3A_107 : memref<40xi32, #tpu.memory_space<hbm>>) target(%arg9 : memref<40xi32, #tpu.memory_space<vmem>>) target_semaphore(%run_scoped3A : memref<!tpu.dma_semaphore, #tpu.memory_space<semaphore_mem>>)
        %dma_wait3A_108 = tpu.memref_slice %arg3[%mul3A_89] : memref<320000xi32, #tpu.memory_space<hbm>> -> memref<40xi32, #tpu.memory_space<hbm>>
        %dma_wait3A_109 = tpu.memref_slice %arg3[%mul3A_89] : memref<320000xi32, #tpu.memory_space<hbm>> -> memref<40xi32, #tpu.memory_space<hbm>>
        tpu.wait_dma2 semaphore(%run_scoped3A : memref<!tpu.dma_semaphore, #tpu.memory_space<semaphore_mem>>) src(%dma_wait3A_109 : memref<40xi32, #tpu.memory_space<hbm>>) dst(%arg9 : memref<40xi32, #tpu.memory_space<vmem>>)
        tpu.yield
      }) : () -> ()
      %dma_start3A = arith.constant 0 : i32
      %dma_start3A_90 = arith.constant 0 : i32
      %dma_start3A_91 = tpu.memref_slice %arg5[%dma_start3A, %dma_start3A_90] : memref<10000x128xf32, #tpu.memory_space<hbm>> -> memref<10000x128xf32, #tpu.memory_space<hbm>>
      tpu.enqueue_indirect_dma source(%dma_start3A_91 : memref<10000x128xf32, #tpu.memory_space<hbm>>) target(%arg11 : memref<40x128xf32, #tpu.memory_space<vmem>>) offsets(%arg8 : memref<40xi32, #tpu.memory_space<vmem>>) semaphore(%arg17 : memref<!tpu.dma_semaphore, #tpu.memory_space<semaphore_mem>>)
      %dma_start3A_92 = arith.constant 0 : i32
      %dma_start3A_93 = arith.constant 0 : i32
      %dma_start3A_94 = tpu.memref_slice %arg5[%dma_start3A_92, %dma_start3A_93] : memref<10000x128xf32, #tpu.memory_space<hbm>> -> memref<10000x128xf32, #tpu.memory_space<hbm>>
      tpu.enqueue_indirect_dma source(%dma_start3A_94 : memref<10000x128xf32, #tpu.memory_space<hbm>>) target(%arg12 : memref<40x128xf32, #tpu.memory_space<vmem>>) offsets(%arg9 : memref<40xi32, #tpu.memory_space<vmem>>) semaphore(%arg18 : memref<!tpu.dma_semaphore, #tpu.memory_space<semaphore_mem>>)
      "tpu.region"() ({
        %run_scoped3A = tpu.sem_alloc : memref<!tpu.dma_semaphore, #tpu.memory_space<semaphore_mem>>
        %dma_start3A_106 = arith.constant 0 : i32
        %dma_start3A_107 = tpu.memref_slice %arg4[%mul3A_89, %dma_start3A_106] : memref<320000x128xf32, #tpu.memory_space<hbm>> -> memref<40x128xf32, #tpu.memory_space<hbm>>
        %dma_start3A_108 = arith.constant 0 : i32
        %dma_start3A_109 = tpu.memref_slice %arg4[%mul3A_89, %dma_start3A_108] : memref<320000x128xf32, #tpu.memory_space<hbm>> -> memref<40x128xf32, #tpu.memory_space<hbm>>
        tpu.enqueue_dma source(%dma_start3A_109 : memref<40x128xf32, #tpu.memory_space<hbm>>) target(%arg10 : memref<40x128xf32, #tpu.memory_space<vmem>>) target_semaphore(%run_scoped3A : memref<!tpu.dma_semaphore, #tpu.memory_space<semaphore_mem>>)
        %dma_wait3A_110 = arith.constant 0 : i32
        %dma_wait3A_111 = tpu.memref_slice %arg4[%mul3A_89, %dma_wait3A_110] : memref<320000x128xf32, #tpu.memory_space<hbm>> -> memref<40x128xf32, #tpu.memory_space<hbm>>
        %dma_wait3A_112 = arith.constant 0 : i32
        %dma_wait3A_113 = tpu.memref_slice %arg4[%mul3A_89, %dma_wait3A_112] : memref<320000x128xf32, #tpu.memory_space<hbm>> -> memref<40x128xf32, #tpu.memory_space<hbm>>
        tpu.wait_dma2 semaphore(%run_scoped3A : memref<!tpu.dma_semaphore, #tpu.memory_space<semaphore_mem>>) src(%dma_wait3A_113 : memref<40x128xf32, #tpu.memory_space<hbm>>) dst(%arg10 : memref<40x128xf32, #tpu.memory_space<vmem>>)
        tpu.yield
      }) : () -> ()
      %dma_wait3A = arith.constant 0 : i32
      %dma_wait3A_95 = arith.constant 0 : i32
      %dma_wait3A_96 = tpu.memref_slice %arg5[%dma_wait3A, %dma_wait3A_95] : memref<10000x128xf32, #tpu.memory_space<hbm>> -> memref<10000x128xf32, #tpu.memory_space<hbm>>
      tpu.wait_indirect_dma semaphore(%arg17 : memref<!tpu.dma_semaphore, #tpu.memory_space<semaphore_mem>>) src(%dma_wait3A_96 : memref<10000x128xf32, #tpu.memory_space<hbm>>) dst(%arg11 : memref<40x128xf32, #tpu.memory_space<vmem>>)
      %dma_wait3A_97 = arith.constant 0 : i32
      %dma_wait3A_98 = arith.constant 0 : i32
      %dma_wait3A_99 = tpu.memref_slice %arg5[%dma_wait3A_97, %dma_wait3A_98] : memref<10000x128xf32, #tpu.memory_space<hbm>> -> memref<10000x128xf32, #tpu.memory_space<hbm>>
      tpu.wait_indirect_dma semaphore(%arg18 : memref<!tpu.dma_semaphore, #tpu.memory_space<semaphore_mem>>) src(%dma_wait3A_99 : memref<10000x128xf32, #tpu.memory_space<hbm>>) dst(%arg12 : memref<40x128xf32, #tpu.memory_space<vmem>>)
      %scan3A_100 = arith.constant 0 : i32
      %scan3A_101 = arith.constant 0 : i32
      %scan3A_102 = arith.constant 40 : i32
      %scan3A_103 = arith.addi %scan3A_101, %scan3A_102 : i32
      %scan3A_104 = arith.constant 1 : i32
      scf.for %scan3A_106 = %scan3A_101 to %scan3A_103 step %scan3A_104  : i32 {
        %get3A = arith.index_cast %scan3A_106 : i32 to index
        %get3A_107 = arith.constant 0 : index
        %get3A_108 = tpu.vector_load %arg10[%get3A, %get3A_107] {strides = array<i32>} : memref<40x128xf32, #tpu.memory_space<vmem>>, vector<16xf32>,
        %get3A_109 = arith.index_cast %scan3A_106 : i32 to index
        %get3A_110 = arith.constant 0 : index
        %get3A_111 = tpu.vector_load %arg11[%get3A_109, %get3A_110] {strides = array<i32>} : memref<40x128xf32, #tpu.memory_space<vmem>>, vector<16xf32>,
        %mul3A_112 = arith.mulf %get3A_108, %get3A_111 : vector<16xf32>
        %get3A_113 = arith.index_cast %scan3A_106 : i32 to index
        %get3A_114 = arith.constant 0 : index
        %get3A_115 = tpu.vector_load %arg12[%get3A_113, %get3A_114] {strides = array<i32>} : memref<40x128xf32, #tpu.memory_space<vmem>>, vector<16xf32>,
        %mul3A_116 = arith.mulf %get3A_108, %get3A_115 : vector<16xf32>
        %get3A_117 = arith.index_cast %scan3A_106 : i32 to index
        %get3A_118 = arith.constant 16 : index
        %get3A_119 = tpu.vector_load %arg10[%get3A_117, %get3A_118] {strides = array<i32>} : memref<40x128xf32, #tpu.memory_space<vmem>>, vector<16xf32>,
        %get3A_120 = arith.index_cast %scan3A_106 : i32 to index
        %get3A_121 = arith.constant 16 : index
        %get3A_122 = tpu.vector_load %arg11[%get3A_120, %get3A_121] {strides = array<i32>} : memref<40x128xf32, #tpu.memory_space<vmem>>, vector<16xf32>,
        %mul3A_123 = arith.mulf %get3A_119, %get3A_122 : vector<16xf32>
        %get3A_124 = arith.index_cast %scan3A_106 : i32 to index
        %get3A_125 = arith.constant 16 : index
        %get3A_126 = tpu.vector_load %arg12[%get3A_124, %get3A_125] {strides = array<i32>} : memref<40x128xf32, #tpu.memory_space<vmem>>, vector<16xf32>,
        %mul3A_127 = arith.mulf %get3A_119, %get3A_126 : vector<16xf32>
        %get3A_128 = arith.index_cast %scan3A_106 : i32 to index
        %get3A_129 = arith.constant 32 : index
        %get3A_130 = tpu.vector_load %arg10[%get3A_128, %get3A_129] {strides = array<i32>} : memref<40x128xf32, #tpu.memory_space<vmem>>, vector<16xf32>,
        %get3A_131 = arith.index_cast %scan3A_106 : i32 to index
        %get3A_132 = arith.constant 32 : index
        %get3A_133 = tpu.vector_load %arg11[%get3A_131, %get3A_132] {strides = array<i32>} : memref<40x128xf32, #tpu.memory_space<vmem>>, vector<16xf32>,
        %mul3A_134 = arith.mulf %get3A_130, %get3A_133 : vector<16xf32>
        %get3A_135 = arith.index_cast %scan3A_106 : i32 to index
        %get3A_136 = arith.constant 32 : index
        %get3A_137 = tpu.vector_load %arg12[%get3A_135, %get3A_136] {strides = array<i32>} : memref<40x128xf32, #tpu.memory_space<vmem>>, vector<16xf32>,
        %mul3A_138 = arith.mulf %get3A_130, %get3A_137 : vector<16xf32>
        %get3A_139 = arith.index_cast %scan3A_106 : i32 to index
        %get3A_140 = arith.constant 48 : index
        %get3A_141 = tpu.vector_load %arg10[%get3A_139, %get3A_140] {strides = array<i32>} : memref<40x128xf32, #tpu.memory_space<vmem>>, vector<16xf32>,
        %get3A_142 = arith.index_cast %scan3A_106 : i32 to index
        %get3A_143 = arith.constant 48 : index
        %get3A_144 = tpu.vector_load %arg11[%get3A_142, %get3A_143] {strides = array<i32>} : memref<40x128xf32, #tpu.memory_space<vmem>>, vector<16xf32>,
        %mul3A_145 = arith.mulf %get3A_141, %get3A_144 : vector<16xf32>
        %get3A_146 = arith.index_cast %scan3A_106 : i32 to index
        %get3A_147 = arith.constant 48 : index
        %get3A_148 = tpu.vector_load %arg12[%get3A_146, %get3A_147] {strides = array<i32>} : memref<40x128xf32, #tpu.memory_space<vmem>>, vector<16xf32>,
        %mul3A_149 = arith.mulf %get3A_141, %get3A_148 : vector<16xf32>
        %get3A_150 = arith.index_cast %scan3A_106 : i32 to index
        %get3A_151 = arith.constant 64 : index
        %get3A_152 = tpu.vector_load %arg10[%get3A_150, %get3A_151] {strides = array<i32>} : memref<40x128xf32, #tpu.memory_space<vmem>>, vector<16xf32>,
        %get3A_153 = arith.index_cast %scan3A_106 : i32 to index
        %get3A_154 = arith.constant 64 : index
        %get3A_155 = tpu.vector_load %arg11[%get3A_153, %get3A_154] {strides = array<i32>} : memref<40x128xf32, #tpu.memory_space<vmem>>, vector<16xf32>,
        %mul3A_156 = arith.mulf %get3A_152, %get3A_155 : vector<16xf32>
        %get3A_157 = arith.index_cast %scan3A_106 : i32 to index
        %get3A_158 = arith.constant 64 : index
        %get3A_159 = tpu.vector_load %arg12[%get3A_157, %get3A_158] {strides = array<i32>} : memref<40x128xf32, #tpu.memory_space<vmem>>, vector<16xf32>,
        %mul3A_160 = arith.mulf %get3A_152, %get3A_159 : vector<16xf32>
        %get3A_161 = arith.index_cast %scan3A_106 : i32 to index
        %get3A_162 = arith.constant 80 : index
        %get3A_163 = tpu.vector_load %arg10[%get3A_161, %get3A_162] {strides = array<i32>} : memref<40x128xf32, #tpu.memory_space<vmem>>, vector<16xf32>,
        %get3A_164 = arith.index_cast %scan3A_106 : i32 to index
        %get3A_165 = arith.constant 80 : index
        %get3A_166 = tpu.vector_load %arg11[%get3A_164, %get3A_165] {strides = array<i32>} : memref<40x128xf32, #tpu.memory_space<vmem>>, vector<16xf32>,
        %mul3A_167 = arith.mulf %get3A_163, %get3A_166 : vector<16xf32>
        %get3A_168 = arith.index_cast %scan3A_106 : i32 to index
        %get3A_169 = arith.constant 80 : index
        %get3A_170 = tpu.vector_load %arg12[%get3A_168, %get3A_169] {strides = array<i32>} : memref<40x128xf32, #tpu.memory_space<vmem>>, vector<16xf32>,
        %mul3A_171 = arith.mulf %get3A_163, %get3A_170 : vector<16xf32>
        %get3A_172 = arith.index_cast %scan3A_106 : i32 to index
        %get3A_173 = arith.constant 96 : index
        %get3A_174 = tpu.vector_load %arg10[%get3A_172, %get3A_173] {strides = array<i32>} : memref<40x128xf32, #tpu.memory_space<vmem>>, vector<16xf32>,
        %get3A_175 = arith.index_cast %scan3A_106 : i32 to index
        %get3A_176 = arith.constant 96 : index
        %get3A_177 = tpu.vector_load %arg11[%get3A_175, %get3A_176] {strides = array<i32>} : memref<40x128xf32, #tpu.memory_space<vmem>>, vector<16xf32>,
        %mul3A_178 = arith.mulf %get3A_174, %get3A_177 : vector<16xf32>
        %get3A_179 = arith.index_cast %scan3A_106 : i32 to index
        %get3A_180 = arith.constant 96 : index
        %get3A_181 = tpu.vector_load %arg12[%get3A_179, %get3A_180] {strides = array<i32>} : memref<40x128xf32, #tpu.memory_space<vmem>>, vector<16xf32>,
        %mul3A_182 = arith.mulf %get3A_174, %get3A_181 : vector<16xf32>
        %get3A_183 = arith.index_cast %scan3A_106 : i32 to index
        %get3A_184 = arith.constant 112 : index
        %get3A_185 = tpu.vector_load %arg10[%get3A_183, %get3A_184] {strides = array<i32>} : memref<40x128xf32, #tpu.memory_space<vmem>>, vector<16xf32>,
        %get3A_186 = arith.index_cast %scan3A_106 : i32 to index
        %get3A_187 = arith.constant 112 : index
        %get3A_188 = tpu.vector_load %arg11[%get3A_186, %get3A_187] {strides = array<i32>} : memref<40x128xf32, #tpu.memory_space<vmem>>, vector<16xf32>,
        %mul3A_189 = arith.mulf %get3A_185, %get3A_188 : vector<16xf32>
        %get3A_190 = arith.index_cast %scan3A_106 : i32 to index
        %get3A_191 = arith.constant 112 : index
        %get3A_192 = tpu.vector_load %arg12[%get3A_190, %get3A_191] {strides = array<i32>} : memref<40x128xf32, #tpu.memory_space<vmem>>, vector<16xf32>,
        %mul3A_193 = arith.mulf %get3A_185, %get3A_192 : vector<16xf32>
        %add3A_194 = arith.addf %mul3A_112, %mul3A_123 : vector<16xf32>
        %add3A_195 = arith.addf %mul3A_134, %mul3A_145 : vector<16xf32>
        %add3A_196 = arith.addf %mul3A_156, %mul3A_167 : vector<16xf32>
        %add3A_197 = arith.addf %mul3A_178, %mul3A_189 : vector<16xf32>
        %add3A_198 = arith.addf %add3A_194, %add3A_195 : vector<16xf32>
        %add3A_199 = arith.addf %add3A_196, %add3A_197 : vector<16xf32>
        %add3A_200 = arith.addf %add3A_198, %add3A_199 : vector<16xf32>
        %reduce_sum3A = arith.constant true
        %reduce_sum3A_201 = vector.broadcast %reduce_sum3A : i1 to vector<16xi1>
        %reduce_sum3A_202 = tpu.scan <sum>, %add3A_200 masked %reduce_sum3A_201 : vector<16xf32>, vector<16xi1> -> vector<16xf32>
        %reduce_sum3A_203 = vector.extract %reduce_sum3A_202[15] : f32 from vector<16xf32>
        %mul3A_204 = arith.mulf %reduce_sum3A_203, %scan3A_71 : f32
        %add3A_205 = arith.addf %mul3A_116, %mul3A_127 : vector<16xf32>
        %add3A_206 = arith.addf %mul3A_138, %mul3A_149 : vector<16xf32>
        %add3A_207 = arith.addf %mul3A_160, %mul3A_171 : vector<16xf32>
        %add3A_208 = arith.addf %mul3A_182, %mul3A_193 : vector<16xf32>
        %add3A_209 = arith.addf %add3A_205, %add3A_206 : vector<16xf32>
        %add3A_210 = arith.addf %add3A_207, %add3A_208 : vector<16xf32>
        %add3A_211 = arith.addf %add3A_209, %add3A_210 : vector<16xf32>
        %reduce_sum3A_212 = arith.constant true
        %reduce_sum3A_213 = vector.broadcast %reduce_sum3A_212 : i1 to vector<16xi1>
        %reduce_sum3A_214 = tpu.scan <sum>, %add3A_211 masked %reduce_sum3A_213 : vector<16xf32>, vector<16xi1> -> vector<16xf32>
        %reduce_sum3A_215 = vector.extract %reduce_sum3A_214[15] : f32 from vector<16xf32>
        %mul3A_216 = arith.mulf %reduce_sum3A_215, %scan3A_71 : f32
        %broadcast_in_dim3A_217 = vector.broadcast %mul3A_204 : f32 to vector<16xf32>
        %exp3A = math.exp %broadcast_in_dim3A_217 : vector<16xf32>
        %broadcast_in_dim3A_218 = vector.broadcast %mul3A_216 : f32 to vector<16xf32>
        %exp3A_219 = math.exp %broadcast_in_dim3A_218 : vector<16xf32>
        %swap3A = arith.index_cast %scan3A_106 : i32 to index
        %swap3A_220 = arith.constant 0 : index
        %swap3A_221 = tpu.vector_load %arg13[%swap3A, %swap3A_220] {strides = array<i32>} : memref<40x16xf32, #tpu.memory_space<vmem>>, vector<16xf32>,
        tpu.vector_store %arg13[%swap3A, %swap3A_220], %exp3A {strides = array<i32>} : memref<40x16xf32, #tpu.memory_space<vmem>>, vector<16xf32>,
        %swap3A_222 = arith.index_cast %scan3A_106 : i32 to index
        %swap3A_223 = arith.constant 0 : index
        %swap3A_224 = tpu.vector_load %arg14[%swap3A_222, %swap3A_223] {strides = array<i32>} : memref<40x16xf32, #tpu.memory_space<vmem>>, vector<16xf32>,
        tpu.vector_store %arg14[%swap3A_222, %swap3A_223], %exp3A_219 {strides = array<i32>} : memref<40x16xf32, #tpu.memory_space<vmem>>, vector<16xf32>,
        %get3A_225 = arith.index_cast %scan3A_106 : i32 to index
        %get3A_226 = arith.constant 0 : index
        %get3A_227 = tpu.vector_load %arg10[%get3A_225, %get3A_226] {strides = array<i32>} : memref<40x128xf32, #tpu.memory_space<vmem>>, vector<16xf32>,
        %mul3A_228 = arith.mulf %get3A_227, %exp3A : vector<16xf32>
        %swap3A_229 = arith.index_cast %scan3A_106 : i32 to index
        %swap3A_230 = arith.constant 0 : index
        %swap3A_231 = tpu.vector_load %arg11[%swap3A_229, %swap3A_230] {strides = array<i32>} : memref<40x128xf32, #tpu.memory_space<vmem>>, vector<16xf32>,
        tpu.vector_store %arg11[%swap3A_229, %swap3A_230], %mul3A_228 {strides = array<i32>} : memref<40x128xf32, #tpu.memory_space<vmem>>, vector<16xf32>,
        %mul3A_232 = arith.mulf %get3A_227, %exp3A_219 : vector<16xf32>
        %swap3A_233 = arith.index_cast %scan3A_106 : i32 to index
        %swap3A_234 = arith.constant 0 : index
        %swap3A_235 = tpu.vector_load %arg12[%swap3A_233, %swap3A_234] {strides = array<i32>} : memref<40x128xf32, #tpu.memory_space<vmem>>, vector<16xf32>,
        tpu.vector_store %arg12[%swap3A_233, %swap3A_234], %mul3A_232 {strides = array<i32>} : memref<40x128xf32, #tpu.memory_space<vmem>>, vector<16xf32>,
        %get3A_236 = arith.index_cast %scan3A_106 : i32 to index
        %get3A_237 = arith.constant 16 : index
        %get3A_238 = tpu.vector_load %arg10[%get3A_236, %get3A_237] {strides = array<i32>} : memref<40x128xf32, #tpu.memory_space<vmem>>, vector<16xf32>,
        %mul3A_239 = arith.mulf %get3A_238, %exp3A : vector<16xf32>
        %swap3A_240 = arith.index_cast %scan3A_106 : i32 to index
        %swap3A_241 = arith.constant 16 : index
        %swap3A_242 = tpu.vector_load %arg11[%swap3A_240, %swap3A_241] {strides = array<i32>} : memref<40x128xf32, #tpu.memory_space<vmem>>, vector<16xf32>,
        tpu.vector_store %arg11[%swap3A_240, %swap3A_241], %mul3A_239 {strides = array<i32>} : memref<40x128xf32, #tpu.memory_space<vmem>>, vector<16xf32>,
        %mul3A_243 = arith.mulf %get3A_238, %exp3A_219 : vector<16xf32>
        %swap3A_244 = arith.index_cast %scan3A_106 : i32 to index
        %swap3A_245 = arith.constant 16 : index
        %swap3A_246 = tpu.vector_load %arg12[%swap3A_244, %swap3A_245] {strides = array<i32>} : memref<40x128xf32, #tpu.memory_space<vmem>>, vector<16xf32>,
        tpu.vector_store %arg12[%swap3A_244, %swap3A_245], %mul3A_243 {strides = array<i32>} : memref<40x128xf32, #tpu.memory_space<vmem>>, vector<16xf32>,
        %get3A_247 = arith.index_cast %scan3A_106 : i32 to index
        %get3A_248 = arith.constant 32 : index
        %get3A_249 = tpu.vector_load %arg10[%get3A_247, %get3A_248] {strides = array<i32>} : memref<40x128xf32, #tpu.memory_space<vmem>>, vector<16xf32>,
        %mul3A_250 = arith.mulf %get3A_249, %exp3A : vector<16xf32>
        %swap3A_251 = arith.index_cast %scan3A_106 : i32 to index
        %swap3A_252 = arith.constant 32 : index
        %swap3A_253 = tpu.vector_load %arg11[%swap3A_251, %swap3A_252] {strides = array<i32>} : memref<40x128xf32, #tpu.memory_space<vmem>>, vector<16xf32>,
        tpu.vector_store %arg11[%swap3A_251, %swap3A_252], %mul3A_250 {strides = array<i32>} : memref<40x128xf32, #tpu.memory_space<vmem>>, vector<16xf32>,
        %mul3A_254 = arith.mulf %get3A_249, %exp3A_219 : vector<16xf32>
        %swap3A_255 = arith.index_cast %scan3A_106 : i32 to index
        %swap3A_256 = arith.constant 32 : index
        %swap3A_257 = tpu.vector_load %arg12[%swap3A_255, %swap3A_256] {strides = array<i32>} : memref<40x128xf32, #tpu.memory_space<vmem>>, vector<16xf32>,
        tpu.vector_store %arg12[%swap3A_255, %swap3A_256], %mul3A_254 {strides = array<i32>} : memref<40x128xf32, #tpu.memory_space<vmem>>, vector<16xf32>,
        %get3A_258 = arith.index_cast %scan3A_106 : i32 to index
        %get3A_259 = arith.constant 48 : index
        %get3A_260 = tpu.vector_load %arg10[%get3A_258, %get3A_259] {strides = array<i32>} : memref<40x128xf32, #tpu.memory_space<vmem>>, vector<16xf32>,
        %mul3A_261 = arith.mulf %get3A_260, %exp3A : vector<16xf32>
        %swap3A_262 = arith.index_cast %scan3A_106 : i32 to index
        %swap3A_263 = arith.constant 48 : index
        %swap3A_264 = tpu.vector_load %arg11[%swap3A_262, %swap3A_263] {strides = array<i32>} : memref<40x128xf32, #tpu.memory_space<vmem>>, vector<16xf32>,
        tpu.vector_store %arg11[%swap3A_262, %swap3A_263], %mul3A_261 {strides = array<i32>} : memref<40x128xf32, #tpu.memory_space<vmem>>, vector<16xf32>,
        %mul3A_265 = arith.mulf %get3A_260, %exp3A_219 : vector<16xf32>
        %swap3A_266 = arith.index_cast %scan3A_106 : i32 to index
        %swap3A_267 = arith.constant 48 : index
        %swap3A_268 = tpu.vector_load %arg12[%swap3A_266, %swap3A_267] {strides = array<i32>} : memref<40x128xf32, #tpu.memory_space<vmem>>, vector<16xf32>,
        tpu.vector_store %arg12[%swap3A_266, %swap3A_267], %mul3A_265 {strides = array<i32>} : memref<40x128xf32, #tpu.memory_space<vmem>>, vector<16xf32>,
        %get3A_269 = arith.index_cast %scan3A_106 : i32 to index
        %get3A_270 = arith.constant 64 : index
        %get3A_271 = tpu.vector_load %arg10[%get3A_269, %get3A_270] {strides = array<i32>} : memref<40x128xf32, #tpu.memory_space<vmem>>, vector<16xf32>,
        %mul3A_272 = arith.mulf %get3A_271, %exp3A : vector<16xf32>
        %swap3A_273 = arith.index_cast %scan3A_106 : i32 to index
        %swap3A_274 = arith.constant 64 : index
        %swap3A_275 = tpu.vector_load %arg11[%swap3A_273, %swap3A_274] {strides = array<i32>} : memref<40x128xf32, #tpu.memory_space<vmem>>, vector<16xf32>,
        tpu.vector_store %arg11[%swap3A_273, %swap3A_274], %mul3A_272 {strides = array<i32>} : memref<40x128xf32, #tpu.memory_space<vmem>>, vector<16xf32>,
        %mul3A_276 = arith.mulf %get3A_271, %exp3A_219 : vector<16xf32>
        %swap3A_277 = arith.index_cast %scan3A_106 : i32 to index
        %swap3A_278 = arith.constant 64 : index
        %swap3A_279 = tpu.vector_load %arg12[%swap3A_277, %swap3A_278] {strides = array<i32>} : memref<40x128xf32, #tpu.memory_space<vmem>>, vector<16xf32>,
        tpu.vector_store %arg12[%swap3A_277, %swap3A_278], %mul3A_276 {strides = array<i32>} : memref<40x128xf32, #tpu.memory_space<vmem>>, vector<16xf32>,
        %get3A_280 = arith.index_cast %scan3A_106 : i32 to index
        %get3A_281 = arith.constant 80 : index
        %get3A_282 = tpu.vector_load %arg10[%get3A_280, %get3A_281] {strides = array<i32>} : memref<40x128xf32, #tpu.memory_space<vmem>>, vector<16xf32>,
        %mul3A_283 = arith.mulf %get3A_282, %exp3A : vector<16xf32>
        %swap3A_284 = arith.index_cast %scan3A_106 : i32 to index
        %swap3A_285 = arith.constant 80 : index
        %swap3A_286 = tpu.vector_load %arg11[%swap3A_284, %swap3A_285] {strides = array<i32>} : memref<40x128xf32, #tpu.memory_space<vmem>>, vector<16xf32>,
        tpu.vector_store %arg11[%swap3A_284, %swap3A_285], %mul3A_283 {strides = array<i32>} : memref<40x128xf32, #tpu.memory_space<vmem>>, vector<16xf32>,
        %mul3A_287 = arith.mulf %get3A_282, %exp3A_219 : vector<16xf32>
        %swap3A_288 = arith.index_cast %scan3A_106 : i32 to index
        %swap3A_289 = arith.constant 80 : index
        %swap3A_290 = tpu.vector_load %arg12[%swap3A_288, %swap3A_289] {strides = array<i32>} : memref<40x128xf32, #tpu.memory_space<vmem>>, vector<16xf32>,
        tpu.vector_store %arg12[%swap3A_288, %swap3A_289], %mul3A_287 {strides = array<i32>} : memref<40x128xf32, #tpu.memory_space<vmem>>, vector<16xf32>,
        %get3A_291 = arith.index_cast %scan3A_106 : i32 to index
        %get3A_292 = arith.constant 96 : index
        %get3A_293 = tpu.vector_load %arg10[%get3A_291, %get3A_292] {strides = array<i32>} : memref<40x128xf32, #tpu.memory_space<vmem>>, vector<16xf32>,
        %mul3A_294 = arith.mulf %get3A_293, %exp3A : vector<16xf32>
        %swap3A_295 = arith.index_cast %scan3A_106 : i32 to index
        %swap3A_296 = arith.constant 96 : index
        %swap3A_297 = tpu.vector_load %arg11[%swap3A_295, %swap3A_296] {strides = array<i32>} : memref<40x128xf32, #tpu.memory_space<vmem>>, vector<16xf32>,
        tpu.vector_store %arg11[%swap3A_295, %swap3A_296], %mul3A_294 {strides = array<i32>} : memref<40x128xf32, #tpu.memory_space<vmem>>, vector<16xf32>,
        %mul3A_298 = arith.mulf %get3A_293, %exp3A_219 : vector<16xf32>
        %swap3A_299 = arith.index_cast %scan3A_106 : i32 to index
        %swap3A_300 = arith.constant 96 : index
        %swap3A_301 = tpu.vector_load %arg12[%swap3A_299, %swap3A_300] {strides = array<i32>} : memref<40x128xf32, #tpu.memory_space<vmem>>, vector<16xf32>,
        tpu.vector_store %arg12[%swap3A_299, %swap3A_300], %mul3A_298 {strides = array<i32>} : memref<40x128xf32, #tpu.memory_space<vmem>>, vector<16xf32>,
        %get3A_302 = arith.index_cast %scan3A_106 : i32 to index
        %get3A_303 = arith.constant 112 : index
        %get3A_304 = tpu.vector_load %arg10[%get3A_302, %get3A_303] {strides = array<i32>} : memref<40x128xf32, #tpu.memory_space<vmem>>, vector<16xf32>,
        %mul3A_305 = arith.mulf %get3A_304, %exp3A : vector<16xf32>
        %swap3A_306 = arith.index_cast %scan3A_106 : i32 to index
        %swap3A_307 = arith.constant 112 : index
        %swap3A_308 = tpu.vector_load %arg11[%swap3A_306, %swap3A_307] {strides = array<i32>} : memref<40x128xf32, #tpu.memory_space<vmem>>, vector<16xf32>,
        tpu.vector_store %arg11[%swap3A_306, %swap3A_307], %mul3A_305 {strides = array<i32>} : memref<40x128xf32, #tpu.memory_space<vmem>>, vector<16xf32>,
        %mul3A_309 = arith.mulf %get3A_304, %exp3A_219 : vector<16xf32>
        %swap3A_310 = arith.index_cast %scan3A_106 : i32 to index
        %swap3A_311 = arith.constant 112 : index
        %swap3A_312 = tpu.vector_load %arg12[%swap3A_310, %swap3A_311] {strides = array<i32>} : memref<40x128xf32, #tpu.memory_space<vmem>>, vector<16xf32>,
        tpu.vector_store %arg12[%swap3A_310, %swap3A_311], %mul3A_309 {strides = array<i32>} : memref<40x128xf32, #tpu.memory_space<vmem>>, vector<16xf32>,
      }
      %scan3A_105 = arith.constant 40 : i32
      "tpu.region"() ({
        %run_scoped3A = tpu.sem_alloc : memref<!tpu.dma_semaphore, #tpu.memory_space<semaphore_mem>>
        %dma_start3A_106 = arith.constant 0 : i32
        %dma_start3A_107 = arith.constant 0 : i32
        %dma_start3A_108 = tpu.memref_slice %arg16[%dma_start3A_106, %dma_start3A_107] : memref<10240x128xf32, #tpu.memory_space<vmem_shared>> -> memref<10240x128xf32, #tpu.memory_space<vmem_shared>>
        tpu.enqueue_indirect_dma source(%arg11 : memref<40x128xf32, #tpu.memory_space<vmem>>) target(%dma_start3A_108 : memref<10240x128xf32, #tpu.memory_space<vmem_shared>>) offsets(%arg8 : memref<40xi32, #tpu.memory_space<vmem>>) semaphore(%run_scoped3A : memref<!tpu.dma_semaphore, #tpu.memory_space<semaphore_mem>>) {add = true}
        %dma_wait3A_109 = arith.constant 0 : i32
        %dma_wait3A_110 = arith.constant 0 : i32
        %dma_wait3A_111 = tpu.memref_slice %arg16[%dma_wait3A_109, %dma_wait3A_110] : memref<10240x128xf32, #tpu.memory_space<vmem_shared>> -> memref<10240x128xf32, #tpu.memory_space<vmem_shared>>
        tpu.wait_indirect_dma semaphore(%run_scoped3A : memref<!tpu.dma_semaphore, #tpu.memory_space<semaphore_mem>>) src(%arg11 : memref<40x128xf32, #tpu.memory_space<vmem>>) dst(%dma_wait3A_111 : memref<10240x128xf32, #tpu.memory_space<vmem_shared>>)
        tpu.yield
      }) : () -> ()
      "tpu.region"() ({
        %run_scoped3A = tpu.sem_alloc : memref<!tpu.dma_semaphore, #tpu.memory_space<semaphore_mem>>
        %dma_start3A_106 = arith.constant 0 : i32
        %dma_start3A_107 = arith.constant 0 : i32
        %dma_start3A_108 = tpu.memref_slice %arg16[%dma_start3A_106, %dma_start3A_107] : memref<10240x128xf32, #tpu.memory_space<vmem_shared>> -> memref<10240x128xf32, #tpu.memory_space<vmem_shared>>
        tpu.enqueue_indirect_dma source(%arg12 : memref<40x128xf32, #tpu.memory_space<vmem>>) target(%dma_start3A_108 : memref<10240x128xf32, #tpu.memory_space<vmem_shared>>) offsets(%arg9 : memref<40xi32, #tpu.memory_space<vmem>>) semaphore(%run_scoped3A : memref<!tpu.dma_semaphore, #tpu.memory_space<semaphore_mem>>) {add = true}
        %dma_wait3A_109 = arith.constant 0 : i32
        %dma_wait3A_110 = arith.constant 0 : i32
        %dma_wait3A_111 = tpu.memref_slice %arg16[%dma_wait3A_109, %dma_wait3A_110] : memref<10240x128xf32, #tpu.memory_space<vmem_shared>> -> memref<10240x128xf32, #tpu.memory_space<vmem_shared>>
        tpu.wait_indirect_dma semaphore(%run_scoped3A : memref<!tpu.dma_semaphore, #tpu.memory_space<semaphore_mem>>) src(%arg12 : memref<40x128xf32, #tpu.memory_space<vmem>>) dst(%dma_wait3A_111 : memref<10240x128xf32, #tpu.memory_space<vmem_shared>>)
        tpu.yield
      }) : () -> ()
      "tpu.region"() ({
        %run_scoped3A = tpu.sem_alloc : memref<!tpu.dma_semaphore, #tpu.memory_space<semaphore_mem>>
        %dma_start3A_106 = arith.constant 0 : i32
        %dma_start3A_107 = arith.constant 0 : i32
        %dma_start3A_108 = tpu.memref_slice %arg15[%dma_start3A_106, %dma_start3A_107] : memref<10240x16xf32, #tpu.memory_space<vmem_shared>> -> memref<10240x16xf32, #tpu.memory_space<vmem_shared>>
        tpu.enqueue_indirect_dma source(%arg13 : memref<40x16xf32, #tpu.memory_space<vmem>>) target(%dma_start3A_108 : memref<10240x16xf32, #tpu.memory_space<vmem_shared>>) offsets(%arg8 : memref<40xi32, #tpu.memory_space<vmem>>) semaphore(%run_scoped3A : memref<!tpu.dma_semaphore, #tpu.memory_space<semaphore_mem>>) {add = true}
        %dma_wait3A_109 = arith.constant 0 : i32
        %dma_wait3A_110 = arith.constant 0 : i32
        %dma_wait3A_111 = tpu.memref_slice %arg15[%dma_wait3A_109, %dma_wait3A_110] : memref<10240x16xf32, #tpu.memory_space<vmem_shared>> -> memref<10240x16xf32, #tpu.memory_space<vmem_shared>>
        tpu.wait_indirect_dma semaphore(%run_scoped3A : memref<!tpu.dma_semaphore, #tpu.memory_space<semaphore_mem>>) src(%arg13 : memref<40x16xf32, #tpu.memory_space<vmem>>) dst(%dma_wait3A_111 : memref<10240x16xf32, #tpu.memory_space<vmem_shared>>)
        tpu.yield
      }) : () -> ()
      "tpu.region"() ({
        %run_scoped3A = tpu.sem_alloc : memref<!tpu.dma_semaphore, #tpu.memory_space<semaphore_mem>>
        %dma_start3A_106 = arith.constant 0 : i32
        %dma_start3A_107 = arith.constant 0 : i32
        %dma_start3A_108 = tpu.memref_slice %arg15[%dma_start3A_106, %dma_start3A_107] : memref<10240x16xf32, #tpu.memory_space<vmem_shared>> -> memref<10240x16xf32, #tpu.memory_space<vmem_shared>>
        tpu.enqueue_indirect_dma source(%arg14 : memref<40x16xf32, #tpu.memory_space<vmem>>) target(%dma_start3A_108 : memref<10240x16xf32, #tpu.memory_space<vmem_shared>>) offsets(%arg9 : memref<40xi32, #tpu.memory_space<vmem>>) semaphore(%run_scoped3A : memref<!tpu.dma_semaphore, #tpu.memory_space<semaphore_mem>>) {add = true}
        %dma_wait3A_109 = arith.constant 0 : i32
        %dma_wait3A_110 = arith.constant 0 : i32
        %dma_wait3A_111 = tpu.memref_slice %arg15[%dma_wait3A_109, %dma_wait3A_110] : memref<10240x16xf32, #tpu.memory_space<vmem_shared>> -> memref<10240x16xf32, #tpu.memory_space<vmem_shared>>
        tpu.wait_indirect_dma semaphore(%run_scoped3A : memref<!tpu.dma_semaphore, #tpu.memory_space<semaphore_mem>>) src(%arg14 : memref<40x16xf32, #tpu.memory_space<vmem>>) dst(%dma_wait3A_111 : memref<10240x16xf32, #tpu.memory_space<vmem_shared>>)
        tpu.yield
      }) : () -> ()
    }
    %scan3A_76 = arith.constant 250 : i32
    %barrier3A_77 = arith.constant 0 : index
    tpu.barrier barrier_id(%barrier3A_77)
    %mul3A_78 = arith.constant 10240 : i32
    %mul3A_79 = arith.muli %arg0, %mul3A_78 : i32
    %add3A_80 = arith.addi %mul3A_79, %mul3A_6 : i32
    "tpu.region"() ({
      %run_scoped3A = tpu.sem_alloc : memref<!tpu.dma_semaphore, #tpu.memory_space<semaphore_mem>>
      %dma_start3A = arith.constant 0 : i32
      %dma_start3A_81 = tpu.memref_slice %arg6[%add3A_80, %dma_start3A] : memref<20480x128xf32, #tpu.memory_space<hbm>> -> memref<640x128xf32, #tpu.memory_space<hbm>>
      %dma_start3A_82 = arith.constant 0 : i32
      %dma_start3A_83 = tpu.memref_slice %arg16[%mul3A_6, %dma_start3A_82] : memref<10240x128xf32, #tpu.memory_space<vmem_shared>> -> memref<640x128xf32, #tpu.memory_space<vmem_shared>>
      tpu.enqueue_dma source(%dma_start3A_83 : memref<640x128xf32, #tpu.memory_space<vmem_shared>>) target(%dma_start3A_81 : memref<640x128xf32, #tpu.memory_space<hbm>>) target_semaphore(%run_scoped3A : memref<!tpu.dma_semaphore, #tpu.memory_space<semaphore_mem>>)
      %dma_wait3A = arith.constant 0 : i32
      %dma_wait3A_84 = tpu.memref_slice %arg6[%add3A_80, %dma_wait3A] : memref<20480x128xf32, #tpu.memory_space<hbm>> -> memref<640x128xf32, #tpu.memory_space<hbm>>
      %dma_wait3A_85 = arith.constant 0 : i32
      %dma_wait3A_86 = tpu.memref_slice %arg16[%mul3A_6, %dma_wait3A_85] : memref<10240x128xf32, #tpu.memory_space<vmem_shared>> -> memref<640x128xf32, #tpu.memory_space<vmem_shared>>
      tpu.wait_dma2 semaphore(%run_scoped3A : memref<!tpu.dma_semaphore, #tpu.memory_space<semaphore_mem>>) src(%dma_wait3A_86 : memref<640x128xf32, #tpu.memory_space<vmem_shared>>) dst(%dma_wait3A_84 : memref<640x128xf32, #tpu.memory_space<hbm>>)
      tpu.yield
    }) : () -> ()
    "tpu.region"() ({
      %run_scoped3A = tpu.sem_alloc : memref<!tpu.dma_semaphore, #tpu.memory_space<semaphore_mem>>
      %dma_start3A = arith.constant 0 : i32
      %dma_start3A_81 = tpu.memref_slice %arg7[%add3A_80, %dma_start3A] : memref<20480x16xf32, #tpu.memory_space<hbm>> -> memref<640x16xf32, #tpu.memory_space<hbm>>
      %dma_start3A_82 = arith.constant 0 : i32
      %dma_start3A_83 = tpu.memref_slice %arg15[%mul3A_6, %dma_start3A_82] : memref<10240x16xf32, #tpu.memory_space<vmem_shared>> -> memref<640x16xf32, #tpu.memory_space<vmem_shared>>
      tpu.enqueue_dma source(%dma_start3A_83 : memref<640x16xf32, #tpu.memory_space<vmem_shared>>) target(%dma_start3A_81 : memref<640x16xf32, #tpu.memory_space<hbm>>) target_semaphore(%run_scoped3A : memref<!tpu.dma_semaphore, #tpu.memory_space<semaphore_mem>>)
      %dma_wait3A = arith.constant 0 : i32
      %dma_wait3A_84 = tpu.memref_slice %arg7[%add3A_80, %dma_wait3A] : memref<20480x16xf32, #tpu.memory_space<hbm>> -> memref<640x16xf32, #tpu.memory_space<hbm>>
      %dma_wait3A_85 = arith.constant 0 : i32
      %dma_wait3A_86 = tpu.memref_slice %arg15[%mul3A_6, %dma_wait3A_85] : memref<10240x16xf32, #tpu.memory_space<vmem_shared>> -> memref<640x16xf32, #tpu.memory_space<vmem_shared>>
      tpu.wait_dma2 semaphore(%run_scoped3A : memref<!tpu.dma_semaphore, #tpu.memory_space<semaphore_mem>>) src(%dma_wait3A_86 : memref<640x16xf32, #tpu.memory_space<vmem_shared>>) dst(%dma_wait3A_84 : memref<640x16xf32, #tpu.memory_space<hbm>>)
      tpu.yield
    }) : () -> ()
    return
  }
}

module attributes {stable_mosaic.version = 14 : i64} {
  func.func @_ctop_body(%arg0: i32, %arg1: memref<2048x128xf32, #tpu.memory_space<vmem>>, %arg2: memref<128x128xf32, #tpu.memory_space<vmem>>, %arg3: memref<1x128xf32, #tpu.memory_space<vmem>>, %arg4: memref<2048x128xf32, #tpu.memory_space<vmem>>) attributes {dimension_semantics = [#tpu.dimension_semantics<arbitrary>], iteration_bounds = array<i64: 10>, scalar_prefetch = 0 : i64, scratch_operands = 0 : i64, tpu.core_type = #tpu.core_type<tc>, window_params = [{transform_indices = @transform_0, window_bounds = array<i64: 2048, 128>}, {pipeline_mode = #tpu.pipeline_mode<synchronous>, transform_indices = @transform_1, window_bounds = array<i64: 128, 128>}, {pipeline_mode = #tpu.pipeline_mode<synchronous>, transform_indices = @transform_2, window_bounds = array<i64: 1, 128>}, {transform_indices = @transform_3, window_bounds = array<i64: 2048, 128>}]} {
    %get3A = arith.constant 0 : index
    %get3A_0 = arith.constant 0 : index
    %get3A_1 = vector.load %arg1[%get3A, %get3A_0] : memref<2048x128xf32, #tpu.memory_space<vmem>>, vector<2048x128xf32>
    %get3A_2 = arith.constant 0 : index
    %get3A_3 = arith.constant 0 : index
    %get3A_4 = vector.load %arg2[%get3A_2, %get3A_3] : memref<128x128xf32, #tpu.memory_space<vmem>>, vector<128x128xf32>
    %dot_general3A = arith.constant dense<0.000000e+00> : vector<2048x128xf32>
    %dot_general3A_5 = tpu.matmul %get3A_1, %get3A_4, %dot_general3A {dimension_numbers = #tpu.dot_dimension_numbers<[1], [0], [0], [1], [0, 0, 1, 1], [], []>, transpose_lhs_hint = false} : vector<2048x128xf32>, vector<128x128xf32>, vector<2048x128xf32> -> vector<2048x128xf32>
    %get3A_6 = arith.constant 0 : index
    %get3A_7 = arith.constant 0 : index
    %get3A_8 = vector.load %arg3[%get3A_6, %get3A_7] : memref<1x128xf32, #tpu.memory_space<vmem>>, vector<1x128xf32>
    %add3A = vector.broadcast %get3A_8 : vector<1x128xf32> to vector<2048x128xf32>
    %add3A_9 = arith.addf %dot_general3A_5, %add3A : vector<2048x128xf32>
    %swap3A = arith.constant 0 : index
    %swap3A_10 = arith.constant 0 : index
    %swap3A_11 = vector.load %arg4[%swap3A, %swap3A_10] : memref<2048x128xf32, #tpu.memory_space<vmem>>, vector<2048x128xf32>
    tpu.vector_store %arg4[%swap3A, %swap3A_10], %add3A_9 {strides = array<i32>} : memref<2048x128xf32, #tpu.memory_space<vmem>>, vector<2048x128xf32>,
    return
  }
  func.func @transform_0(%arg0: i32) -> (i32, i32) {
    %c0_i32 = arith.constant 0 : i32
    %c0_i32_0 = arith.constant 0 : i32
    return %arg0, %c0_i32 : i32, i32
  }
  func.func @transform_1(%arg0: i32) -> (i32, i32) {
    %c0_i32 = arith.constant 0 : i32
    %c0_i32_0 = arith.constant 0 : i32
    %c0_i32_1 = arith.constant 0 : i32
    return %c0_i32, %c0_i32_0 : i32, i32
  }
  func.func @transform_2(%arg0: i32) -> (i32, i32) {
    %c0_i32 = arith.constant 0 : i32
    %c0_i32_0 = arith.constant 0 : i32
    %c0_i32_1 = arith.constant 0 : i32
    return %c0_i32, %c0_i32_0 : i32, i32
  }
  func.func @transform_3(%arg0: i32) -> (i32, i32) {
    %c0_i32 = arith.constant 0 : i32
    %c0_i32_0 = arith.constant 0 : i32
    return %arg0, %c0_i32 : i32, i32
  }
}

module attributes {stable_mosaic.version = 14 : i64} {
  func.func @_proj_body(%arg0: i32, %arg1: memref<1000x128xf32, #tpu.memory_space<vmem>>, %arg2: memref<1000x128xf32, #tpu.memory_space<vmem>>, %arg3: memref<1000x16xf32, #tpu.memory_space<vmem>>, %arg4: memref<1000x16xf32, #tpu.memory_space<vmem>>, %arg5: memref<128x128xf32, #tpu.memory_space<vmem>>, %arg6: memref<1000x128xf32, #tpu.memory_space<vmem>>) attributes {dimension_semantics = [#tpu.dimension_semantics<arbitrary>], iteration_bounds = array<i64: 10>, scalar_prefetch = 0 : i64, scratch_operands = 0 : i64, tpu.core_type = #tpu.core_type<tc>, window_params = [{transform_indices = @transform_0, window_bounds = array<i64: 1000, 128>}, {transform_indices = @transform_1, window_bounds = array<i64: 1000, 128>}, {transform_indices = @transform_2, window_bounds = array<i64: 1000, 16>}, {transform_indices = @transform_3, window_bounds = array<i64: 1000, 16>}, {pipeline_mode = #tpu.pipeline_mode<synchronous>, transform_indices = @transform_4, window_bounds = array<i64: 128, 128>}, {transform_indices = @transform_5, window_bounds = array<i64: 1000, 128>}]} {
    %get3A = arith.constant 0 : index
    %get3A_0 = arith.constant 0 : index
    %get3A_1 = vector.load %arg3[%get3A, %get3A_0] : memref<1000x16xf32, #tpu.memory_space<vmem>>, vector<1000x1xf32>
    %get3A_2 = arith.constant 0 : index
    %get3A_3 = arith.constant 0 : index
    %get3A_4 = vector.load %arg4[%get3A_2, %get3A_3] : memref<1000x16xf32, #tpu.memory_space<vmem>>, vector<1000x1xf32>
    %add3A = arith.addf %get3A_1, %get3A_4 : vector<1000x1xf32>
    %add3A_5 = arith.constant 1.000000e-16 : f32
    %add3A_6 = vector.broadcast %add3A_5 : f32 to vector<1000x1xf32>
    %add3A_7 = arith.addf %add3A, %add3A_6 : vector<1000x1xf32>
    %get3A_8 = arith.constant 0 : index
    %get3A_9 = arith.constant 0 : index
    %get3A_10 = vector.load %arg1[%get3A_8, %get3A_9] : memref<1000x128xf32, #tpu.memory_space<vmem>>, vector<1000x128xf32>
    %get3A_11 = arith.constant 0 : index
    %get3A_12 = arith.constant 0 : index
    %get3A_13 = vector.load %arg2[%get3A_11, %get3A_12] : memref<1000x128xf32, #tpu.memory_space<vmem>>, vector<1000x128xf32>
    %add3A_14 = arith.addf %get3A_10, %get3A_13 : vector<1000x128xf32>
    %div3A = vector.broadcast %add3A_7 : vector<1000x1xf32> to vector<1000x128xf32>
    %div3A_15 = arith.divf %add3A_14, %div3A : vector<1000x128xf32>
    %get3A_16 = arith.constant 0 : index
    %get3A_17 = arith.constant 0 : index
    %get3A_18 = vector.load %arg5[%get3A_16, %get3A_17] : memref<128x128xf32, #tpu.memory_space<vmem>>, vector<128x128xf32>
    %dot_general3A = arith.constant dense<0.000000e+00> : vector<1000x128xf32>
    %dot_general3A_19 = tpu.matmul %div3A_15, %get3A_18, %dot_general3A {dimension_numbers = #tpu.dot_dimension_numbers<[1], [0], [0], [1], [0, 0, 1, 1], [], []>, transpose_lhs_hint = false} : vector<1000x128xf32>, vector<128x128xf32>, vector<1000x128xf32> -> vector<1000x128xf32>
    %swap3A = arith.constant 0 : index
    %swap3A_20 = arith.constant 0 : index
    %swap3A_21 = vector.load %arg6[%swap3A, %swap3A_20] : memref<1000x128xf32, #tpu.memory_space<vmem>>, vector<1000x128xf32>
    tpu.vector_store %arg6[%swap3A, %swap3A_20], %dot_general3A_19 {strides = array<i32>} : memref<1000x128xf32, #tpu.memory_space<vmem>>, vector<1000x128xf32>,
    return
  }
  func.func @transform_0(%arg0: i32) -> (i32, i32) {
    %c0_i32 = arith.constant 0 : i32
    %c0_i32_0 = arith.constant 0 : i32
    return %arg0, %c0_i32 : i32, i32
  }
  func.func @transform_1(%arg0: i32) -> (i32, i32) {
    %c0_i32 = arith.constant 0 : i32
    %c0_i32_0 = arith.constant 0 : i32
    return %arg0, %c0_i32 : i32, i32
  }
  func.func @transform_2(%arg0: i32) -> (i32, i32) {
    %c0_i32 = arith.constant 0 : i32
    %c0_i32_0 = arith.constant 0 : i32
    return %arg0, %c0_i32 : i32, i32
  }
  func.func @transform_3(%arg0: i32) -> (i32, i32) {
    %c0_i32 = arith.constant 0 : i32
    %c0_i32_0 = arith.constant 0 : i32
    return %arg0, %c0_i32 : i32, i32
  }
  func.func @transform_4(%arg0: i32) -> (i32, i32) {
    %c0_i32 = arith.constant 0 : i32
    %c0_i32_0 = arith.constant 0 : i32
    %c0_i32_1 = arith.constant 0 : i32
    return %c0_i32, %c0_i32_0 : i32, i32
  }
  func.func @transform_5(%arg0: i32) -> (i32, i32) {
    %c0_i32 = arith.constant 0 : i32
    %c0_i32_0 = arith.constant 0 : i32
    return %arg0, %c0_i32 : i32, i32
  }
}

module attributes {stable_mosaic.version = 14 : i64} {
  func.func @_final_body(%arg0: i32, %arg1: memref<1000x128xf32, #tpu.memory_space<vmem>>, %arg2: memref<1000x128xf32, #tpu.memory_space<vmem>>, %arg3: memref<1000x16xf32, #tpu.memory_space<vmem>>, %arg4: memref<1000x16xf32, #tpu.memory_space<vmem>>, %arg5: memref<1000x128xf32, #tpu.memory_space<vmem>>) attributes {dimension_semantics = [#tpu.dimension_semantics<arbitrary>], iteration_bounds = array<i64: 10>, scalar_prefetch = 0 : i64, scratch_operands = 0 : i64, tpu.core_type = #tpu.core_type<tc>, window_params = [{transform_indices = @transform_0, window_bounds = array<i64: 1000, 128>}, {transform_indices = @transform_1, window_bounds = array<i64: 1000, 128>}, {transform_indices = @transform_2, window_bounds = array<i64: 1000, 16>}, {transform_indices = @transform_3, window_bounds = array<i64: 1000, 16>}, {transform_indices = @transform_4, window_bounds = array<i64: 1000, 128>}]} {
    %get3A = arith.constant 0 : index
    %get3A_0 = arith.constant 0 : index
    %get3A_1 = vector.load %arg3[%get3A, %get3A_0] : memref<1000x16xf32, #tpu.memory_space<vmem>>, vector<1000x1xf32>
    %get3A_2 = arith.constant 0 : index
    %get3A_3 = arith.constant 0 : index
    %get3A_4 = vector.load %arg4[%get3A_2, %get3A_3] : memref<1000x16xf32, #tpu.memory_space<vmem>>, vector<1000x1xf32>
    %add3A = arith.addf %get3A_1, %get3A_4 : vector<1000x1xf32>
    %jit3A = arith.constant 1.000000e+00 : f32
    %max3A = vector.broadcast %jit3A : f32 to vector<1000x1xf32>
    %max3A_5 = arith.maximumf %max3A, %add3A : vector<1000x1xf32>
    %get3A_6 = arith.constant 0 : index
    %get3A_7 = arith.constant 0 : index
    %get3A_8 = vector.load %arg1[%get3A_6, %get3A_7] : memref<1000x128xf32, #tpu.memory_space<vmem>>, vector<1000x128xf32>
    %get3A_9 = arith.constant 0 : index
    %get3A_10 = arith.constant 0 : index
    %get3A_11 = vector.load %arg2[%get3A_9, %get3A_10] : memref<1000x128xf32, #tpu.memory_space<vmem>>, vector<1000x128xf32>
    %add3A_12 = arith.addf %get3A_8, %get3A_11 : vector<1000x128xf32>
    %div3A = vector.broadcast %max3A_5 : vector<1000x1xf32> to vector<1000x128xf32>
    %div3A_13 = arith.divf %add3A_12, %div3A : vector<1000x128xf32>
    %swap3A = arith.constant 0 : index
    %swap3A_14 = arith.constant 0 : index
    %swap3A_15 = vector.load %arg5[%swap3A, %swap3A_14] : memref<1000x128xf32, #tpu.memory_space<vmem>>, vector<1000x128xf32>
    tpu.vector_store %arg5[%swap3A, %swap3A_14], %div3A_13 {strides = array<i32>} : memref<1000x128xf32, #tpu.memory_space<vmem>>, vector<1000x128xf32>,
    return
  }
  func.func @transform_0(%arg0: i32) -> (i32, i32) {
    %c0_i32 = arith.constant 0 : i32
    %c0_i32_0 = arith.constant 0 : i32
    return %arg0, %c0_i32 : i32, i32
  }
  func.func @transform_1(%arg0: i32) -> (i32, i32) {
    %c0_i32 = arith.constant 0 : i32
    %c0_i32_0 = arith.constant 0 : i32
    return %arg0, %c0_i32 : i32, i32
  }
  func.func @transform_2(%arg0: i32) -> (i32, i32) {
    %c0_i32 = arith.constant 0 : i32
    %c0_i32_0 = arith.constant 0 : i32
    return %arg0, %c0_i32 : i32, i32
  }
  func.func @transform_3(%arg0: i32) -> (i32, i32) {
    %c0_i32 = arith.constant 0 : i32
    %c0_i32_0 = arith.constant 0 : i32
    return %arg0, %c0_i32 : i32, i32
  }
  func.func @transform_4(%arg0: i32) -> (i32, i32) {
    %c0_i32 = arith.constant 0 : i32
    %c0_i32_0 = arith.constant 0 : i32
    return %arg0, %c0_i32 : i32, i32
  }
}

</mosaic_0001>

<sc_bundles>
// kernel: kernel.10.cloned.1.call-start
scs
__scs_entry_jumppad:
0x0: {  	(pc) =	sbr.rel $0x88, $3  }
0x1: {  	(tag) =	ssettag $0x0;
	lr =	simm.s32 $0x1  }
0x2: {  	[smem:$0x3F9A] =	sst lr;
	_ =	strace $0xD0000000  }
0x3: {  	_ = 	snop  }
0x4: {  	_ = 	snop  }
0x5: {  	_ = 	snop  }
0x6: {  	_ = 	snop  }
0x7: {  	_ = 	snop  }
__scs_overlays_trampoline_lowered:
0x8: {  	[smem:$0x3FA9] =	sst s0  }
0x9: {  	[smem:$0x3FAA] =	sst s1  }
0xa: {  	[smem:$0x3FAB] =	sst s2  }
0xb: {  	[smem:$0x3FAC] =	sst s3  }
0xc: {  	[smem:$0x3FAD] =	sst s4  }
0xd: {  	[smem:$0x3FAE] =	sst s5  }
0xe: {  	[smem:$0x3FAF] =	sst s6  }
0xf: {  	[smem:$0x3FB0] =	sst s7  }
0x10: {  	[smem:$0x3FB1] =	sst s8  }
0x11: {  	[smem:$0x3FB2] =	sst s9;
	s0 =	simm.s32 @!p0 $0x0  }
0x12: {  	s1 =	sld [smem:$0x3F98];
	s0 =	simm.s32 @p0 $0x1  }
0x13: {  	[smem:$0x3FB3] =	sst s0;
	s0 =	simm.s32 @!p1 $0x0  }
0x14: {  	s2 =	sld [smem:$0x3F97];
	s0 =	simm.s32 @p1 $0x1  }
0x15: {  	[smem:$0x3FB4] =	sst s0;
	s0 =	simm.s32 @!p2 $0x0  }
0x16: {  	s3 =	sld [smem:$0x3FDB];
	s0 =	simm.s32 @p2 $0x1  }
0x17: {  	s4 =	simm.s32 $0x1BF5;
	[smem:$0x3FB6] =	sst s0  }
0x18: {  	s0 =	sld [smem:$0x3F99];
	_ =	swait.ge [sflag:s4], $0x0  }
0x19: {  	s7 =	sld [smem:$0x3F9A]  }
0x1a: {  	s8 =	sadd.s32 $0xFFFFE003, lr  }
0x1b: {  	s9 =	sadd.s32 $0xFFFFFEF7, lr;
	s5 =	simm.s32 $0xFFFFFFFF;
	p2 =	slt.u32 s8, $0xFFFFF086  }
0x1c: {  	p1 =	slt.u32 s9, $0xF7A;
	s5 =	simm.s32 @!p2 $0x0  }
0x1d: {  	s5 =	simm.s32 @p1 $0x1;
	p0 =	seq.s32 s7, s2  }
0x1e: {  	s7 =	smul.u32 @!p0 $0xF7A, s2;
	p2 =	seq.s32 @!p0 s5, $0x0  }
0x1f: {  	s9 =	smul.u32 $0xF7A, s1;
	s8 =	simm.s32 @!p0 $0x1BF5;
	p2 =	por !p2, p0  }
0x20: {  	[sflag:s8] =	ssyncset.s32 @!p0 $0xFFFFF086;
	s6 =	sadd.s32 @!p0 s3, s7;
	s7 =	simm.s32 @!p0 $0x108  }
0x21: {  	s3 =	sadd.s32 s3, s9;
	s6 =	sadd.s32 @!p0 $0x88, s6;
	s7 =	simm.s32 @p2 $0x1082  }
0x22: {  	[simem:s7], [sflag:s8] =	dma.local @!p0 [hbm:s6], $0xF7A  }
0x23: {  	s9 =	sor.u32 $0xD0000000, s2;
	s6 =	simm.s32 $0x108;
	_ =	swait.ge @!p0 [sflag:s8], $0x0  }
0x24: {  	s3 =	sadd.s32 $0x88, s3;
	s6 =	simm.s32 @!p1 $0x1082;
	[sflag:s4] =	ssyncset.s32 $0xFFFFF086  }
0x25: {  	[simem:s6], [sflag:s4] =	dma.local [hbm:s3], $0xF7A  }
0x26: {  	[smem:$0x3F9A] =	sst s1;
	(tag) =	ssettag s2;
	_ =	strace s9  }
0x27: {  	s1 =	sld [smem:$0x3FAA]  }
0x28: {  	s2 =	sld [smem:$0x3FAB]  }
0x29: {  	s4 =	sld [smem:$0x3FAD]  }
0x2a: {  	p0 =	seq.s32 s5, $0x0;
	s5 =	sld [smem:$0x3FAE]  }
0x2b: {  	s6 =	sld [smem:$0x3FAF]  }
0x2c: {  	s7 =	sld [smem:$0x3FB0]  }
0x2d: {  	s3 =	simm.s32 $0x108;
	s8 =	sld [smem:$0x3FB1]  }
0x2e: {  	s3 =	simm.s32 @!p0 $0x1082;
	s9 =	sld [smem:$0x3FB2]  }
0x2f: {  	lr =	sadd.s32 s0, s3;
	s0 =	sld [smem:$0x3FA9]  }
0x30: {  	s3 =	sld [smem:$0x3FAC]  }
0x31: {  	[smem:$0x3FB5] =	sst s10  }
0x32: {  	s10 =	sld [smem:$0x3FB3];
	_ =	sdelay $0x3  }
0x33: {  	p0 =	seq.s32 s10, $0x1;
	s10 =	sld [smem:$0x3FB5];
	_ =	sdelay $0x3  }
0x34: {  	[smem:$0x3FB5] =	sst s10  }
0x35: {  	s10 =	sld [smem:$0x3FB4];
	_ =	sdelay $0x3  }
0x36: {  	p1 =	seq.s32 s10, $0x1;
	s10 =	sld [smem:$0x3FB5];
	_ =	sdelay $0x3  }
0x37: {  	[smem:$0x3FB5] =	sst s10  }
0x38: {  	s10 =	sld [smem:$0x3FB6]  }
0x39: {  	_ = 	snop;
	(pc) =	sbr.ind lr, $3  }
0x3a: {  	_ = 	snop  }
0x3b: {  	_ = 	snop  }
0x3c: {  	p2 =	seq.s32 s10, $0x1;
	s10 =	sld [smem:$0x3FB5]  }
0x3d: {  	_ =	shalt  }
0x3e: {  	_ =	shalt  }
0x3f: {  	_ =	shalt  }
0x40: {  	_ =	shalt  }
0x41: {  	_ =	shalt  }
0x42: {  	_ =	shalt  }
0x43: {  	_ =	shalt  }
0x44: {  	_ =	shalt  }
0x45: {  	_ =	shalt  }
0x46: {  	_ =	shalt  }
0x47: {  	_ =	shalt  }
0x48: {  	_ =	shalt  }
0x49: {  	_ =	shalt  }
0x4a: {  	_ =	shalt  }
0x4b: {  	_ =	shalt  }
0x4c: {  	_ =	shalt  }
0x4d: {  	_ =	shalt  }
0x4e: {  	_ =	shalt  }
0x4f: {  	_ =	shalt  }
0x50: {  	_ =	shalt  }
0x51: {  	_ =	shalt  }
0x52: {  	_ =	shalt  }
0x53: {  	_ =	shalt  }
0x54: {  	_ =	shalt  }
0x55: {  	_ =	shalt  }
0x56: {  	_ =	shalt  }
0x57: {  	_ =	shalt  }
0x58: {  	_ =	shalt  }
0x59: {  	_ =	shalt  }
0x5a: {  	_ =	shalt  }
0x5b: {  	_ =	shalt  }
0x5c: {  	_ =	shalt  }
0x5d: {  	_ =	shalt  }
0x5e: {  	_ =	shalt  }
0x5f: {  	_ =	shalt  }
0x60: {  	_ =	shalt  }
0x61: {  	_ =	shalt  }
0x62: {  	_ =	shalt  }
0x63: {  	_ =	shalt  }
0x64: {  	_ =	shalt  }
0x65: {  	_ =	shalt  }
0x66: {  	_ =	shalt  }
0x67: {  	_ =	shalt  }
0x68: {  	_ =	shalt  }
0x69: {  	_ =	shalt  }
0x6a: {  	_ =	shalt  }
0x6b: {  	_ =	shalt  }
0x6c: {  	_ =	shalt  }
0x6d: {  	_ =	shalt  }
0x6e: {  	_ =	shalt  }
0x6f: {  	_ =	shalt  }
0x70: {  	_ =	shalt  }
0x71: {  	_ =	shalt  }
0x72: {  	_ =	shalt  }
0x73: {  	_ =	shalt  }
0x74: {  	_ =	shalt  }
0x75: {  	_ =	shalt  }
0x76: {  	_ =	shalt  }
0x77: {  	_ =	shalt  }
0x78: {  	_ =	shalt  }
0x79: {  	_ =	shalt  }
0x7a: {  	_ =	shalt  }
0x7b: {  	_ =	shalt  }
0x7c: {  	_ =	shalt  }
0x7d: {  	_ =	shalt  }
0x7e: {  	_ =	shalt  }
0x7f: {  	_ =	shalt  }
0x80: {  	_ =	shalt  }
0x81: {  	_ =	shalt  }
0x82: {  	_ =	shalt  }
0x83: {  	_ =	shalt  }
0x84: {  	_ =	shalt  }
0x85: {  	_ =	shalt  }
0x86: {  	_ =	shalt  }
0x87: {  	_ =	shalt  }
.Lfunc_end0:
.L_simem_size_0:
called_computation.1_lowered:
.L_overlay_start_0:
0x88: {  	s2 =	sld [smem:$0x3FD9]  }
0x89: {  	s3 =	sld [smem:$0x3FFE];
	_ =	sdelay $0x1  }
0x8a: {  	s1 =	srdreg.scid  }
0x8b: {  	s0 =	sand.u32 $0x1, s1  }
0x8c: {  	s14 =	sshll.u32 s0, $0xA;
	s2 =	sadd.s32 s3, s2  }
0x8d: {  	s2 =	sadd.s32 s2, s14  }
0x8e: {  	[smem:$0x3FC1] =	sst s2  }
0x8f: {  	_ = 	snop  }
0x90: {  	s2 =	sld [smem:$0x3FD0];
	_ =	sdelay $0x2  }
0x91: {  	s15 =	simm.s32 $0xA;
	s4 =	simm.s32 $0x10  }
0x92: {  	[smem:s4], [sflag:s15] =	dma.local [hbm:s2], $0x1  }
0x93: {  	_ =	swait.eq [sflag:s15], $0x1  }
0x94: {  	[sflag:s15] =	ssyncset.done $0x0  }
0x95: {  	[sflag:s15] =	ssyncadd.s32 $0xFFFFFFFF  }
0x96: {  	s16 =	sld [smem:$0x10];
	(tm) =	ssettm $0x1  }
0x97: {  	s17 =	sld [smem:$0x3FFB];
	_ =	sdelay $0x3  }
0x98: {  	_ =	strace s17  }
0x99: {  	s3 =	sld [smem:$0x3FFC];
	_ =	sdelay $0x3  }
0x9a: {  	_ =	strace s3  }
0x9b: {  	s3 =	sld [smem:$0x3FFD];
	_ =	sdelay $0x3  }
0x9c: {  	_ =	strace s3  }
0x9d: {  	_ =	strace $0x8FFFFFFF  }
0x9e: {  	s18 =	sld [smem:$0x3FDB];
	_ =	sdelay $0x1  }
0x9f: {  	s19 =	simm.s32 $_scs_section_size  }
0xa0: {  	s5 =	simm.s32 $_size__tile_overlayer_lowered;
	s6 =	simm.s32 $_tile_overlayer_lowered  }
0xa1: {  	s22 =	simm.s32 $0x1BFF;
	s21 =	sshll.u32 s6, $0x1;
	s3 =	sadd.s32 s19, s18  }
0xa2: {  	s7 =	simm.s32 $0x0;
	s20 =	sshll.u32 s5, $0x1;
	s5 =	sadd.s32 s21, s3  }
0xa3: {  	[timem:s7], [sflag:s22] =	dma.local [hbm:s5], s20  }
0xa4: {  	_ =	swait.ge [sflag:s22], s20  }
0xa5: {  	s4 =	ssub.s32 $0x0, s20;
	[sflag:s22] =	ssyncset.done $0x0  }
0xa6: {  	[sflag:s22] =	ssyncadd.s32 s4;
	_ =	sdelay $0x1  }
0xa7: {  	s23 =	simm.s32 $0x1B8B  }
0xa8: {  	_ =	swait.ge [sflag:s23], $0x1  }
0xa9: {  	[sflag:s23] =	ssyncset.done $0x0  }
0xaa: {  	s25 =	simm.s32 $0x1B8E;
	s24 =	sld [smem:$0x3FFE];
	[sflag:s23] =	ssyncadd.s32 $0xFFFFFFFF  }
0xab: {  	s26 =	simm.s32 $execute0_lowered;
	[smem:$0x3FD2] =	sst s25  }
0xac: {  	s5 =	sshll.u32 s26, $0x1;
	_ =	strace $0x80000049;
	[dreg:$0x1] =	wrdreg $0xFFFFFFFF  }
0xad: {  	s28 =	simm.s32 $_size_execute0_lowered;
	s3 =	sadd.s32 s3, s5;
	[dreg:$0x0] =	wrdreg $0x0  }
0xae: {  	s5 =	sshll.u32 s28, $0x1;
	[dreg:$0x2] =	wrdreg s3  }
0xaf: {  	[dreg:$0x3] =	wrdreg s5  }
0xb0: {  	[dreg:$0x4] =	wrdreg $0xC0  }
0xb1: {  	_ =	task [dreg:s7], $0x5FFFF  }
0xb2: {  	[dreg:$0x1] =	wrdreg $0xFFFFFFFF  }
0xb3: {  	[dreg:$0x0] =	wrdreg $0x60  }
0xb4: {  	[dreg:$0x2] =	wrdreg s24  }
0xb5: {  	[dreg:$0x3] =	wrdreg s16  }
0xb6: {  	[dreg:$0x4] =	wrdreg $0x51800  }
0xb7: {  	[dreg:$0x5] =	wrdreg $0x79800  }
0xb8: {  	[dreg:$0x6] =	wrdreg $0x9  }
0xb9: {  	_ =	task.clear_ibuf [dreg:s7], $0x7FFFF;
	_ =	strace $0x90000049  }
0xba: {  	s29 =	simm.s32 $0x9;
	_ =	strace $0x8000004B  }
0xbb: {  	_ =	swait.ge [sflag:s29], $0x1  }
0xbc: {  	[sflag:s29] =	ssyncadd.s32 $0xFFFFFFFF  }
0xbd: {  	_ =	strace $0x9000004B  }
0xbe: {  	_ =	sfence  }
0xbf: {  	s30 =	sld [smem:$0x0];
	_ =	sdelay $0x2  }
0xc0: {  	s31 =	sshll.u32 s1, $0xD;
	s1 =	sshrl.u32 s1, $0x2  }
0xc1: {  	s3 =	sand.u32 $0x4000, s31;
	s1 =	sadd.s32 s1, s30  }
0xc2: {  	s0 =	sor.u32 s3, s0;
	s1 =	sshll.u32 s1, $0x11  }
0xc3: {  	s0 =	sor.u32 s1, s0  }
0xc4: {  	s0 =	sadd.s32 $0x8F2B, s0  }
0xc5: {  	[sflag:s0] =	ssyncadd.remote.s32 $0x1  }
0xc6: {  	_ =	sfence.sel $0xFFFF  }
0xc7: {  	[dreg:$0x0] =	wrdreg $0xFFFFFFFF;
	(pc) =	sbr.abs _section_cstart, $3  }
0xc8: {  	[dreg:$0x1] =	wrdreg $0xFFFFFFFF  }
0xc9: {  	_ =	task.clear_ibuf [dreg:s7], $0x2FFFF;
	_ =	strace $0x9FFFFFFF  }
0xca: {  	(tm) =	ssettm $0x7FFFFFFF  }
0xcb: {  	_ =	shalt  }
tec
execute0_lowered:
.L_overlay_start_1:
0x0: {  	(tag) =	ssettag $0x1  }
0x1: {  	s0 =	rddreg [dreg:$0x0]  }
0x2: {  	s1 =	rddreg [dreg:$0x1]  }
0x3: {  	s2 =	rddreg [dreg:$0x2]  }
0x4: {  	s4 =	rddreg [dreg:$0x3];
	s5 =	simm.s32 $0x0;
	s3 =	srdreg.scid  }
0x5: {  	s15 =	stileid.u32;
	[smem:$0x7FF] =	sst s5;
	s6 =	sand.u32 $0x1, s3  }
0x6: {  	s22 =	smul.u32 $0x280, s15;
	s7 =	sadd.s32 $0xF4600, s0;
	s8 =	sadd.s32 $0xF3C00, s0  }
0x7: {  	s9 =	sadd.s32 $0xF3200, s0;
	s10 =	sadd.s32 $0xA3200, s0;
	s13 =	smul.u32 $0x14000, s15  }
0x8: {  	_ =	strace $0x8000004A;
	s11 =	smul.u32 $0x2800, s6;
	s12 =	ssub.s32 $0x2, s6  }
0x9: {  	s14 =	sshrl.u32 s12, $0x1;
	s23 =	sor.u32 $0x1000, s13;
	s30 =	sadd.s32 s13, s2  }
0xa: {  	s25 =	sor.u32 $0x2000, s13;
	s24 =	sadd.s32 s23, s4;
	[smem:$0x7FD] =	sst s30  }
0xb: {  	s31 =	sor.u32 $0x3000, s13;
	s26 =	sadd.s32 s25, s4;
	[dreg:$0x5] =	wrdreg s24  }
0xc: {  	s17 =	sadd.s32 $0x4000, s13;
	s16 =	sadd.s32 s31, s4;
	[dreg:$0x7] =	wrdreg s26  }
0xd: {  	s19 =	sadd.s32 $0x5000, s13;
	s18 =	sadd.s32 s17, s4;
	[dreg:$0x9] =	wrdreg s16  }
0xe: {  	s21 =	sadd.s32 $0x6000, s13;
	s20 =	sadd.s32 s19, s4;
	[dreg:$0xb] =	wrdreg s18  }
0xf: {  	s3 =	sadd.s32 s22, s11;
	s22 =	sadd.s32 s21, s4;
	[dreg:$0xd] =	wrdreg s20  }
0x10: {  	s11 =	sadd.s32 $0x3200, s0;
	s3 =	sshll.u32 s3, $0x4;
	[dreg:$0xf] =	wrdreg s22  }
0x11: {  	s0 =	sadd.s32 s3, s0;
	s3 =	ssub.s32 s12, s14;
	s12 =	sadd.s32 s23, s2  }
0x12: {  	s23 =	sadd.s32 $0x7000, s13;
	[dreg:$0x6] =	wrdreg s12;
	s12 =	sadd.s32 s25, s2  }
0x13: {  	s24 =	sadd.s32 s23, s4;
	[dreg:$0x8] =	wrdreg s12  }
0x14: {  	s25 =	sadd.s32 $0x8000, s13;
	s12 =	sadd.s32 s31, s2;
	[dreg:$0x11] =	wrdreg s24  }
0x15: {  	s26 =	sadd.s32 s25, s4;
	[dreg:$0xa] =	wrdreg s12  }
0x16: {  	s31 =	sadd.s32 $0x9000, s13;
	s12 =	sadd.s32 s17, s2;
	[dreg:$0x13] =	wrdreg s26  }
0x17: {  	s16 =	sadd.s32 s31, s4;
	[dreg:$0xc] =	wrdreg s12  }
0x18: {  	s17 =	sadd.s32 $0xA000, s13;
	s12 =	sadd.s32 s19, s2;
	[dreg:$0x15] =	wrdreg s16  }
0x19: {  	s18 =	sadd.s32 s17, s4;
	[dreg:$0xe] =	wrdreg s12  }
0x1a: {  	s19 =	sadd.s32 $0xB000, s13;
	s12 =	sadd.s32 s21, s2;
	[dreg:$0x17] =	wrdreg s18  }
0x1b: {  	s20 =	sadd.s32 s19, s4;
	[dreg:$0x10] =	wrdreg s12  }
0x1c: {  	s21 =	sadd.s32 $0xC000, s13;
	s12 =	sadd.s32 s23, s2;
	[dreg:$0x19] =	wrdreg s20  }
0x1d: {  	s22 =	sadd.s32 s21, s4;
	[dreg:$0x12] =	wrdreg s12  }
0x1e: {  	s23 =	sadd.s32 $0xD000, s13;
	s12 =	sadd.s32 s25, s2;
	[dreg:$0x1b] =	wrdreg s22  }
0x1f: {  	s24 =	sadd.s32 s23, s4;
	[dreg:$0x14] =	wrdreg s12  }
0x20: {  	s25 =	sadd.s32 $0xE000, s13;
	s12 =	sadd.s32 s31, s2;
	[dreg:$0x1d] =	wrdreg s24  }
0x21: {  	s26 =	sadd.s32 s25, s4;
	[dreg:$0x16] =	wrdreg s12  }
0x22: {  	s31 =	sadd.s32 $0xF000, s13;
	s12 =	sadd.s32 s17, s2;
	[dreg:$0x1f] =	wrdreg s26  }
0x23: {  	s28 =	simm.s32 $0x3;
	s16 =	sadd.s32 s31, s4;
	[dreg:$0x18] =	wrdreg s12  }
0x24: {  	s29 =	simm.s32 $0x0;
	s26 =	sadd.s32 $0x53200, s0;
	[smem:$0x7F0] =	sst s16  }
0x25: {  	s14 =	simm.s32 $0x3180;
	s0 =	sadd.s32 $0xF5000, s0;
	[smem:$0x7FA] =	sst s26  }
0x26: {  	s17 =	sadd.s32 $0x10000, s13;
	s12 =	sadd.s32 s19, s2;
	[smem:$0x7FB] =	sst s0  }
0x27: {  	s18 =	sadd.s32 s17, s4;
	s19 =	sadd.s32 $0x11000, s13;
	[dreg:$0x1a] =	wrdreg s12  }
0x28: {  	s16 =	simm.s32 $0x4180;
	s12 =	sadd.s32 s21, s2;
	[smem:$0x7F2] =	sst s18  }
0x29: {  	s20 =	sadd.s32 s19, s4;
	s21 =	sadd.s32 $0x12000, s13;
	[dreg:$0x1c] =	wrdreg s12  }
0x2a: {  	s18 =	simm.s32 $0x100;
	s12 =	sadd.s32 s23, s2;
	[smem:$0x7F4] =	sst s20  }
0x2b: {  	s22 =	sadd.s32 s21, s4;
	s20 =	simm.s32 $0x180;
	[dreg:$0x1e] =	wrdreg s12  }
0x2c: {  	s12 =	sadd.s32 s25, s2;
	s25 =	sadd.s32 s13, s4;
	[smem:$0x7F6] =	sst s22  }
0x2d: {  	s13 =	sadd.s32 $0x13000, s13;
	[smem:$0x7EF] =	sst s12;
	s12 =	sadd.s32 s31, s2  }
0x2e: {  	s22 =	simm.s32 $0x2180;
	s23 =	sadd.s32 s13, s4;
	[smem:$0x7F1] =	sst s12  }
0x2f: {  	s24 =	sadd.s32 s13, s2;
	s31 =	smax.u32 s3, $0x1;
	[smem:$0x7F8] =	sst s23  }
0x30: {  	s13 =	sshll.u32 s15, $0x1;
	s15 =	simm.s32 $0x4;
	[smem:$0x7F9] =	sst s24  }
0x31: {  	s12 =	sadd.s32 s17, s2;
	[smem:$0x7FC] =	sst s31;
	s17 =	simm.s32 $0x80  }
0x32: {  	s23 =	simm.s32 $0x1;
	[smem:$0x7F3] =	sst s12;
	s12 =	sadd.s32 s19, s2  }
0x33: {  	s24 =	simm.s32 $0x2;
	[smem:$0x7F5] =	sst s12;
	s12 =	sadd.s32 s21, s2  }
0x34: {  	v0 =	vimm.f32 $0.0e+00;
	v1 =	vimm.f32 $1.000000000e+00;
	s19 =	simm.s32 $0x20;
	s21 =	simm.s32 $0x1180;
	[smem:$0x7F7] =	sst s12  }
.LBB2_1:
0x35: {  	s0 =	simm.s32 $0x0;
	s3 =	simm.s32 $0x200  }
.LBB2_2:
0x36: {  	p0 =	sne.s32 s3, $0x3E00;
	[tilespmem:s0+$0x4180] =	vst v0  }
0x37: {  	[tilespmem:s0+$0x3180] =	vst v0  }
0x38: {  	[tilespmem:s0+$0x3190] =	vst v0  }
0x39: {  	[tilespmem:s0+$0x31A0] =	vst v0  }
.Ltmp0:
0x3a: {  	[tilespmem:s0+$0x31B0] =	vst v0;
	(pc) =	sbr.rel @p0 .LBB2_2-.Ltmp0, $4  }
0x3b: {  	[tilespmem:s0+$0x31C0] =	vst v0  }
0x3c: {  	[tilespmem:s0+$0x31D0] =	vst v0  }
0x3d: {  	[tilespmem:s0+$0x31E0] =	vst v0  }
0x3e: {  	[tilespmem:s0+$0x31F0] =	vst v0;
	s0 =	sshra.s32 s3, $0x2;
	s3 =	sadd.s32 $0x200, s3  }
0x3f: {  	[tilespmem:s0+$0x4180] =	vst v0  }
0x40: {  	[tilespmem:s0+$0x3180] =	vst v0  }
0x41: {  	[tilespmem:s0+$0x3190] =	vst v0  }
0x42: {  	[tilespmem:s0+$0x31A0] =	vst v0  }
0x43: {  	[tilespmem:s0+$0x31B0] =	vst v0  }
0x44: {  	[tilespmem:s0+$0x31C0] =	vst v0  }
0x45: {  	[tilespmem:s0+$0x31D0] =	vst v0  }
0x46: {  	[tilespmem:s0+$0x31E0] =	vst v0  }
0x47: {  	[tilespmem:s0+$0x31F0] =	vst v0  }
0x48: {  	[spmem:s25] =	stream.linear.scatter [tilespmem:s14], [sflag:$0x4], $0x1000, $0x38;
	[tilespmem:$0x1B980] =	vst v63  }
0x49: {  	_ =	swait.ge [sflag:s15], $0x1000  }
0x4a: {  	[sflag:s15] =	ssyncset.done $0x0  }
0x4b: {  	[sflag:s15] =	ssyncadd.s32 $0xFFFFF000  }
0x4c: {  	[spmem:s30] =	stream.linear.scatter [tilespmem:s16], [sflag:$0x4], $0x1000, $0x38;
	[tilespmem:$0x1B980] =	vst v63  }
0x4d: {  	_ =	swait.ge [sflag:s15], $0x1000  }
0x4e: {  	[sflag:s15] =	ssyncset.done $0x0  }
0x4f: {  	s12 =	rddreg [dreg:$0x5];
	[sflag:s15] =	ssyncadd.s32 $0xFFFFF000  }
0x50: {  	[spmem:s12] =	stream.linear.scatter [tilespmem:s14], [sflag:$0x4], $0x1000, $0x38;
	[tilespmem:$0x1B980] =	vst v63  }
0x51: {  	_ =	swait.ge [sflag:s15], $0x1000  }
0x52: {  	[sflag:s15] =	ssyncset.done $0x0  }
0x53: {  	s26 =	smov.u32 s25;
	s25 =	rddreg [dreg:$0x6];
	[sflag:s15] =	ssyncadd.s32 $0xFFFFF000  }
0x54: {  	[spmem:s25] =	stream.linear.scatter [tilespmem:s16], [sflag:$0x4], $0x1000, $0x38;
	[tilespmem:$0x1B980] =	vst v63  }
0x55: {  	_ =	swait.ge [sflag:s15], $0x1000  }
0x56: {  	[sflag:s15] =	ssyncset.done $0x0  }
0x57: {  	s3 =	rddreg [dreg:$0x7];
	[sflag:s15] =	ssyncadd.s32 $0xFFFFF000  }
0x58: {  	[spmem:s3] =	stream.linear.scatter [tilespmem:s14], [sflag:$0x4], $0x1000, $0x38;
	[tilespmem:$0x1B980] =	vst v63  }
0x59: {  	_ =	swait.ge [sflag:s15], $0x1000  }
0x5a: {  	[sflag:s15] =	ssyncset.done $0x0  }
0x5b: {  	s12 =	rddreg [dreg:$0x8];
	[sflag:s15] =	ssyncadd.s32 $0xFFFFF000  }
0x5c: {  	[spmem:s12] =	stream.linear.scatter [tilespmem:s16], [sflag:$0x4], $0x1000, $0x38;
	[tilespmem:$0x1B980] =	vst v63  }
0x5d: {  	_ =	swait.ge [sflag:s15], $0x1000  }
0x5e: {  	[sflag:s15] =	ssyncset.done $0x0  }
0x5f: {  	s25 =	rddreg [dreg:$0x9];
	[sflag:s15] =	ssyncadd.s32 $0xFFFFF000  }
0x60: {  	[spmem:s25] =	stream.linear.scatter [tilespmem:s14], [sflag:$0x4], $0x1000, $0x38;
	[tilespmem:$0x1B980] =	vst v63  }
0x61: {  	_ =	swait.ge [sflag:s15], $0x1000  }
0x62: {  	[sflag:s15] =	ssyncset.done $0x0  }
0x63: {  	s3 =	rddreg [dreg:$0xa];
	[sflag:s15] =	ssyncadd.s32 $0xFFFFF000  }
0x64: {  	[spmem:s3] =	stream.linear.scatter [tilespmem:s16], [sflag:$0x4], $0x1000, $0x38;
	[tilespmem:$0x1B980] =	vst v63  }
0x65: {  	_ =	swait.ge [sflag:s15], $0x1000  }
0x66: {  	[sflag:s15] =	ssyncset.done $0x0  }
0x67: {  	s12 =	rddreg [dreg:$0xb];
	[sflag:s15] =	ssyncadd.s32 $0xFFFFF000  }
0x68: {  	[spmem:s12] =	stream.linear.scatter [tilespmem:s14], [sflag:$0x4], $0x1000, $0x38;
	[tilespmem:$0x1B980] =	vst v63  }
0x69: {  	_ =	swait.ge [sflag:s15], $0x1000  }
0x6a: {  	[sflag:s15] =	ssyncset.done $0x0  }
0x6b: {  	s25 =	rddreg [dreg:$0xc];
	[sflag:s15] =	ssyncadd.s32 $0xFFFFF000  }
0x6c: {  	[spmem:s25] =	stream.linear.scatter [tilespmem:s16], [sflag:$0x4], $0x1000, $0x38;
	[tilespmem:$0x1B980] =	vst v63  }
0x6d: {  	_ =	swait.ge [sflag:s15], $0x1000  }
0x6e: {  	[sflag:s15] =	ssyncset.done $0x0  }
0x6f: {  	s3 =	rddreg [dreg:$0xd];
	[sflag:s15] =	ssyncadd.s32 $0xFFFFF000  }
0x70: {  	[spmem:s3] =	stream.linear.scatter [tilespmem:s14], [sflag:$0x4], $0x1000, $0x38;
	[tilespmem:$0x1B980] =	vst v63  }
0x71: {  	_ =	swait.ge [sflag:s15], $0x1000  }
0x72: {  	[sflag:s15] =	ssyncset.done $0x0  }
0x73: {  	s12 =	rddreg [dreg:$0xe];
	[sflag:s15] =	ssyncadd.s32 $0xFFFFF000  }
0x74: {  	[spmem:s12] =	stream.linear.scatter [tilespmem:s16], [sflag:$0x4], $0x1000, $0x38;
	[tilespmem:$0x1B980] =	vst v63  }
0x75: {  	_ =	swait.ge [sflag:s15], $0x1000  }
0x76: {  	[sflag:s15] =	ssyncset.done $0x0  }
0x77: {  	s25 =	rddreg [dreg:$0xf];
	[sflag:s15] =	ssyncadd.s32 $0xFFFFF000  }
0x78: {  	[spmem:s25] =	stream.linear.scatter [tilespmem:s14], [sflag:$0x4], $0x1000, $0x38;
	[tilespmem:$0x1B980] =	vst v63  }
0x79: {  	_ =	swait.ge [sflag:s15], $0x1000  }
0x7a: {  	[sflag:s15] =	ssyncset.done $0x0  }
0x7b: {  	s3 =	rddreg [dreg:$0x10];
	[sflag:s15] =	ssyncadd.s32 $0xFFFFF000  }
0x7c: {  	[spmem:s3] =	stream.linear.scatter [tilespmem:s16], [sflag:$0x4], $0x1000, $0x38;
	[tilespmem:$0x1B980] =	vst v63  }
0x7d: {  	_ =	swait.ge [sflag:s15], $0x1000  }
0x7e: {  	[sflag:s15] =	ssyncset.done $0x0  }
0x7f: {  	s12 =	rddreg [dreg:$0x11];
	[sflag:s15] =	ssyncadd.s32 $0xFFFFF000  }
0x80: {  	[spmem:s12] =	stream.linear.scatter [tilespmem:s14], [sflag:$0x4], $0x1000, $0x38;
	[tilespmem:$0x1B980] =	vst v63  }
0x81: {  	_ =	swait.ge [sflag:s15], $0x1000  }
0x82: {  	[sflag:s15] =	ssyncset.done $0x0  }
0x83: {  	s25 =	rddreg [dreg:$0x12];
	[sflag:s15] =	ssyncadd.s32 $0xFFFFF000  }
0x84: {  	[spmem:s25] =	stream.linear.scatter [tilespmem:s16], [sflag:$0x4], $0x1000, $0x38;
	[tilespmem:$0x1B980] =	vst v63  }
0x85: {  	_ =	swait.ge [sflag:s15], $0x1000  }
0x86: {  	[sflag:s15] =	ssyncset.done $0x0  }
0x87: {  	s3 =	rddreg [dreg:$0x13];
	[sflag:s15] =	ssyncadd.s32 $0xFFFFF000  }
0x88: {  	[spmem:s3] =	stream.linear.scatter [tilespmem:s14], [sflag:$0x4], $0x1000, $0x38;
	[tilespmem:$0x1B980] =	vst v63  }
0x89: {  	_ =	swait.ge [sflag:s15], $0x1000  }
0x8a: {  	[sflag:s15] =	ssyncset.done $0x0  }
0x8b: {  	s12 =	rddreg [dreg:$0x14];
	[sflag:s15] =	ssyncadd.s32 $0xFFFFF000  }
0x8c: {  	[spmem:s12] =	stream.linear.scatter [tilespmem:s16], [sflag:$0x4], $0x1000, $0x38;
	[tilespmem:$0x1B980] =	vst v63  }
0x8d: {  	_ =	swait.ge [sflag:s15], $0x1000  }
0x8e: {  	[sflag:s15] =	ssyncset.done $0x0  }
0x8f: {  	s25 =	rddreg [dreg:$0x15];
	[sflag:s15] =	ssyncadd.s32 $0xFFFFF000  }
0x90: {  	[spmem:s25] =	stream.linear.scatter [tilespmem:s14], [sflag:$0x4], $0x1000, $0x38;
	[tilespmem:$0x1B980] =	vst v63  }
0x91: {  	_ =	swait.ge [sflag:s15], $0x1000  }
0x92: {  	[sflag:s15] =	ssyncset.done $0x0  }
0x93: {  	s3 =	rddreg [dreg:$0x16];
	[sflag:s15] =	ssyncadd.s32 $0xFFFFF000  }
0x94: {  	[spmem:s3] =	stream.linear.scatter [tilespmem:s16], [sflag:$0x4], $0x1000, $0x38;
	[tilespmem:$0x1B980] =	vst v63  }
0x95: {  	_ =	swait.ge [sflag:s15], $0x1000  }
0x96: {  	[sflag:s15] =	ssyncset.done $0x0  }
0x97: {  	s12 =	rddreg [dreg:$0x17];
	[sflag:s15] =	ssyncadd.s32 $0xFFFFF000  }
0x98: {  	[spmem:s12] =	stream.linear.scatter [tilespmem:s14], [sflag:$0x4], $0x1000, $0x38;
	[tilespmem:$0x1B980] =	vst v63  }
0x99: {  	_ =	swait.ge [sflag:s15], $0x1000  }
0x9a: {  	[sflag:s15] =	ssyncset.done $0x0  }
0x9b: {  	s25 =	rddreg [dreg:$0x18];
	[sflag:s15] =	ssyncadd.s32 $0xFFFFF000  }
0x9c: {  	[spmem:s25] =	stream.linear.scatter [tilespmem:s16], [sflag:$0x4], $0x1000, $0x38;
	[tilespmem:$0x1B980] =	vst v63  }
0x9d: {  	_ =	swait.ge [sflag:s15], $0x1000  }
0x9e: {  	[sflag:s15] =	ssyncset.done $0x0  }
0x9f: {  	s3 =	rddreg [dreg:$0x19];
	[sflag:s15] =	ssyncadd.s32 $0xFFFFF000  }
0xa0: {  	[spmem:s3] =	stream.linear.scatter [tilespmem:s14], [sflag:$0x4], $0x1000, $0x38;
	[tilespmem:$0x1B980] =	vst v63  }
0xa1: {  	_ =	swait.ge [sflag:s15], $0x1000  }
0xa2: {  	[sflag:s15] =	ssyncset.done $0x0  }
0xa3: {  	s12 =	rddreg [dreg:$0x1a];
	[sflag:s15] =	ssyncadd.s32 $0xFFFFF000  }
0xa4: {  	[spmem:s12] =	stream.linear.scatter [tilespmem:s16], [sflag:$0x4], $0x1000, $0x38;
	[tilespmem:$0x1B980] =	vst v63  }
0xa5: {  	_ =	swait.ge [sflag:s15], $0x1000  }
0xa6: {  	[sflag:s15] =	ssyncset.done $0x0  }
0xa7: {  	s25 =	rddreg [dreg:$0x1b];
	[sflag:s15] =	ssyncadd.s32 $0xFFFFF000  }
0xa8: {  	[spmem:s25] =	stream.linear.scatter [tilespmem:s14], [sflag:$0x4], $0x1000, $0x38;
	[tilespmem:$0x1B980] =	vst v63  }
0xa9: {  	_ =	swait.ge [sflag:s15], $0x1000  }
0xaa: {  	[sflag:s15] =	ssyncset.done $0x0  }
0xab: {  	s3 =	rddreg [dreg:$0x1c];
	[sflag:s15] =	ssyncadd.s32 $0xFFFFF000  }
0xac: {  	[spmem:s3] =	stream.linear.scatter [tilespmem:s16], [sflag:$0x4], $0x1000, $0x38;
	[tilespmem:$0x1B980] =	vst v63  }
0xad: {  	_ =	swait.ge [sflag:s15], $0x1000  }
0xae: {  	[sflag:s15] =	ssyncset.done $0x0  }
0xaf: {  	s12 =	rddreg [dreg:$0x1d];
	[sflag:s15] =	ssyncadd.s32 $0xFFFFF000  }
0xb0: {  	[spmem:s12] =	stream.linear.scatter [tilespmem:s14], [sflag:$0x4], $0x1000, $0x38;
	[tilespmem:$0x1B980] =	vst v63  }
0xb1: {  	_ =	swait.ge [sflag:s15], $0x1000  }
0xb2: {  	[sflag:s15] =	ssyncset.done $0x0  }
0xb3: {  	s25 =	rddreg [dreg:$0x1e];
	[sflag:s15] =	ssyncadd.s32 $0xFFFFF000  }
0xb4: {  	[spmem:s25] =	stream.linear.scatter [tilespmem:s16], [sflag:$0x4], $0x1000, $0x38;
	[tilespmem:$0x1B980] =	vst v63  }
0xb5: {  	_ =	swait.ge [sflag:s15], $0x1000  }
0xb6: {  	[sflag:s15] =	ssyncset.done $0x0  }
0xb7: {  	s3 =	rddreg [dreg:$0x1f];
	[sflag:s15] =	ssyncadd.s32 $0xFFFFF000  }
0xb8: {  	[spmem:s3] =	stream.linear.scatter [tilespmem:s14], [sflag:$0x4], $0x1000, $0x38;
	[tilespmem:$0x1B980] =	vst v63  }
0xb9: {  	_ =	swait.ge [sflag:s15], $0x1000  }
0xba: {  	s12 =	sld [smem:$0x7EF]  }
0xbb: {  	[sflag:s15] =	ssyncset.done $0x0  }
0xbc: {  	[sflag:s15] =	ssyncadd.s32 $0xFFFFF000  }
0xbd: {  	[spmem:s12] =	stream.linear.scatter [tilespmem:s16], [sflag:$0x4], $0x1000, $0x38;
	[tilespmem:$0x1B980] =	vst v63  }
0xbe: {  	_ =	swait.ge [sflag:s15], $0x1000  }
0xbf: {  	s25 =	sld [smem:$0x7F0]  }
0xc0: {  	[sflag:s15] =	ssyncset.done $0x0  }
0xc1: {  	[sflag:s15] =	ssyncadd.s32 $0xFFFFF000  }
0xc2: {  	[spmem:s25] =	stream.linear.scatter [tilespmem:s14], [sflag:$0x4], $0x1000, $0x38;
	[tilespmem:$0x1B980] =	vst v63  }
0xc3: {  	_ =	swait.ge [sflag:s15], $0x1000  }
0xc4: {  	s3 =	sld [smem:$0x7F1]  }
0xc5: {  	[sflag:s15] =	ssyncset.done $0x0  }
0xc6: {  	[sflag:s15] =	ssyncadd.s32 $0xFFFFF000  }
0xc7: {  	[spmem:s3] =	stream.linear.scatter [tilespmem:s16], [sflag:$0x4], $0x1000, $0x38;
	[tilespmem:$0x1B980] =	vst v63  }
0xc8: {  	_ =	swait.ge [sflag:s15], $0x1000  }
0xc9: {  	s12 =	sld [smem:$0x7F2]  }
0xca: {  	[sflag:s15] =	ssyncset.done $0x0  }
0xcb: {  	[sflag:s15] =	ssyncadd.s32 $0xFFFFF000  }
0xcc: {  	[spmem:s12] =	stream.linear.scatter [tilespmem:s14], [sflag:$0x4], $0x1000, $0x38;
	[tilespmem:$0x1B980] =	vst v63  }
0xcd: {  	_ =	swait.ge [sflag:s15], $0x1000  }
0xce: {  	s25 =	sld [smem:$0x7F3]  }
0xcf: {  	[sflag:s15] =	ssyncset.done $0x0  }
0xd0: {  	[sflag:s15] =	ssyncadd.s32 $0xFFFFF000  }
0xd1: {  	[spmem:s25] =	stream.linear.scatter [tilespmem:s16], [sflag:$0x4], $0x1000, $0x38;
	[tilespmem:$0x1B980] =	vst v63  }
0xd2: {  	_ =	swait.ge [sflag:s15], $0x1000  }
0xd3: {  	s3 =	sld [smem:$0x7F4]  }
0xd4: {  	[sflag:s15] =	ssyncset.done $0x0  }
0xd5: {  	[sflag:s15] =	ssyncadd.s32 $0xFFFFF000  }
0xd6: {  	[spmem:s3] =	stream.linear.scatter [tilespmem:s14], [sflag:$0x4], $0x1000, $0x38;
	[tilespmem:$0x1B980] =	vst v63  }
0xd7: {  	_ =	swait.ge [sflag:s15], $0x1000  }
0xd8: {  	s12 =	sld [smem:$0x7F5]  }
0xd9: {  	[sflag:s15] =	ssyncset.done $0x0  }
0xda: {  	[sflag:s15] =	ssyncadd.s32 $0xFFFFF000  }
0xdb: {  	[spmem:s12] =	stream.linear.scatter [tilespmem:s16], [sflag:$0x4], $0x1000, $0x38;
	[tilespmem:$0x1B980] =	vst v63  }
0xdc: {  	_ =	swait.ge [sflag:s15], $0x1000  }
0xdd: {  	s25 =	sld [smem:$0x7F6]  }
0xde: {  	[sflag:s15] =	ssyncset.done $0x0  }
0xdf: {  	[sflag:s15] =	ssyncadd.s32 $0xFFFFF000  }
0xe0: {  	[spmem:s25] =	stream.linear.scatter [tilespmem:s14], [sflag:$0x4], $0x1000, $0x38;
	[tilespmem:$0x1B980] =	vst v63  }
0xe1: {  	_ =	swait.ge [sflag:s15], $0x1000  }
0xe2: {  	s3 =	sld [smem:$0x7F7]  }
0xe3: {  	[sflag:s15] =	ssyncset.done $0x0  }
0xe4: {  	[sflag:s15] =	ssyncadd.s32 $0xFFFFF000  }
0xe5: {  	[spmem:s3] =	stream.linear.scatter [tilespmem:s16], [sflag:$0x4], $0x1000, $0x38;
	[tilespmem:$0x1B980] =	vst v63  }
0xe6: {  	_ =	swait.ge [sflag:s15], $0x1000  }
0xe7: {  	s12 =	sld [smem:$0x7F8]  }
0xe8: {  	[sflag:s15] =	ssyncset.done $0x0  }
0xe9: {  	[sflag:s15] =	ssyncadd.s32 $0xFFFFF000  }
0xea: {  	[spmem:s12] =	stream.linear.scatter [tilespmem:s14], [sflag:$0x4], $0x1000, $0x38;
	[tilespmem:$0x1B980] =	vst v63  }
0xeb: {  	_ =	swait.ge [sflag:s15], $0x1000  }
0xec: {  	s25 =	sld [smem:$0x7F9]  }
0xed: {  	[sflag:s15] =	ssyncset.done $0x0  }
0xee: {  	[sflag:s15] =	ssyncadd.s32 $0xFFFFF000  }
0xef: {  	[spmem:s25] =	stream.linear.scatter [tilespmem:s16], [sflag:$0x4], $0x1000, $0x38;
	[tilespmem:$0x1B980] =	vst v63  }
0xf0: {  	_ =	swait.ge [sflag:s15], $0x1000  }
0xf1: {  	[sflag:s15] =	ssyncset.done $0x0  }
0xf2: {  	[sflag:s15] =	ssyncadd.s32 $0xFFFFF000  }
0xf3: {  	[tilespmem:$0x4180] =	vst v1  }
0xf4: {  	[tilespmem:$0x4200] =	vst v1  }
0xf5: {  	[tilespmem:$0x4280] =	vst v1  }
0xf6: {  	[tilespmem:$0x4300] =	vst v1  }
0xf7: {  	[tilespmem:$0x4380] =	vst v1  }
0xf8: {  	[tilespmem:$0x4400] =	vst v1  }
0xf9: {  	[tilespmem:$0x4480] =	vst v1  }
0xfa: {  	[tilespmem:$0x4500] =	vst v1  }
0xfb: {  	[tilespmem:$0x4580] =	vst v1  }
0xfc: {  	[tilespmem:$0x4600] =	vst v1  }
0xfd: {  	[tilespmem:$0x4680] =	vst v1  }
0xfe: {  	[tilespmem:$0x4700] =	vst v1  }
0xff: {  	[tilespmem:$0x4780] =	vst v1  }
0x100: {  	[tilespmem:$0x4800] =	vst v1  }
0x101: {  	[tilespmem:$0x4880] =	vst v1  }
0x102: {  	[tilespmem:$0x4900] =	vst v1  }
0x103: {  	[tilespmem:$0x4980] =	vst v1  }
0x104: {  	[tilespmem:$0x4A00] =	vst v1  }
0x105: {  	[tilespmem:$0x4A80] =	vst v1  }
0x106: {  	[tilespmem:$0x4B00] =	vst v1  }
0x107: {  	[tilespmem:$0x4B80] =	vst v1  }
0x108: {  	[tilespmem:$0x4C00] =	vst v1  }
0x109: {  	[tilespmem:$0x4C80] =	vst v1  }
0x10a: {  	[tilespmem:$0x4D00] =	vst v1  }
0x10b: {  	[tilespmem:$0x4D80] =	vst v1  }
0x10c: {  	[tilespmem:$0x4E00] =	vst v1  }
0x10d: {  	[tilespmem:$0x4E80] =	vst v1  }
0x10e: {  	[tilespmem:$0x4F00] =	vst v1  }
0x10f: {  	[tilespmem:$0x4F80] =	vst v1  }
0x110: {  	[tilespmem:$0x5000] =	vst v1  }
0x111: {  	[tilespmem:$0x5080] =	vst v1  }
0x112: {  	[tilespmem:$0x5100] =	vst v1  }
0x113: {  	s31 =	simm.s32 $0x0;
	s30 =	simm.s32 $0x0;
	[bflag:$0x0] =	sbarrier.arrive $0xFFFF  }
.LBB2_4:
0x114: {  	s0 =	sshll.u32 s31, $0x5  }
0x115: {  	s0 =	sor.u32 s0, s13  }
0x116: {  	s0 =	sor.u32 s6, s0  }
0x117: {  	s3 =	sshll.u32 s0, $0x2  }
0x118: {  	s12 =	sadd.s32 s7, s3  }
0x119: {  	[tilespmem:s30], [sflag:$0x4] =	stream.linear.gather [hbm4b:s12+s30], $0x20, $0x38;
	[tilespmem:$0x1B980] =	vst v63  }
0x11a: {  	_ =	swait.ge [sflag:s15], $0x20  }
0x11b: {  	[sflag:s15] =	ssyncset.done $0x0  }
0x11c: {  	s25 =	sadd.s32 s8, s3;
	[sflag:s15] =	ssyncadd.s32 $0xFFFFFFE0  }
0x11d: {  	[tilespmem:s17], [sflag:$0x4] =	stream.linear.gather [hbm4b:s25+s30], $0x20, $0x38;
	[tilespmem:$0x1B980] =	vst v63  }
0x11e: {  	_ =	swait.ge [sflag:s15], $0x20  }
0x11f: {  	[sflag:s15] =	ssyncset.done $0x0  }
0x120: {  	s3 =	sadd.s32 s9, s3;
	[sflag:s15] =	ssyncadd.s32 $0xFFFFFFE0  }
0x121: {  	[tilespmem:s18], [sflag:$0x4] =	stream.linear.gather [hbm4b:s3+s30], $0x20, $0x38;
	[tilespmem:$0x1B980] =	vst v63  }
0x122: {  	_ =	swait.ge [sflag:s15], $0x20  }
0x123: {  	[sflag:s15] =	ssyncset.done $0x0  }
0x124: {  	[sflag:s15] =	ssyncadd.s32 $0xFFFFFFE0  }
0x125: {  	[tilespmem:s20], [sflag:$0x1] =	stream.indirect.gather [hbm4b:s1+s19], $0x80, s30, s19, $0xb8;
	[tilespmem:$0x1B980] =	vst v63  }
0x126: {  	_ = 	snop  }
0x127: {  	[tilespmem:s21], [sflag:$0x2] =	stream.indirect.gather [hbm4b:s1+s19], $0x80, s17, s19, $0xb8;
	[tilespmem:$0x1B980] =	vst v63  }
0x128: {  	s0 =	sshll.u32 s0, $0x9  }
0x129: {  	[tilespmem:s22], [sflag:$0x3] =	stream.indirect.gather [hbm4b:s1+s19], $0x80, s18, s19, $0xb8;
	[tilespmem:$0x1B980] =	vst v63  }
0x12a: {  	s25 =	sadd.s32 s10, s0  }
0x12b: {  	[tilespmem:s14], [sflag:$0x4] =	stream.linear.gather [hbm4b:s25+s30], $0x1000, $0x38;
	[tilespmem:$0x1B980] =	vst v63  }
0x12c: {  	_ =	swait.ge [sflag:s15], $0x1000  }
0x12d: {  	[sflag:s15] =	ssyncset.done $0x0  }
0x12e: {  	[sflag:s15] =	ssyncadd.s32 $0xFFFFF000  }
0x12f: {  	_ =	swait.ge [sflag:s23], $0x1000  }
0x130: {  	[sflag:s23] =	ssyncset.done $0x0  }
0x131: {  	[sflag:s23] =	ssyncadd.s32 $0xFFFFF000  }
0x132: {  	_ =	swait.ge [sflag:s24], $0x1000  }
0x133: {  	[sflag:s24] =	ssyncset.done $0x0  }
0x134: {  	[sflag:s24] =	ssyncadd.s32 $0xFFFFF000  }
0x135: {  	_ =	swait.ge [sflag:s28], $0x1000  }
0x136: {  	[sflag:s28] =	ssyncset.done $0x0  }
0x137: {  	s3 =	simm.s32 $0x0;
	[sflag:s28] =	ssyncadd.s32 $0xFFFFF000  }
0x138: {  	v4 =	vld [tilespmem:s3+$0x3180]  }
0x139: {  	v5 =	vld [tilespmem:s3+$0x3190]  }
0x13a: {  	v3 =	vld [tilespmem:s3+$0x31A0]  }
0x13b: {  	v2 =	vld [tilespmem:s3+$0x31B0]  }
0x13c: {  	v16 =	vld [tilespmem:s3+$0x2180]  }
0x13d: {  	v17 =	vld [tilespmem:s3+$0x2190]  }
0x13e: {  	v9 =	vld [tilespmem:s3+$0x21A0]  }
0x13f: {  	v8 =	vld [tilespmem:s3+$0x21B0]  }
0x140: {  	v7 =	vld [tilespmem:s3+$0x21C0]  }
0x141: {  	v6 =	vld [tilespmem:s3+$0x21D0]  }
0x142: {  	v18 =	vld [tilespmem:s3+$0x1180]  }
0x143: {  	v19 =	vld [tilespmem:s3+$0x1190]  }
0x144: {  	v15 =	vld [tilespmem:s3+$0x11A0]  }
0x145: {  	v13 =	vld [tilespmem:s3+$0x11B0]  }
0x146: {  	v20 =	vld [tilespmem:s3+$0x180]  }
0x147: {  	v21 =	vld [tilespmem:s3+$0x190]  }
0x148: {  	v14 =	vld [tilespmem:s3+$0x11C0]  }
0x149: {  	v12 =	vld [tilespmem:s3+$0x11D0]  }
0x14a: {  	v11 =	vld [tilespmem:s3+$0x11E0]  }
0x14b: {  	v10 =	vld [tilespmem:s3+$0x11F0];
	v18 =	vadd.f32 v18, v20  }
0x14c: {  	v21 =	vadd.f32 v19, v21;
	v20 =	vld [tilespmem:s3+$0x1A0]  }
0x14d: {  	v19 =	vld [tilespmem:s3+$0x1B0];
	v16 =	vadd.f32 v16, v18  }
0x14e: {  	v21 =	vadd.f32 v17, v21;
	v18 =	vld [tilespmem:s3+$0x1C0]  }
0x14f: {  	v17 =	vld [tilespmem:s3+$0x1D0];
	v22 =	vmul.f32 $3.333333430e-01, v16  }
0x150: {  	s12 =	simm.s32 $0x200;
	v21 =	vmul.f32 $3.333333430e-01, v21;
	v16 =	vld [tilespmem:s3+$0x1E0]  }
.LBB2_5:
0x151: {  	p0 =	sne.s32 s12, $0x3E00;
	v4 =	vadd.f32 v22, v4;
	v15 =	vadd.f32 v15, v20;
	v20 =	vld [tilespmem:s3+$0x1F0]  }
0x152: {  	v5 =	vadd.f32 v21, v5;
	v13 =	vadd.f32 v13, v19;
	v19 =	vld [tilespmem:s3+$0x21E0]  }
0x153: {  	v9 =	vadd.f32 v9, v15;
	v14 =	vadd.f32 v14, v18;
	v15 =	vld [tilespmem:s3+$0x21F0]  }
0x154: {  	v8 =	vadd.f32 v8, v13;
	v13 =	vld [tilespmem:s3+$0x31C0];
	v12 =	vadd.f32 v12, v17  }
0x155: {  	v9 =	vmul.f32 $3.333333430e-01, v9;
	v7 =	vadd.f32 v7, v14;
	v14 =	vld [tilespmem:s3+$0x31D0];
	v11 =	vadd.f32 v11, v16  }
0x156: {  	v8 =	vmul.f32 $3.333333430e-01, v8;
	v6 =	vadd.f32 v6, v12;
	v12 =	vld [tilespmem:s3+$0x31E0];
	v10 =	vadd.f32 v10, v20  }
0x157: {  	s25 =	sshra.s32 s12, $0x2;
	[tilespmem:s3+$0x180] =	vst v4;
	v3 =	vadd.f32 v9, v3;
	v7 =	vmul.f32 $3.333333430e-01, v7;
	v9 =	vadd.f32 v19, v11;
	v11 =	vld [tilespmem:s3+$0x31F0]  }
0x158: {  	v4 =	vld [tilespmem:s25+$0x3180];
	[tilespmem:s3+$0x190] =	vst v5;
	v2 =	vadd.f32 v8, v2;
	v6 =	vmul.f32 $3.333333430e-01, v6;
	v8 =	vadd.f32 v15, v10  }
0x159: {  	v5 =	vld [tilespmem:s25+$0x3190];
	[tilespmem:s3+$0x1A0] =	vst v3;
	v7 =	vadd.f32 v7, v13;
	v9 =	vmul.f32 $3.333333430e-01, v9  }
0x15a: {  	v3 =	vld [tilespmem:s25+$0x31A0];
	[tilespmem:s3+$0x1B0] =	vst v2;
	v6 =	vadd.f32 v6, v14;
	v8 =	vmul.f32 $3.333333430e-01, v8  }
0x15b: {  	v2 =	vld [tilespmem:s25+$0x31B0];
	[tilespmem:s3+$0x1C0] =	vst v7;
	v7 =	vadd.f32 v9, v12  }
0x15c: {  	v16 =	vld [tilespmem:s25+$0x2180];
	[tilespmem:s3+$0x1D0] =	vst v6;
	v6 =	vadd.f32 v8, v11  }
0x15d: {  	v17 =	vld [tilespmem:s25+$0x2190];
	[tilespmem:s3+$0x1E0] =	vst v7  }
0x15e: {  	v9 =	vld [tilespmem:s25+$0x21A0];
	[tilespmem:s3+$0x1F0] =	vst v6;
	s3 =	smov.u32 s25  }
0x15f: {  	v8 =	vld [tilespmem:s3+$0x21B0]  }
0x160: {  	v7 =	vld [tilespmem:s3+$0x21C0]  }
0x161: {  	v6 =	vld [tilespmem:s3+$0x21D0]  }
0x162: {  	v10 =	vld [tilespmem:s3+$0x1180]  }
0x163: {  	v18 =	vld [tilespmem:s3+$0x1190]  }
0x164: {  	v15 =	vld [tilespmem:s3+$0x11A0]  }
0x165: {  	v13 =	vld [tilespmem:s3+$0x11B0]  }
0x166: {  	v19 =	vld [tilespmem:s3+$0x180]  }
0x167: {  	v20 =	vld [tilespmem:s3+$0x190]  }
0x168: {  	v14 =	vld [tilespmem:s3+$0x11C0]  }
0x169: {  	v12 =	vld [tilespmem:s3+$0x11D0]  }
0x16a: {  	v11 =	vld [tilespmem:s3+$0x11E0]  }
0x16b: {  	v19 =	vadd.f32 v10, v19;
	v10 =	vld [tilespmem:s3+$0x11F0]  }
.Ltmp1:
0x16c: {  	v18 =	vadd.f32 v18, v20;
	v20 =	vld [tilespmem:s3+$0x1A0];
	(pc) =	sbr.rel @p0 .LBB2_5-.Ltmp1, $4  }
0x16d: {  	v16 =	vadd.f32 v16, v19;
	v19 =	vld [tilespmem:s3+$0x1B0]  }
0x16e: {  	v21 =	vadd.f32 v17, v18;
	v18 =	vld [tilespmem:s3+$0x1C0]  }
0x16f: {  	v22 =	vmul.f32 $3.333333430e-01, v16;
	v17 =	vld [tilespmem:s3+$0x1D0]  }
0x170: {  	s12 =	sadd.s32 $0x200, s12;
	v21 =	vmul.f32 $3.333333430e-01, v21;
	v16 =	vld [tilespmem:s3+$0x1E0]  }
0x171: {  	v23 =	vld [tilespmem:s3+$0x1F0];
	v4 =	vadd.f32 v22, v4;
	v15 =	vadd.f32 v15, v20  }
0x172: {  	v52 =	vld [tilespmem:s3+$0x21E0];
	v5 =	vadd.f32 v21, v5;
	v13 =	vadd.f32 v13, v19  }
0x173: {  	v53 =	vld [tilespmem:s3+$0x21F0];
	v9 =	vadd.f32 v9, v15;
	v14 =	vadd.f32 v14, v18  }
0x174: {  	v54 =	vld [tilespmem:s3+$0x31C0];
	v8 =	vadd.f32 v8, v13;
	v12 =	vadd.f32 v12, v17  }
0x175: {  	v55 =	vld [tilespmem:s3+$0x31D0];
	v9 =	vmul.f32 $3.333333430e-01, v9;
	v7 =	vadd.f32 v7, v14;
	v11 =	vadd.f32 v11, v16  }
0x176: {  	v56 =	vld [tilespmem:s3+$0x31E0];
	v8 =	vmul.f32 $3.333333430e-01, v8;
	v6 =	vadd.f32 v6, v12;
	v10 =	vadd.f32 v10, v23  }
0x177: {  	v59 =	vld [tilespmem:s3+$0x31F0];
	[tilespmem:s3+$0x180] =	vst v4;
	v3 =	vadd.f32 v9, v3;
	v57 =	vmul.f32 $3.333333430e-01, v7;
	v58 =	vadd.f32 v52, v11  }
0x178: {  	[tilespmem:s3+$0x190] =	vst v5;
	v2 =	vadd.f32 v8, v2;
	v60 =	vmul.f32 $3.333333430e-01, v6;
	v61 =	vadd.f32 v53, v10  }
0x179: {  	[tilespmem:s3+$0x1A0] =	vst v3;
	v3 =	vadd.f32 v57, v54;
	v62 =	vmul.f32 $3.333333430e-01, v58  }
0x17a: {  	[tilespmem:s3+$0x1B0] =	vst v2;
	v2 =	vadd.f32 v60, v55;
	v63 =	vmul.f32 $3.333333430e-01, v61  }
0x17b: {  	[tilespmem:s3+$0x1C0] =	vst v3;
	v3 =	vadd.f32 v62, v56  }
0x17c: {  	[tilespmem:s3+$0x1D0] =	vst v2;
	v2 =	vadd.f32 v63, v59  }
0x17d: {  	[tilespmem:s3+$0x1E0] =	vst v3  }
0x17e: {  	s0 =	sadd.s32 s11, s0;
	[tilespmem:s3+$0x1F0] =	vst v2  }
0x17f: {  	[hbm4b:s0+s5] =	stream.linear.scatter [tilespmem:s20], [sflag:$0x4], $0x1000, $0x38;
	[tilespmem:$0x1B980] =	vst v63  }
0x180: {  	_ =	swait.ge [sflag:s15], $0x1000  }
0x181: {  	[sflag:s15] =	ssyncset.done $0x0  }
0x182: {  	[sflag:s15] =	ssyncadd.s32 $0xFFFFF000  }
0x183: {  	[spmem:s4] =	stream.indirect.scatter.add.f32 [tilespmem:s20], [sflag:$0x4], $0x80, s5, s19, $0xb8;
	[tilespmem:$0x1B980] =	vst v63  }
0x184: {  	_ =	swait.ge [sflag:s15], $0x1000  }
0x185: {  	[sflag:s15] =	ssyncset.done $0x0  }
0x186: {  	[sflag:s15] =	ssyncadd.s32 $0xFFFFF000  }
0x187: {  	[spmem:s4] =	stream.indirect.scatter.add.f32 [tilespmem:s20], [sflag:$0x4], $0x80, s17, s19, $0xb8;
	[tilespmem:$0x1B980] =	vst v63  }
0x188: {  	_ =	swait.ge [sflag:s15], $0x1000  }
0x189: {  	[sflag:s15] =	ssyncset.done $0x0  }
0x18a: {  	[sflag:s15] =	ssyncadd.s32 $0xFFFFF000  }
0x18b: {  	[spmem:s4] =	stream.indirect.scatter.add.f32 [tilespmem:s20], [sflag:$0x4], $0x80, s18, s19, $0xb8;
	[tilespmem:$0x1B980] =	vst v63  }
0x18c: {  	_ =	swait.ge [sflag:s15], $0x1000  }
0x18d: {  	[sflag:s15] =	ssyncset.done $0x0  }
0x18e: {  	[sflag:s15] =	ssyncadd.s32 $0xFFFFF000  }
0x18f: {  	[spmem:s2] =	stream.indirect.scatter.add.f32 [tilespmem:s16], [sflag:$0x4], $0x10, s5, s19, $0xb8;
	[tilespmem:$0x1B980] =	vst v63  }
0x190: {  	_ =	swait.ge [sflag:s15], $0x200  }
0x191: {  	[sflag:s15] =	ssyncset.done $0x0  }
0x192: {  	[sflag:s15] =	ssyncadd.s32 $0xFFFFFE00  }
0x193: {  	[spmem:s2] =	stream.indirect.scatter.add.f32 [tilespmem:s16], [sflag:$0x4], $0x10, s17, s19, $0xb8;
	[tilespmem:$0x1B980] =	vst v63  }
0x194: {  	s31 =	sadd.s32 $0x1, s31;
	_ =	swait.ge [sflag:s15], $0x200  }
0x195: {  	p0 =	sne.s32 s31, $0x14;
	[sflag:s15] =	ssyncset.done $0x0  }
.Ltmp2:
0x196: {  	[sflag:s15] =	ssyncadd.s32 $0xFFFFFE00;
	(pc) =	sbr.rel @p0 .LBB2_4-.Ltmp2, $4  }
0x197: {  	[spmem:s2] =	stream.indirect.scatter.add.f32 [tilespmem:s16], [sflag:$0x4], $0x10, s18, s19, $0xb8;
	[tilespmem:$0x1B980] =	vst v63  }
0x198: {  	_ =	swait.ge [sflag:s15], $0x200  }
0x199: {  	[sflag:s15] =	ssyncset.done $0x0  }
0x19a: {  	[sflag:s15] =	ssyncadd.s32 $0xFFFFFE00  }
0x19b: {  	[bflag:$0x0] =	sbarrier.arrive $0xFFFF  }
0x19c: {  	s0 =	stileid.u32;
	s12 =	sld [smem:$0x7FA]  }
0x19d: {  	s0 =	sshll.u32 s0, $0x6  }
0x19e: {  	s3 =	sshrl.u32 s26, $0x3;
	s0 =	sor.u32 $0x1C04, s0  }
0x19f: {  	[hbm:s12], [sflag:s0] =	dma.local [spmem:s3], $0x2800  }
0x1a0: {  	_ =	swait.ge [sflag:s15], $0x2800  }
0x1a1: {  	s30 =	sld [smem:$0x7FD]  }
0x1a2: {  	s25 =	smov.u32 s26;
	s26 =	sld [smem:$0x7FB]  }
0x1a3: {  	[sflag:s15] =	ssyncset.done $0x0  }
0x1a4: {  	[sflag:s15] =	ssyncadd.s32 $0xFFFFD800;
	s12 =	sshrl.u32 s30, $0x3  }
0x1a5: {  	[hbm:s26], [sflag:s0] =	dma.local [spmem:s12], $0x2800  }
0x1a6: {  	_ =	swait.ge [sflag:s15], $0x2800  }
0x1a7: {  	s31 =	sld [smem:$0x7FC];
	_ =	sdelay $0x1  }
0x1a8: {  	s29 =	sadd.s32 $0x1, s29  }
0x1a9: {  	p0 =	sne.s32 s29, s31  }
.Ltmp3:
0x1aa: {  	_ = 	snop;
	(pc) =	sbr.rel @p0 .LBB2_1-.Ltmp3, $3  }
0x1ab: {  	_ =	sdelay $0x1  }
0x1ac: {  	[sflag:s15] =	ssyncset.done $0x0  }
0x1ad: {  	[sflag:s15] =	ssyncadd.s32 $0xFFFFD800  }
0x1ae: {  	_ =	sfence.sel $0x180000  }
0x1af: {  	[bflag:$0x0] =	sbarrier.arrive $0xFFFF  }
0x1b0: {  	_ =	strace $0x9000004A  }
0x1b1: {  	s0 =	stileid.u32;
	[bflag:$0x2] =	sbarrier.arrive $0xFFFF  }
0x1b2: {  	p0 =	sne.s32 s0, $0x0;
	s0 =	rddreg [dreg:$0x4]  }
0x1b3: {  	s0 =	sadd.s32 @!p0 $0x100000, s0  }
0x1b4: {  	[sflag:s0] =	ssyncadd.tile.s32 @!p0 $0x1;
	_ =	shalt  }
.Lfunc_end2:
_tile_overlayer_lowered:
.L_overlay_start_2:
0x1b5: {  	(tag) =	ssettag $0x2  }
0x1b6: {  	s0 =	rddreg [dreg:$0x0];
	s2 =	stileid.u32  }
0x1b7: {  	s1 =	rddreg [dreg:$0x1];
	p0 =	sne.s32 s2, $0x0  }
0x1b8: {  	s3 =	rddreg [dreg:$0x2];
	[bflag:$0x3] =	sbarrier.arrive $0xFFFF;
	s2 =	simm.s32 @!p0 $0x1C04  }
0x1b9: {  	[timem:s3], [sflag:s2] =	dma.local @!p0 [hbm:s0], s1  }
0x1ba: {  	s0 =	simm.s32 @!p0 $0x4  }
0x1bb: {  	_ =	swait.ge @!p0 [sflag:s0], s1  }
0x1bc: {  	s1 =	ssub.s32 @!p0 $0x0, s1;
	[sflag:s0] =	ssyncset.done @!p0 $0x0  }
0x1bd: {  	[sflag:s0] =	ssyncadd.s32 @!p0 s1  }
0x1be: {  	[bflag:$0x3] =	sbarrier.arrive $0xFFFF  }
0x1bf: {  	_ =	shalt  }

// kernel: kernel.7.cloned.1.call-start
scs
__scs_entry_jumppad:
0x0: {  	(pc) =	sbr.rel $0x88, $3  }
0x1: {  	(tag) =	ssettag $0x0;
	lr =	simm.s32 $0x1  }
0x2: {  	[smem:$0x3F9A] =	sst lr;
	_ =	strace $0xD0000000  }
0x3: {  	_ = 	snop  }
0x4: {  	_ = 	snop  }
0x5: {  	_ = 	snop  }
0x6: {  	_ = 	snop  }
0x7: {  	_ = 	snop  }
__scs_overlays_trampoline_lowered:
0x8: {  	[smem:$0x3FA9] =	sst s0  }
0x9: {  	[smem:$0x3FAA] =	sst s1  }
0xa: {  	[smem:$0x3FAB] =	sst s2  }
0xb: {  	[smem:$0x3FAC] =	sst s3  }
0xc: {  	[smem:$0x3FAD] =	sst s4  }
0xd: {  	[smem:$0x3FAE] =	sst s5  }
0xe: {  	[smem:$0x3FAF] =	sst s6  }
0xf: {  	[smem:$0x3FB0] =	sst s7  }
0x10: {  	[smem:$0x3FB1] =	sst s8  }
0x11: {  	[smem:$0x3FB2] =	sst s9;
	s0 =	simm.s32 @!p0 $0x0  }
0x12: {  	s1 =	sld [smem:$0x3F98];
	s0 =	simm.s32 @p0 $0x1  }
0x13: {  	[smem:$0x3FB3] =	sst s0;
	s0 =	simm.s32 @!p1 $0x0  }
0x14: {  	s2 =	sld [smem:$0x3F97];
	s0 =	simm.s32 @p1 $0x1  }
0x15: {  	[smem:$0x3FB4] =	sst s0;
	s0 =	simm.s32 @!p2 $0x0  }
0x16: {  	s3 =	sld [smem:$0x3FDB];
	s0 =	simm.s32 @p2 $0x1  }
0x17: {  	s4 =	simm.s32 $0x1BF5;
	[smem:$0x3FB6] =	sst s0  }
0x18: {  	s0 =	sld [smem:$0x3F99];
	_ =	swait.ge [sflag:s4], $0x0  }
0x19: {  	s7 =	sld [smem:$0x3F9A]  }
0x1a: {  	s8 =	sadd.s32 $0xFFFFE003, lr  }
0x1b: {  	s9 =	sadd.s32 $0xFFFFFEF7, lr;
	s5 =	simm.s32 $0xFFFFFFFF;
	p2 =	slt.u32 s8, $0xFFFFF086  }
0x1c: {  	p1 =	slt.u32 s9, $0xF7A;
	s5 =	simm.s32 @!p2 $0x0  }
0x1d: {  	s5 =	simm.s32 @p1 $0x1;
	p0 =	seq.s32 s7, s2  }
0x1e: {  	s7 =	smul.u32 @!p0 $0xF7A, s2;
	p2 =	seq.s32 @!p0 s5, $0x0  }
0x1f: {  	s9 =	smul.u32 $0xF7A, s1;
	s8 =	simm.s32 @!p0 $0x1BF5;
	p2 =	por !p2, p0  }
0x20: {  	[sflag:s8] =	ssyncset.s32 @!p0 $0xFFFFF086;
	s6 =	sadd.s32 @!p0 s3, s7;
	s7 =	simm.s32 @!p0 $0x108  }
0x21: {  	s3 =	sadd.s32 s3, s9;
	s6 =	sadd.s32 @!p0 $0x88, s6;
	s7 =	simm.s32 @p2 $0x1082  }
0x22: {  	[simem:s7], [sflag:s8] =	dma.local @!p0 [hbm:s6], $0xF7A  }
0x23: {  	s9 =	sor.u32 $0xD0000000, s2;
	s6 =	simm.s32 $0x108;
	_ =	swait.ge @!p0 [sflag:s8], $0x0  }
0x24: {  	s3 =	sadd.s32 $0x88, s3;
	s6 =	simm.s32 @!p1 $0x1082;
	[sflag:s4] =	ssyncset.s32 $0xFFFFF086  }
0x25: {  	[simem:s6], [sflag:s4] =	dma.local [hbm:s3], $0xF7A  }
0x26: {  	[smem:$0x3F9A] =	sst s1;
	(tag) =	ssettag s2;
	_ =	strace s9  }
0x27: {  	s1 =	sld [smem:$0x3FAA]  }
0x28: {  	s2 =	sld [smem:$0x3FAB]  }
0x29: {  	s4 =	sld [smem:$0x3FAD]  }
0x2a: {  	p0 =	seq.s32 s5, $0x0;
	s5 =	sld [smem:$0x3FAE]  }
0x2b: {  	s6 =	sld [smem:$0x3FAF]  }
0x2c: {  	s7 =	sld [smem:$0x3FB0]  }
0x2d: {  	s3 =	simm.s32 $0x108;
	s8 =	sld [smem:$0x3FB1]  }
0x2e: {  	s3 =	simm.s32 @!p0 $0x1082;
	s9 =	sld [smem:$0x3FB2]  }
0x2f: {  	lr =	sadd.s32 s0, s3;
	s0 =	sld [smem:$0x3FA9]  }
0x30: {  	s3 =	sld [smem:$0x3FAC]  }
0x31: {  	[smem:$0x3FB5] =	sst s10  }
0x32: {  	s10 =	sld [smem:$0x3FB3];
	_ =	sdelay $0x3  }
0x33: {  	p0 =	seq.s32 s10, $0x1;
	s10 =	sld [smem:$0x3FB5];
	_ =	sdelay $0x3  }
0x34: {  	[smem:$0x3FB5] =	sst s10  }
0x35: {  	s10 =	sld [smem:$0x3FB4];
	_ =	sdelay $0x3  }
0x36: {  	p1 =	seq.s32 s10, $0x1;
	s10 =	sld [smem:$0x3FB5];
	_ =	sdelay $0x3  }
0x37: {  	[smem:$0x3FB5] =	sst s10  }
0x38: {  	s10 =	sld [smem:$0x3FB6]  }
0x39: {  	_ = 	snop;
	(pc) =	sbr.ind lr, $3  }
0x3a: {  	_ = 	snop  }
0x3b: {  	_ = 	snop  }
0x3c: {  	p2 =	seq.s32 s10, $0x1;
	s10 =	sld [smem:$0x3FB5]  }
0x3d: {  	_ =	shalt  }
0x3e: {  	_ =	shalt  }
0x3f: {  	_ =	shalt  }
0x40: {  	_ =	shalt  }
0x41: {  	_ =	shalt  }
0x42: {  	_ =	shalt  }
0x43: {  	_ =	shalt  }
0x44: {  	_ =	shalt  }
0x45: {  	_ =	shalt  }
0x46: {  	_ =	shalt  }
0x47: {  	_ =	shalt  }
0x48: {  	_ =	shalt  }
0x49: {  	_ =	shalt  }
0x4a: {  	_ =	shalt  }
0x4b: {  	_ =	shalt  }
0x4c: {  	_ =	shalt  }
0x4d: {  	_ =	shalt  }
0x4e: {  	_ =	shalt  }
0x4f: {  	_ =	shalt  }
0x50: {  	_ =	shalt  }
0x51: {  	_ =	shalt  }
0x52: {  	_ =	shalt  }
0x53: {  	_ =	shalt  }
0x54: {  	_ =	shalt  }
0x55: {  	_ =	shalt  }
0x56: {  	_ =	shalt  }
0x57: {  	_ =	shalt  }
0x58: {  	_ =	shalt  }
0x59: {  	_ =	shalt  }
0x5a: {  	_ =	shalt  }
0x5b: {  	_ =	shalt  }
0x5c: {  	_ =	shalt  }
0x5d: {  	_ =	shalt  }
0x5e: {  	_ =	shalt  }
0x5f: {  	_ =	shalt  }
0x60: {  	_ =	shalt  }
0x61: {  	_ =	shalt  }
0x62: {  	_ =	shalt  }
0x63: {  	_ =	shalt  }
0x64: {  	_ =	shalt  }
0x65: {  	_ =	shalt  }
0x66: {  	_ =	shalt  }
0x67: {  	_ =	shalt  }
0x68: {  	_ =	shalt  }
0x69: {  	_ =	shalt  }
0x6a: {  	_ =	shalt  }
0x6b: {  	_ =	shalt  }
0x6c: {  	_ =	shalt  }
0x6d: {  	_ =	shalt  }
0x6e: {  	_ =	shalt  }
0x6f: {  	_ =	shalt  }
0x70: {  	_ =	shalt  }
0x71: {  	_ =	shalt  }
0x72: {  	_ =	shalt  }
0x73: {  	_ =	shalt  }
0x74: {  	_ =	shalt  }
0x75: {  	_ =	shalt  }
0x76: {  	_ =	shalt  }
0x77: {  	_ =	shalt  }
0x78: {  	_ =	shalt  }
0x79: {  	_ =	shalt  }
0x7a: {  	_ =	shalt  }
0x7b: {  	_ =	shalt  }
0x7c: {  	_ =	shalt  }
0x7d: {  	_ =	shalt  }
0x7e: {  	_ =	shalt  }
0x7f: {  	_ =	shalt  }
0x80: {  	_ =	shalt  }
0x81: {  	_ =	shalt  }
0x82: {  	_ =	shalt  }
0x83: {  	_ =	shalt  }
0x84: {  	_ =	shalt  }
0x85: {  	_ =	shalt  }
0x86: {  	_ =	shalt  }
0x87: {  	_ =	shalt  }
.Lfunc_end0:
.L_simem_size_0:
called_computation_lowered:
.L_overlay_start_0:
0x88: {  	s2 =	sld [smem:$0x3FD9]  }
0x89: {  	s3 =	sld [smem:$0x3FFE];
	_ =	sdelay $0x1  }
0x8a: {  	s1 =	srdreg.scid  }
0x8b: {  	s0 =	sand.u32 $0x1, s1  }
0x8c: {  	s14 =	sshll.u32 s0, $0xA;
	s2 =	sadd.s32 s3, s2  }
0x8d: {  	s2 =	sadd.s32 s2, s14  }
0x8e: {  	[smem:$0x3FC1] =	sst s2  }
0x8f: {  	_ = 	snop  }
0x90: {  	s2 =	sld [smem:$0x3FD0];
	_ =	sdelay $0x1  }
0x91: {  	s15 =	sld [smem:$0x3FC8]  }
0x92: {  	s5 =	simm.s32 $0xA;
	s6 =	simm.s32 $0x10;
	s4 =	sld [smem:$0x3FC7]  }
0x93: {  	[smem:s6], [sflag:s5] =	dma.local [hbm:s2], $0x1  }
0x94: {  	_ =	swait.eq [sflag:s5], $0x1  }
0x95: {  	[sflag:s5] =	ssyncset.done $0x0  }
0x96: {  	s16 =	sld [smem:$0x10];
	[sflag:s5] =	ssyncadd.s32 $0xFFFFFFFF  }
0x97: {  	s17 =	sld [smem:$0x11];
	(tm) =	ssettm $0x1  }
0x98: {  	s18 =	sld [smem:$0x3FFB];
	_ =	sdelay $0x3  }
0x99: {  	_ =	strace s18  }
0x9a: {  	s6 =	sld [smem:$0x3FFC];
	_ =	sdelay $0x3  }
0x9b: {  	_ =	strace s6  }
0x9c: {  	s6 =	sld [smem:$0x3FFD];
	_ =	sdelay $0x3  }
0x9d: {  	_ =	strace s6  }
0x9e: {  	_ =	strace $0x8FFFFFFF  }
0x9f: {  	s19 =	sld [smem:$0x3FDB];
	_ =	sdelay $0x1  }
0xa0: {  	s7 =	simm.s32 $_scs_section_size  }
0xa1: {  	s8 =	simm.s32 $_size__tile_overlayer_lowered;
	s9 =	simm.s32 $_tile_overlayer_lowered  }
0xa2: {  	s22 =	simm.s32 $0x1BFF;
	s21 =	sshll.u32 s9, $0x1;
	s6 =	sadd.s32 s7, s19  }
0xa3: {  	s10 =	simm.s32 $0x0;
	s20 =	sshll.u32 s8, $0x1;
	s8 =	sadd.s32 s21, s6  }
0xa4: {  	[timem:s10], [sflag:s22] =	dma.local [hbm:s8], s20  }
0xa5: {  	_ =	swait.ge [sflag:s22], s20  }
0xa6: {  	s7 =	ssub.s32 $0x0, s20;
	[sflag:s22] =	ssyncset.done $0x0  }
0xa7: {  	[sflag:s22] =	ssyncadd.s32 s7;
	_ =	sdelay $0x1  }
0xa8: {  	s23 =	simm.s32 $0x1B8B  }
0xa9: {  	_ =	swait.ge [sflag:s23], $0x1  }
0xaa: {  	[sflag:s23] =	ssyncset.done $0x0  }
0xab: {  	s25 =	simm.s32 $0x1B8E;
	s24 =	sld [smem:$0x3FFE];
	[sflag:s23] =	ssyncadd.s32 $0xFFFFFFFF  }
0xac: {  	s26 =	simm.s32 $execute0_lowered;
	[smem:$0x3FD2] =	sst s25  }
0xad: {  	s8 =	sshll.u32 s26, $0x1;
	_ =	strace $0x80000046;
	[dreg:$0x1] =	wrdreg $0xFFFFFFFF  }
0xae: {  	s28 =	simm.s32 $_size_execute0_lowered;
	s6 =	sadd.s32 s6, s8;
	[dreg:$0x0] =	wrdreg $0x0  }
0xaf: {  	s8 =	sshll.u32 s28, $0x1;
	[dreg:$0x2] =	wrdreg s6  }
0xb0: {  	[dreg:$0x3] =	wrdreg s8  }
0xb1: {  	[dreg:$0x4] =	wrdreg $0xC0  }
0xb2: {  	_ =	task [dreg:s10], $0x5FFFF  }
0xb3: {  	[dreg:$0x1] =	wrdreg $0xFFFFFFFF  }
0xb4: {  	[dreg:$0x0] =	wrdreg $0x60  }
0xb5: {  	[dreg:$0x2] =	wrdreg s16  }
0xb6: {  	[dreg:$0x3] =	wrdreg s17  }
0xb7: {  	[dreg:$0x4] =	wrdreg s15  }
0xb8: {  	[dreg:$0x5] =	wrdreg s4  }
0xb9: {  	[dreg:$0x6] =	wrdreg s24  }
0xba: {  	[dreg:$0x7] =	wrdreg $0x65000  }
0xbb: {  	[dreg:$0x8] =	wrdreg $0x8D000  }
0xbc: {  	[dreg:$0x9] =	wrdreg $0x9  }
0xbd: {  	_ =	task.clear_ibuf [dreg:s10], $0xAFFFF;
	_ =	strace $0x90000046  }
0xbe: {  	s29 =	simm.s32 $0x9;
	_ =	strace $0x80000048  }
0xbf: {  	_ =	swait.ge [sflag:s29], $0x1  }
0xc0: {  	[sflag:s29] =	ssyncadd.s32 $0xFFFFFFFF  }
0xc1: {  	_ =	strace $0x90000048  }
0xc2: {  	_ =	sfence  }
0xc3: {  	s30 =	sld [smem:$0x0];
	_ =	sdelay $0x2  }
0xc4: {  	s31 =	sshll.u32 s1, $0xD;
	s1 =	sshrl.u32 s1, $0x2  }
0xc5: {  	s3 =	sand.u32 $0x4000, s31;
	s1 =	sadd.s32 s1, s30  }
0xc6: {  	s0 =	sor.u32 s3, s0;
	s1 =	sshll.u32 s1, $0x11  }
0xc7: {  	s0 =	sor.u32 s1, s0  }
0xc8: {  	s0 =	sadd.s32 $0x8F2B, s0  }
0xc9: {  	[sflag:s0] =	ssyncadd.remote.s32 $0x1  }
0xca: {  	_ =	sfence.sel $0xFFFF  }
0xcb: {  	[dreg:$0x0] =	wrdreg $0xFFFFFFFF;
	(pc) =	sbr.abs _section_cstart, $3  }
0xcc: {  	[dreg:$0x1] =	wrdreg $0xFFFFFFFF  }
0xcd: {  	_ =	task.clear_ibuf [dreg:s10], $0x2FFFF;
	_ =	strace $0x9FFFFFFF  }
0xce: {  	(tm) =	ssettm $0x7FFFFFFF  }
0xcf: {  	_ =	shalt  }
tec
execute0_lowered:
.L_overlay_start_1:
0x0: {  	(tag) =	ssettag $0x1  }
0x1: {  	s0 =	rddreg [dreg:$0x0]  }
0x2: {  	s1 =	rddreg [dreg:$0x1]  }
0x3: {  	s2 =	rddreg [dreg:$0x2]  }
0x4: {  	s4 =	rddreg [dreg:$0x3]  }
0x5: {  	s3 =	rddreg [dreg:$0x4]  }
0x6: {  	s6 =	rddreg [dreg:$0x5]  }
0x7: {  	s5 =	srdreg.scid;
	s15 =	stileid.u32  }
0x8: {  	s7 =	rddreg [dreg:$0x6];
	s11 =	smul.u32 $0x14000, s15  }
0x9: {  	s9 =	simm.s32 $0x0;
	s8 =	sand.u32 $0x1, s5;
	s13 =	smul.u32 $0x280, s15  }
0xa: {  	[smem:$0x7FF] =	sst s9;
	s10 =	smul.u32 $0x2800, s8;
	s18 =	sor.u32 $0x2800, s11  }
0xb: {  	_ =	strace $0x80000047;
	s19 =	sor.u32 $0x3C00, s11;
	s20 =	sadd.s32 s18, s7  }
0xc: {  	s5 =	sadd.s32 s13, s10;
	s10 =	sadd.s32 s18, s6;
	[dreg:$0xa] =	wrdreg s20  }
0xd: {  	s14 =	ssub.s32 $0x2, s8;
	s21 =	sadd.s32 s19, s7;
	[dreg:$0xb] =	wrdreg s10  }
0xe: {  	s23 =	sadd.s32 $0x5000, s11;
	s22 =	sadd.s32 s19, s6;
	[dreg:$0xc] =	wrdreg s21  }
0xf: {  	s24 =	sadd.s32 $0x6400, s11;
	s25 =	sadd.s32 s23, s7;
	[dreg:$0xd] =	wrdreg s22  }
0x10: {  	s13 =	sor.u32 $0x1400, s11;
	s26 =	sadd.s32 s24, s7;
	[dreg:$0xe] =	wrdreg s25  }
0x11: {  	s12 =	sshrl.u32 s14, $0x1;
	s16 =	sadd.s32 s13, s7;
	[dreg:$0x10] =	wrdreg s26  }
0x12: {  	s5 =	sshll.u32 s5, $0x4;
	s17 =	sadd.s32 s13, s6;
	[dreg:$0x8] =	wrdreg s16  }
0x13: {  	s10 =	sadd.s32 s23, s6;
	s13 =	sadd.s32 s24, s6;
	[dreg:$0x9] =	wrdreg s17  }
0x14: {  	s20 =	sadd.s32 $0xA000, s11;
	s21 =	sadd.s32 $0xB400, s11;
	[dreg:$0xf] =	wrdreg s10  }
0x15: {  	s3 =	sadd.s32 s5, s3;
	[dreg:$0x11] =	wrdreg s13;
	s22 =	sadd.s32 s20, s7  }
0x16: {  	s5 =	ssub.s32 s14, s12;
	s23 =	sadd.s32 s21, s7;
	[dreg:$0x16] =	wrdreg s22  }
0x17: {  	s14 =	sadd.s32 $0x7800, s11;
	s24 =	sadd.s32 s21, s6;
	[dreg:$0x18] =	wrdreg s23  }
0x18: {  	s17 =	sadd.s32 s14, s7;
	[dreg:$0x19] =	wrdreg s24  }
0x19: {  	s16 =	sadd.s32 $0x8C00, s11;
	s10 =	sadd.s32 s14, s6;
	[dreg:$0x12] =	wrdreg s17  }
0x1a: {  	s28 =	simm.s32 $0x28;
	s18 =	sadd.s32 s16, s7;
	[dreg:$0x13] =	wrdreg s10  }
0x1b: {  	s25 =	sadd.s32 $0xC800, s11;
	s19 =	sadd.s32 s16, s6;
	[dreg:$0x14] =	wrdreg s18  }
0x1c: {  	s26 =	sadd.s32 $0xDC00, s11;
	s14 =	sadd.s32 s25, s7;
	[dreg:$0x15] =	wrdreg s19  }
0x1d: {  	s29 =	simm.s32 $0x1500;
	s16 =	sadd.s32 s26, s7;
	[dreg:$0x1a] =	wrdreg s14  }
0x1e: {  	s30 =	simm.s32 $0x2900;
	s10 =	sadd.s32 s20, s6;
	[dreg:$0x1c] =	wrdreg s16  }
0x1f: {  	s23 =	sadd.s32 $0x11800, s11;
	s17 =	sadd.s32 s26, s6;
	[dreg:$0x17] =	wrdreg s10  }
0x20: {  	s13 =	sadd.s32 s11, s7;
	s24 =	sadd.s32 s23, s7;
	[dreg:$0x1d] =	wrdreg s17  }
0x21: {  	s18 =	sadd.s32 $0xF000, s11;
	s10 =	sadd.s32 s25, s6;
	[smem:$0x7FA] =	sst s24  }
0x22: {  	s19 =	sadd.s32 $0x10400, s11;
	s20 =	sadd.s32 s18, s7;
	[dreg:$0x1b] =	wrdreg s10  }
0x23: {  	s14 =	sadd.s32 s11, s6;
	s21 =	sadd.s32 s19, s7;
	[dreg:$0x1e] =	wrdreg s20  }
0x24: {  	s11 =	sadd.s32 $0x12C00, s11;
	s22 =	sadd.s32 s19, s6;
	[smem:$0x7F8] =	sst s21  }
0x25: {  	s31 =	simm.s32 $0x1;
	s25 =	sadd.s32 s11, s7;
	[smem:$0x7F9] =	sst s22  }
0x26: {  	s26 =	sadd.s32 s11, s6;
	s19 =	sadd.s32 $0x3200, s3;
	[smem:$0x7FC] =	sst s25  }
0x27: {  	s24 =	simm.s32 $0x3;
	s10 =	sadd.s32 s18, s6;
	[smem:$0x7FD] =	sst s26  }
0x28: {  	s20 =	sadd.s32 $0x53200, s3;
	s21 =	smax.u32 s5, $0x1;
	s22 =	sshll.u32 s15, $0x1  }
0x29: {  	s25 =	simm.s32 $0x3D00;
	s26 =	simm.s32 $0x80;
	s5 =	simm.s32 $0x2  }
0x2a: {  	s3 =	simm.s32 $0x5100;
	[dreg:$0x1f] =	wrdreg s10;
	s10 =	sadd.s32 s23, s6  }
0x2b: {  	v0 =	vimm.f32 $0.0e+00;
	s23 =	simm.s32 $0x100;
	[smem:$0x7FB] =	sst s10;
	s10 =	simm.s32 $0x0  }
.LBB2_1:
0x2c: {  	s11 =	simm.s32 $0x0;
	s12 =	simm.s32 $0x200  }
.LBB2_2:
0x2d: {  	p0 =	sne.s32 s12, $0x4E00;
	[tilespmem:s11+$0x3D00] =	vst v0  }
0x2e: {  	[tilespmem:s11+$0x100] =	vst v0  }
0x2f: {  	[tilespmem:s11+$0x110] =	vst v0  }
0x30: {  	[tilespmem:s11+$0x120] =	vst v0  }
.Ltmp0:
0x31: {  	[tilespmem:s11+$0x130] =	vst v0;
	(pc) =	sbr.rel @p0 .LBB2_2-.Ltmp0, $4  }
0x32: {  	[tilespmem:s11+$0x140] =	vst v0  }
0x33: {  	[tilespmem:s11+$0x150] =	vst v0  }
0x34: {  	[tilespmem:s11+$0x160] =	vst v0  }
0x35: {  	[tilespmem:s11+$0x170] =	vst v0;
	s11 =	sshra.s32 s12, $0x2;
	s12 =	sadd.s32 $0x200, s12  }
0x36: {  	[tilespmem:s11+$0x3D00] =	vst v0  }
0x37: {  	[tilespmem:s11+$0x100] =	vst v0  }
0x38: {  	[tilespmem:s11+$0x110] =	vst v0  }
0x39: {  	[tilespmem:s11+$0x120] =	vst v0  }
0x3a: {  	[tilespmem:s11+$0x130] =	vst v0  }
0x3b: {  	[tilespmem:s11+$0x140] =	vst v0  }
0x3c: {  	[tilespmem:s11+$0x150] =	vst v0  }
0x3d: {  	[tilespmem:s11+$0x160] =	vst v0  }
0x3e: {  	[tilespmem:s11+$0x170] =	vst v0  }
0x3f: {  	[spmem:s13] =	stream.linear.scatter [tilespmem:s23], [sflag:$0x3], $0x1400, $0x38;
	[tilespmem:$0x1CD00] =	vst v63  }
0x40: {  	_ =	swait.ge [sflag:s24], $0x1400  }
0x41: {  	[sflag:s24] =	ssyncset.done $0x0  }
0x42: {  	[sflag:s24] =	ssyncadd.s32 $0xFFFFEC00  }
0x43: {  	[spmem:s14] =	stream.linear.scatter [tilespmem:s25], [sflag:$0x3], $0x1400, $0x38;
	[tilespmem:$0x1CD00] =	vst v63  }
0x44: {  	_ =	swait.ge [sflag:s24], $0x1400  }
0x45: {  	[sflag:s24] =	ssyncset.done $0x0  }
0x46: {  	s12 =	rddreg [dreg:$0x8];
	[sflag:s24] =	ssyncadd.s32 $0xFFFFEC00  }
0x47: {  	[spmem:s12] =	stream.linear.scatter [tilespmem:s23], [sflag:$0x3], $0x1400, $0x38;
	[tilespmem:$0x1CD00] =	vst v63  }
0x48: {  	_ =	swait.ge [sflag:s24], $0x1400  }
0x49: {  	[sflag:s24] =	ssyncset.done $0x0  }
0x4a: {  	s15 =	rddreg [dreg:$0x9];
	[sflag:s24] =	ssyncadd.s32 $0xFFFFEC00  }
0x4b: {  	[spmem:s15] =	stream.linear.scatter [tilespmem:s25], [sflag:$0x3], $0x1400, $0x38;
	[tilespmem:$0x1CD00] =	vst v63  }
0x4c: {  	_ =	swait.ge [sflag:s24], $0x1400  }
0x4d: {  	[sflag:s24] =	ssyncset.done $0x0  }
0x4e: {  	s16 =	rddreg [dreg:$0xa];
	[sflag:s24] =	ssyncadd.s32 $0xFFFFEC00  }
0x4f: {  	[spmem:s16] =	stream.linear.scatter [tilespmem:s23], [sflag:$0x3], $0x1400, $0x38;
	[tilespmem:$0x1CD00] =	vst v63  }
0x50: {  	_ =	swait.ge [sflag:s24], $0x1400  }
0x51: {  	[sflag:s24] =	ssyncset.done $0x0  }
0x52: {  	s17 =	rddreg [dreg:$0xb];
	[sflag:s24] =	ssyncadd.s32 $0xFFFFEC00  }
0x53: {  	[spmem:s17] =	stream.linear.scatter [tilespmem:s25], [sflag:$0x3], $0x1400, $0x38;
	[tilespmem:$0x1CD00] =	vst v63  }
0x54: {  	_ =	swait.ge [sflag:s24], $0x1400  }
0x55: {  	[sflag:s24] =	ssyncset.done $0x0  }
0x56: {  	s18 =	rddreg [dreg:$0xc];
	[sflag:s24] =	ssyncadd.s32 $0xFFFFEC00  }
0x57: {  	[spmem:s18] =	stream.linear.scatter [tilespmem:s23], [sflag:$0x3], $0x1400, $0x38;
	[tilespmem:$0x1CD00] =	vst v63  }
0x58: {  	_ =	swait.ge [sflag:s24], $0x1400  }
0x59: {  	[sflag:s24] =	ssyncset.done $0x0  }
0x5a: {  	s12 =	rddreg [dreg:$0xd];
	[sflag:s24] =	ssyncadd.s32 $0xFFFFEC00  }
0x5b: {  	[spmem:s12] =	stream.linear.scatter [tilespmem:s25], [sflag:$0x3], $0x1400, $0x38;
	[tilespmem:$0x1CD00] =	vst v63  }
0x5c: {  	_ =	swait.ge [sflag:s24], $0x1400  }
0x5d: {  	[sflag:s24] =	ssyncset.done $0x0  }
0x5e: {  	s15 =	rddreg [dreg:$0xe];
	[sflag:s24] =	ssyncadd.s32 $0xFFFFEC00  }
0x5f: {  	[spmem:s15] =	stream.linear.scatter [tilespmem:s23], [sflag:$0x3], $0x1400, $0x38;
	[tilespmem:$0x1CD00] =	vst v63  }
0x60: {  	_ =	swait.ge [sflag:s24], $0x1400  }
0x61: {  	[sflag:s24] =	ssyncset.done $0x0  }
0x62: {  	s16 =	rddreg [dreg:$0xf];
	[sflag:s24] =	ssyncadd.s32 $0xFFFFEC00  }
0x63: {  	[spmem:s16] =	stream.linear.scatter [tilespmem:s25], [sflag:$0x3], $0x1400, $0x38;
	[tilespmem:$0x1CD00] =	vst v63  }
0x64: {  	_ =	swait.ge [sflag:s24], $0x1400  }
0x65: {  	[sflag:s24] =	ssyncset.done $0x0  }
0x66: {  	s17 =	rddreg [dreg:$0x10];
	[sflag:s24] =	ssyncadd.s32 $0xFFFFEC00  }
0x67: {  	[spmem:s17] =	stream.linear.scatter [tilespmem:s23], [sflag:$0x3], $0x1400, $0x38;
	[tilespmem:$0x1CD00] =	vst v63  }
0x68: {  	_ =	swait.ge [sflag:s24], $0x1400  }
0x69: {  	[sflag:s24] =	ssyncset.done $0x0  }
0x6a: {  	s18 =	rddreg [dreg:$0x11];
	[sflag:s24] =	ssyncadd.s32 $0xFFFFEC00  }
0x6b: {  	[spmem:s18] =	stream.linear.scatter [tilespmem:s25], [sflag:$0x3], $0x1400, $0x38;
	[tilespmem:$0x1CD00] =	vst v63  }
0x6c: {  	_ =	swait.ge [sflag:s24], $0x1400  }
0x6d: {  	[sflag:s24] =	ssyncset.done $0x0  }
0x6e: {  	s12 =	rddreg [dreg:$0x12];
	[sflag:s24] =	ssyncadd.s32 $0xFFFFEC00  }
0x6f: {  	[spmem:s12] =	stream.linear.scatter [tilespmem:s23], [sflag:$0x3], $0x1400, $0x38;
	[tilespmem:$0x1CD00] =	vst v63  }
0x70: {  	_ =	swait.ge [sflag:s24], $0x1400  }
0x71: {  	[sflag:s24] =	ssyncset.done $0x0  }
0x72: {  	s15 =	rddreg [dreg:$0x13];
	[sflag:s24] =	ssyncadd.s32 $0xFFFFEC00  }
0x73: {  	[spmem:s15] =	stream.linear.scatter [tilespmem:s25], [sflag:$0x3], $0x1400, $0x38;
	[tilespmem:$0x1CD00] =	vst v63  }
0x74: {  	_ =	swait.ge [sflag:s24], $0x1400  }
0x75: {  	[sflag:s24] =	ssyncset.done $0x0  }
0x76: {  	s16 =	rddreg [dreg:$0x14];
	[sflag:s24] =	ssyncadd.s32 $0xFFFFEC00  }
0x77: {  	[spmem:s16] =	stream.linear.scatter [tilespmem:s23], [sflag:$0x3], $0x1400, $0x38;
	[tilespmem:$0x1CD00] =	vst v63  }
0x78: {  	_ =	swait.ge [sflag:s24], $0x1400  }
0x79: {  	[sflag:s24] =	ssyncset.done $0x0  }
0x7a: {  	s17 =	rddreg [dreg:$0x15];
	[sflag:s24] =	ssyncadd.s32 $0xFFFFEC00  }
0x7b: {  	[spmem:s17] =	stream.linear.scatter [tilespmem:s25], [sflag:$0x3], $0x1400, $0x38;
	[tilespmem:$0x1CD00] =	vst v63  }
0x7c: {  	_ =	swait.ge [sflag:s24], $0x1400  }
0x7d: {  	[sflag:s24] =	ssyncset.done $0x0  }
0x7e: {  	s18 =	rddreg [dreg:$0x16];
	[sflag:s24] =	ssyncadd.s32 $0xFFFFEC00  }
0x7f: {  	[spmem:s18] =	stream.linear.scatter [tilespmem:s23], [sflag:$0x3], $0x1400, $0x38;
	[tilespmem:$0x1CD00] =	vst v63  }
0x80: {  	_ =	swait.ge [sflag:s24], $0x1400  }
0x81: {  	[sflag:s24] =	ssyncset.done $0x0  }
0x82: {  	s12 =	rddreg [dreg:$0x17];
	[sflag:s24] =	ssyncadd.s32 $0xFFFFEC00  }
0x83: {  	[spmem:s12] =	stream.linear.scatter [tilespmem:s25], [sflag:$0x3], $0x1400, $0x38;
	[tilespmem:$0x1CD00] =	vst v63  }
0x84: {  	_ =	swait.ge [sflag:s24], $0x1400  }
0x85: {  	[sflag:s24] =	ssyncset.done $0x0  }
0x86: {  	s15 =	rddreg [dreg:$0x18];
	[sflag:s24] =	ssyncadd.s32 $0xFFFFEC00  }
0x87: {  	[spmem:s15] =	stream.linear.scatter [tilespmem:s23], [sflag:$0x3], $0x1400, $0x38;
	[tilespmem:$0x1CD00] =	vst v63  }
0x88: {  	_ =	swait.ge [sflag:s24], $0x1400  }
0x89: {  	[sflag:s24] =	ssyncset.done $0x0  }
0x8a: {  	s16 =	rddreg [dreg:$0x19];
	[sflag:s24] =	ssyncadd.s32 $0xFFFFEC00  }
0x8b: {  	[spmem:s16] =	stream.linear.scatter [tilespmem:s25], [sflag:$0x3], $0x1400, $0x38;
	[tilespmem:$0x1CD00] =	vst v63  }
0x8c: {  	_ =	swait.ge [sflag:s24], $0x1400  }
0x8d: {  	[sflag:s24] =	ssyncset.done $0x0  }
0x8e: {  	s17 =	rddreg [dreg:$0x1a];
	[sflag:s24] =	ssyncadd.s32 $0xFFFFEC00  }
0x8f: {  	[spmem:s17] =	stream.linear.scatter [tilespmem:s23], [sflag:$0x3], $0x1400, $0x38;
	[tilespmem:$0x1CD00] =	vst v63  }
0x90: {  	_ =	swait.ge [sflag:s24], $0x1400  }
0x91: {  	[sflag:s24] =	ssyncset.done $0x0  }
0x92: {  	s18 =	rddreg [dreg:$0x1b];
	[sflag:s24] =	ssyncadd.s32 $0xFFFFEC00  }
0x93: {  	[spmem:s18] =	stream.linear.scatter [tilespmem:s25], [sflag:$0x3], $0x1400, $0x38;
	[tilespmem:$0x1CD00] =	vst v63  }
0x94: {  	_ =	swait.ge [sflag:s24], $0x1400  }
0x95: {  	[sflag:s24] =	ssyncset.done $0x0  }
0x96: {  	s12 =	rddreg [dreg:$0x1c];
	[sflag:s24] =	ssyncadd.s32 $0xFFFFEC00  }
0x97: {  	[spmem:s12] =	stream.linear.scatter [tilespmem:s23], [sflag:$0x3], $0x1400, $0x38;
	[tilespmem:$0x1CD00] =	vst v63  }
0x98: {  	_ =	swait.ge [sflag:s24], $0x1400  }
0x99: {  	[sflag:s24] =	ssyncset.done $0x0  }
0x9a: {  	s15 =	rddreg [dreg:$0x1d];
	[sflag:s24] =	ssyncadd.s32 $0xFFFFEC00  }
0x9b: {  	[spmem:s15] =	stream.linear.scatter [tilespmem:s25], [sflag:$0x3], $0x1400, $0x38;
	[tilespmem:$0x1CD00] =	vst v63  }
0x9c: {  	_ =	swait.ge [sflag:s24], $0x1400  }
0x9d: {  	[sflag:s24] =	ssyncset.done $0x0  }
0x9e: {  	s16 =	rddreg [dreg:$0x1e];
	[sflag:s24] =	ssyncadd.s32 $0xFFFFEC00  }
0x9f: {  	[spmem:s16] =	stream.linear.scatter [tilespmem:s23], [sflag:$0x3], $0x1400, $0x38;
	[tilespmem:$0x1CD00] =	vst v63  }
0xa0: {  	_ =	swait.ge [sflag:s24], $0x1400  }
0xa1: {  	[sflag:s24] =	ssyncset.done $0x0  }
0xa2: {  	s17 =	rddreg [dreg:$0x1f];
	[sflag:s24] =	ssyncadd.s32 $0xFFFFEC00  }
0xa3: {  	[spmem:s17] =	stream.linear.scatter [tilespmem:s25], [sflag:$0x3], $0x1400, $0x38;
	[tilespmem:$0x1CD00] =	vst v63  }
0xa4: {  	_ =	swait.ge [sflag:s24], $0x1400  }
0xa5: {  	s18 =	sld [smem:$0x7F8]  }
0xa6: {  	[sflag:s24] =	ssyncset.done $0x0  }
0xa7: {  	[sflag:s24] =	ssyncadd.s32 $0xFFFFEC00  }
0xa8: {  	[spmem:s18] =	stream.linear.scatter [tilespmem:s23], [sflag:$0x3], $0x1400, $0x38;
	[tilespmem:$0x1CD00] =	vst v63  }
0xa9: {  	_ =	swait.ge [sflag:s24], $0x1400  }
0xaa: {  	s12 =	sld [smem:$0x7F9]  }
0xab: {  	[sflag:s24] =	ssyncset.done $0x0  }
0xac: {  	[sflag:s24] =	ssyncadd.s32 $0xFFFFEC00  }
0xad: {  	[spmem:s12] =	stream.linear.scatter [tilespmem:s25], [sflag:$0x3], $0x1400, $0x38;
	[tilespmem:$0x1CD00] =	vst v63  }
0xae: {  	_ =	swait.ge [sflag:s24], $0x1400  }
0xaf: {  	s15 =	sld [smem:$0x7FA]  }
0xb0: {  	[sflag:s24] =	ssyncset.done $0x0  }
0xb1: {  	[sflag:s24] =	ssyncadd.s32 $0xFFFFEC00  }
0xb2: {  	[spmem:s15] =	stream.linear.scatter [tilespmem:s23], [sflag:$0x3], $0x1400, $0x38;
	[tilespmem:$0x1CD00] =	vst v63  }
0xb3: {  	_ =	swait.ge [sflag:s24], $0x1400  }
0xb4: {  	s16 =	sld [smem:$0x7FB]  }
0xb5: {  	[sflag:s24] =	ssyncset.done $0x0  }
0xb6: {  	[sflag:s24] =	ssyncadd.s32 $0xFFFFEC00  }
0xb7: {  	[spmem:s16] =	stream.linear.scatter [tilespmem:s25], [sflag:$0x3], $0x1400, $0x38;
	[tilespmem:$0x1CD00] =	vst v63  }
0xb8: {  	_ =	swait.ge [sflag:s24], $0x1400  }
0xb9: {  	s17 =	sld [smem:$0x7FC]  }
0xba: {  	[sflag:s24] =	ssyncset.done $0x0  }
0xbb: {  	[sflag:s24] =	ssyncadd.s32 $0xFFFFEC00  }
0xbc: {  	[spmem:s17] =	stream.linear.scatter [tilespmem:s23], [sflag:$0x3], $0x1400, $0x38;
	[tilespmem:$0x1CD00] =	vst v63  }
0xbd: {  	_ =	swait.ge [sflag:s24], $0x1400  }
0xbe: {  	s18 =	sld [smem:$0x7FD]  }
0xbf: {  	[sflag:s24] =	ssyncset.done $0x0  }
0xc0: {  	[sflag:s24] =	ssyncadd.s32 $0xFFFFEC00  }
0xc1: {  	[spmem:s18] =	stream.linear.scatter [tilespmem:s25], [sflag:$0x3], $0x1400, $0x38;
	[tilespmem:$0x1CD00] =	vst v63  }
0xc2: {  	_ =	swait.ge [sflag:s24], $0x1400  }
0xc3: {  	[sflag:s24] =	ssyncset.done $0x0  }
0xc4: {  	[sflag:s24] =	ssyncadd.s32 $0xFFFFEC00  }
0xc5: {  	s11 =	simm.s32 $0x0;
	s12 =	simm.s32 $0x0;
	[bflag:$0x0] =	sbarrier.arrive $0xFFFF  }
.LBB2_4:
0xc6: {  	s15 =	sshll.u32 s12, $0x5  }
0xc7: {  	s15 =	sor.u32 s15, s22  }
0xc8: {  	s15 =	sor.u32 s8, s15  }
0xc9: {  	s16 =	smul.u32 $0x5, s15;
	_ =	sdelay $0x1  }
0xca: {  	s17 =	sadd.s32 s0, s16  }
0xcb: {  	[tilespmem:s11], [sflag:$0x3] =	stream.linear.gather [hbm4b:s17+s11], $0x28, $0x38;
	[tilespmem:$0x1CD00] =	vst v63  }
0xcc: {  	_ =	swait.ge [sflag:s24], $0x28  }
0xcd: {  	[sflag:s24] =	ssyncset.done $0x0  }
0xce: {  	s16 =	sadd.s32 s1, s16;
	[sflag:s24] =	ssyncadd.s32 $0xFFFFFFD8  }
0xcf: {  	[tilespmem:s26], [sflag:$0x3] =	stream.linear.gather [hbm4b:s16+s11], $0x28, $0x38;
	[tilespmem:$0x1CD00] =	vst v63  }
0xd0: {  	_ =	swait.ge [sflag:s24], $0x28  }
0xd1: {  	[sflag:s24] =	ssyncset.done $0x0  }
0xd2: {  	[sflag:s24] =	ssyncadd.s32 $0xFFFFFFD8  }
0xd3: {  	[tilespmem:s29], [sflag:$0x1] =	stream.indirect.gather [hbm4b:s4+s28], $0x80, s11, s28, $0xb8;
	[tilespmem:$0x1CD00] =	vst v63  }
0xd4: {  	s15 =	smul.u32 $0x280, s15  }
0xd5: {  	[tilespmem:s30], [sflag:$0x2] =	stream.indirect.gather [hbm4b:s4+s28], $0x80, s26, s28, $0xb8;
	[tilespmem:$0x1CD00] =	vst v63  }
0xd6: {  	s15 =	sadd.s32 s2, s15  }
0xd7: {  	[tilespmem:s23], [sflag:$0x3] =	stream.linear.gather [hbm4b:s15+s11], $0x1400, $0x38;
	[tilespmem:$0x1CD00] =	vst v63  }
0xd8: {  	_ =	swait.ge [sflag:s24], $0x1400  }
0xd9: {  	[sflag:s24] =	ssyncset.done $0x0  }
0xda: {  	[sflag:s24] =	ssyncadd.s32 $0xFFFFEC00  }
0xdb: {  	_ =	swait.ge [sflag:s31], $0x1400  }
0xdc: {  	[sflag:s31] =	ssyncset.done $0x0  }
0xdd: {  	[sflag:s31] =	ssyncadd.s32 $0xFFFFEC00  }
0xde: {  	_ =	swait.ge [sflag:s5], $0x1400  }
0xdf: {  	[sflag:s5] =	ssyncset.done $0x0  }
0xe0: {  	s15 =	simm.s32 $0x0;
	[sflag:s5] =	ssyncadd.s32 $0xFFFFEC00  }
0xe1: {  	v1 =	vld [tilespmem:s15+$0x160]  }
0xe2: {  	v2 =	vld [tilespmem:s15+$0x120]  }
0xe3: {  	v3 =	vld [tilespmem:s15+$0x130]  }
0xe4: {  	v4 =	vld [tilespmem:s15+$0x110]  }
0xe5: {  	v5 =	vld [tilespmem:s15+$0x170]  }
0xe6: {  	v6 =	vld [tilespmem:s15+$0x100]  }
0xe7: {  	v7 =	vld [tilespmem:s15+$0x2970]  }
0xe8: {  	v8 =	vld [tilespmem:s15+$0x150]  }
0xe9: {  	v9 =	vld [tilespmem:s15+$0x2920]  }
0xea: {  	v10 =	vld [tilespmem:s15+$0x2910]  }
0xeb: {  	v11 =	vld [tilespmem:s15+$0x140]  }
0xec: {  	v12 =	vld [tilespmem:s15+$0x2930]  }
0xed: {  	v13 =	vld [tilespmem:s15+$0x2940]  }
0xee: {  	v14 =	vld [tilespmem:s15+$0x2900]  }
0xef: {  	v15 =	vld [tilespmem:s15+$0x2960]  }
0xf0: {  	v16 =	vld [tilespmem:s15+$0x2950];
	_ =	sdelay $0x1  }
0xf1: {  	v7 =	vmul.f32 v7, v5;
	v9 =	vmul.f32 v9, v2  }
0xf2: {  	v10 =	vmul.f32 v10, v4;
	v12 =	vmul.f32 v12, v3  }
0xf3: {  	v13 =	vmul.f32 v13, v11;
	v14 =	vmul.f32 v14, v6  }
0xf4: {  	v15 =	vmul.f32 v15, v1;
	v16 =	vmul.f32 v16, v8  }
0xf5: {  	v10 =	vadd.f32 v10, v14;
	v9 =	vadd.f32 v12, v9  }
0xf6: {  	v7 =	vadd.f32 v7, v15;
	v51 =	vadd.f32 v16, v13  }
0xf7: {  	v52 =	vld [tilespmem:s15+$0x1500]  }
0xf8: {  	v53 =	vld [tilespmem:s15+$0x1550];
	v9 =	vadd.f32 v9, v10;
	v7 =	vadd.f32 v7, v51  }
0xf9: {  	v54 =	vld [tilespmem:s15+$0x1560]  }
0xfa: {  	v55 =	vld [tilespmem:s15+$0x1510];
	v7 =	vadd.f32 v7, v9  }
0xfb: {  	v56 =	vld [tilespmem:s15+$0x1520]  }
0xfc: {  	v57 =	vld [tilespmem:s15+$0x1540];
	(xrf2) =	vadd.scan.msk.f32 $0xffff, v7  }
0xfd: {  	v58 =	vld [tilespmem:s15+$0x1570]  }
0xfe: {  	v59 =	vld [tilespmem:s15+$0x1530];
	_ =	sdelay $0x1  }
0xff: {  	v1 =	vmul.f32 v54, v1;
	v60 =	vmul.f32 v53, v8  }
0x100: {  	v6 =	vmul.f32 v52, v6;
	v4 =	vmul.f32 v55, v4  }
0x101: {  	v5 =	vmul.f32 v58, v5;
	v62 =	vmul.f32 v57, v11  }
0x102: {  	v2 =	vmul.f32 v56, v2;
	v3 =	vmul.f32 v59, v3  }
0x103: {  	v1 =	vadd.f32 v5, v1;
	v63 =	vadd.f32 v60, v62  }
0x104: {  	v4 =	vadd.f32 v4, v6;
	v2 =	vadd.f32 v3, v2  }
0x105: {  	v1 =	vadd.f32 v1, v63;
	v61, _, _ =	vpop (xrf2)  }
0x106: {  	v2 =	vadd.f32 v2, v4;
	(v2sf) =	vpush v61, $0xF;
	_ =	sdelay $0x1  }
0x107: {  	v1 =	vadd.f32 v1, v2;
	_ =	sdelay $0x1  }
0x108: {  	(xrf2) =	vadd.scan.msk.f32 $0xffff, v1;
	_ =	sdelay $0x9  }
0x109: {  	v1, _, _ =	vpop (xrf2)  }
0x10a: {  	s18 =	spop (v2sf);
	(v2sf) =	vpush v1, $0xF;
	_ =	sdelay $0x6  }
0x10b: {  	s16 =	smul.f32 $8.838834610e-02, s18;
	_ =	sdelay $0x1  }
0x10c: {  	v2 =	vmov s16  }
0x10d: {  	s16 =	simm.s32 $0x200;
	v1 =	vmul.f32 $1.442695020e+00, v2  }
.LBB2_5:
0x10e: {  	p0 =	sne.s32 s16, $0x4E00;
	s17 =	smov.u32 s16;
	s16 =	sadd.s32 $0x200, s16  }
0x10f: {  	v1 =	vbroadcast v1, $0x0  }
0x110: {  	v2 =	vld [tilespmem:s15+$0x160]  }
0x111: {  	v3 =	vld [tilespmem:s15+$0x150];
	(erf) = vpow2.f32 v1  }
0x112: {  	v1 =	vld [tilespmem:s15+$0x140];
	s18 =	spop (v2sf)  }
0x113: {  	s18 =	smul.f32 $8.838834610e-02, s18;
	v4 =	vld [tilespmem:s15+$0x100]  }
0x114: {  	v5 =	vld [tilespmem:s15+$0x130]  }
0x115: {  	v6 =	vmov s18;
	v7 =	vld [tilespmem:s15+$0x170]  }
0x116: {  	v6 =	vmul.f32 $1.442695020e+00, v6;
	v8 =	vld [tilespmem:s15+$0x120]  }
0x117: {  	s17 =	sshra.s32 s17, $0x2;
	v9 =	vld [tilespmem:s15+$0x110]  }
0x118: {  	v10 =	vld [tilespmem:s17+$0x160];
	v13 =	vbroadcast v6, $0x0  }
0x119: {  	v11 =	vld [tilespmem:s17+$0x120]  }
0x11a: {  	v12 =	vld [tilespmem:s17+$0x130];
	(erf) = vpow2.f32 v13;
	v6 =	vpop (erf)  }
0x11b: {  	v13 =	vld [tilespmem:s17+$0x110];
	[tilespmem:s15+$0x5100] =	vst v6;
	v14 =	vmul.f32 v6, v8;
	v15 =	vmul.f32 v7, v6  }
0x11c: {  	v18 =	vmul.f32 v6, v5;
	v16 =	vld [tilespmem:s17+$0x170];
	v17 =	vmul.f32 v6, v9  }
0x11d: {  	v20 =	vmul.f32 v6, v4;
	v21 =	vmul.f32 v1, v6;
	v19 =	vld [tilespmem:s17+$0x100];
	[tilespmem:s15+$0x2970] =	vst v15  }
0x11e: {  	v15 =	vld [tilespmem:s17+$0x2970];
	[tilespmem:s15+$0x2920] =	vst v14;
	v14 =	vmul.f32 v3, v6;
	v6 =	vmul.f32 v2, v6  }
0x11f: {  	v22 =	vld [tilespmem:s17+$0x150];
	[tilespmem:s15+$0x2910] =	vst v17  }
0x120: {  	v17 =	vld [tilespmem:s17+$0x2920];
	[tilespmem:s15+$0x2930] =	vst v18  }
0x121: {  	v18 =	vld [tilespmem:s17+$0x2910];
	[tilespmem:s15+$0x2940] =	vst v21  }
0x122: {  	v21 =	vld [tilespmem:s17+$0x140];
	[tilespmem:s15+$0x2900] =	vst v20  }
0x123: {  	v20 =	vld [tilespmem:s17+$0x2930];
	[tilespmem:s15+$0x2950] =	vst v14;
	v14 =	vpop (erf)  }
0x124: {  	v15 =	vmul.f32 v15, v16;
	v23 =	vld [tilespmem:s17+$0x2940];
	v4 =	vmul.f32 v14, v4;
	[tilespmem:s15+$0x2960] =	vst v6  }
0x125: {  	v3 =	vmul.f32 v3, v14;
	v6 =	vld [tilespmem:s17+$0x2900];
	v17 =	vmul.f32 v17, v11;
	[tilespmem:s15+$0x3D00] =	vst v14  }
0x126: {  	v2 =	vmul.f32 v2, v14;
	v24 =	vld [tilespmem:s17+$0x2960];
	[tilespmem:s15+$0x1500] =	vst v4;
	v4 =	vmul.f32 v14, v9  }
0x127: {  	v8 =	vmul.f32 v14, v8;
	v5 =	vmul.f32 v5, v14;
	v9 =	vld [tilespmem:s17+$0x2950];
	[tilespmem:s15+$0x1550] =	vst v3  }
0x128: {  	v18 =	vmul.f32 v18, v13;
	v3 =	vld [tilespmem:s17+$0x1500];
	v20 =	vmul.f32 v20, v12;
	[tilespmem:s15+$0x1560] =	vst v2  }
0x129: {  	v1 =	vmul.f32 v1, v14;
	v2 =	vmul.f32 v23, v21;
	v23 =	vld [tilespmem:s17+$0x1550];
	[tilespmem:s15+$0x1510] =	vst v4  }
0x12a: {  	v7 =	vmul.f32 v7, v14;
	v4 =	vmul.f32 v6, v19;
	v6 =	vld [tilespmem:s17+$0x1560];
	[tilespmem:s15+$0x1520] =	vst v8  }
0x12b: {  	v8 =	vld [tilespmem:s17+$0x1510];
	v14 =	vmul.f32 v24, v10;
	[tilespmem:s15+$0x1530] =	vst v5  }
0x12c: {  	v5 =	vld [tilespmem:s17+$0x1520];
	v9 =	vmul.f32 v9, v22;
	v4 =	vadd.f32 v18, v4;
	[tilespmem:s15+$0x1540] =	vst v1  }
0x12d: {  	v17 =	vadd.f32 v20, v17;
	v1 =	vld [tilespmem:s17+$0x1540];
	v14 =	vadd.f32 v15, v14;
	[tilespmem:s15+$0x1570] =	vst v7;
	s15 =	smov.u32 s17  }
0x12e: {  	v7 =	vld [tilespmem:s15+$0x1570];
	v2 =	vadd.f32 v9, v2  }
0x12f: {  	v4 =	vadd.f32 v17, v4;
	v9 =	vld [tilespmem:s15+$0x1530];
	v6 =	vmul.f32 v6, v10  }
0x130: {  	v10 =	vmul.f32 v23, v22;
	v2 =	vadd.f32 v14, v2  }
0x131: {  	v3 =	vmul.f32 v3, v19;
	v8 =	vmul.f32 v8, v13  }
0x132: {  	v2 =	vadd.f32 v2, v4  }
0x133: {  	v4 =	vmul.f32 v5, v11;
	v5 =	vmul.f32 v7, v16  }
0x134: {  	v1 =	vmul.f32 v1, v21;
	v3 =	vadd.f32 v8, v3;
	(xrf2) =	vadd.scan.msk.f32 $0xffff, v2  }
0x135: {  	v2 =	vmul.f32 v9, v12;
	v5 =	vadd.f32 v5, v6  }
0x136: {  	v1 =	vadd.f32 v10, v1  }
0x137: {  	v2 =	vadd.f32 v2, v4  }
0x138: {  	v1 =	vadd.f32 v5, v1  }
0x139: {  	v2 =	vadd.f32 v2, v3;
	_ =	sdelay $0x1  }
0x13a: {  	v2 =	vadd.f32 v1, v2;
	_ =	sdelay $0x1  }
0x13b: {  	(xrf2) =	vadd.scan.msk.f32 $0xffff, v2  }
0x13c: {  	v1, _, _ =	vpop (xrf2)  }
0x13d: {  	(v2sf) =	vpush v1, $0xF;
	_ =	sdelay $0x7  }
0x13e: {  	v1, _, _ =	vpop (xrf2)  }
0x13f: {  	(v2sf) =	vpush v1, $0xF;
	_ =	sdelay $0x5  }
.Ltmp1:
0x140: {  	s17 =	spop (v2sf);
	(pc) =	sbr.rel @p0 .LBB2_5-.Ltmp1, $3  }
0x141: {  	s17 =	smul.f32 $8.838834610e-02, s17;
	_ =	sdelay $0x1  }
0x142: {  	v1 =	vmov s17  }
0x143: {  	v1 =	vmul.f32 $1.442695020e+00, v1  }
0x144: {  	_ =	sdelay $0x2  }
0x145: {  	v1 =	vbroadcast v1, $0x0  }
0x146: {  	s16 =	spop (v2sf)  }
0x147: {  	(erf) = vpow2.f32 v1;
	s16 =	smul.f32 $8.838834610e-02, s16;
	_ =	sdelay $0x1  }
0x148: {  	v3 =	vmov s16  }
0x149: {  	v3 =	vmul.f32 $1.442695020e+00, v3;
	_ =	sdelay $0x1  }
0x14a: {  	v4 =	vld [tilespmem:s15+$0x170];
	v3 =	vbroadcast v3, $0x0  }
0x14b: {  	v5 =	vld [tilespmem:s15+$0x120]  }
0x14c: {  	v6 =	vld [tilespmem:s15+$0x110]  }
0x14d: {  	v7 =	vld [tilespmem:s15+$0x130]  }
0x14e: {  	v8 =	vld [tilespmem:s15+$0x140];
	(erf) = vpow2.f32 v3;
	v3 =	vpop (erf)  }
0x14f: {  	v9 =	vld [tilespmem:s15+$0x100];
	v10 =	vmul.f32 v4, v3  }
0x150: {  	v2 =	vld [tilespmem:s15+$0x150];
	[tilespmem:s15+$0x5100] =	vst v3;
	v11 =	vmul.f32 v3, v5  }
0x151: {  	v1 =	vld [tilespmem:s15+$0x160];
	v12 =	vmul.f32 v3, v6;
	[tilespmem:s15+$0x2970] =	vst v10  }
0x152: {  	v59 =	vmul.f32 v3, v7;
	[tilespmem:s15+$0x2920] =	vst v11  }
0x153: {  	v60 =	vmul.f32 v8, v3;
	[tilespmem:s15+$0x2910] =	vst v12  }
0x154: {  	v61 =	vmul.f32 v3, v9;
	[tilespmem:s15+$0x2930] =	vst v59  }
0x155: {  	v62 =	vmul.f32 v2, v3;
	[tilespmem:s15+$0x2940] =	vst v60  }
0x156: {  	v3 =	vmul.f32 v1, v3;
	[tilespmem:s15+$0x2900] =	vst v61  }
0x157: {  	[tilespmem:s15+$0x2950] =	vst v62;
	v63 =	vpop (erf)  }
0x158: {  	[tilespmem:s15+$0x2960] =	vst v3;
	v9 =	vmul.f32 v63, v9  }
0x159: {  	[tilespmem:s15+$0x3D00] =	vst v63;
	v2 =	vmul.f32 v2, v63  }
0x15a: {  	v1 =	vmul.f32 v1, v63;
	[tilespmem:s15+$0x1500] =	vst v9  }
0x15b: {  	v3 =	vmul.f32 v63, v6;
	[tilespmem:s15+$0x1550] =	vst v2  }
0x15c: {  	v2 =	vmul.f32 v63, v5;
	[tilespmem:s15+$0x1560] =	vst v1  }
0x15d: {  	v1 =	vmul.f32 v7, v63;
	[tilespmem:s15+$0x1510] =	vst v3  }
0x15e: {  	v3 =	vmul.f32 v8, v63;
	[tilespmem:s15+$0x1520] =	vst v2  }
0x15f: {  	v2 =	vmul.f32 v4, v63;
	[tilespmem:s15+$0x1530] =	vst v1  }
0x160: {  	[tilespmem:s15+$0x1540] =	vst v3  }
0x161: {  	[tilespmem:s15+$0x1570] =	vst v2  }
0x162: {  	[spmem:s7] =	stream.indirect.scatter.add.f32 [tilespmem:s29], [sflag:$0x3], $0x80, s9, s28, $0xb8;
	[tilespmem:$0x1CD00] =	vst v63  }
0x163: {  	_ =	swait.ge [sflag:s24], $0x1400  }
0x164: {  	[sflag:s24] =	ssyncset.done $0x0  }
0x165: {  	[sflag:s24] =	ssyncadd.s32 $0xFFFFEC00  }
0x166: {  	[spmem:s7] =	stream.indirect.scatter.add.f32 [tilespmem:s30], [sflag:$0x3], $0x80, s26, s28, $0xb8;
	[tilespmem:$0x1CD00] =	vst v63  }
0x167: {  	_ =	swait.ge [sflag:s24], $0x1400  }
0x168: {  	[sflag:s24] =	ssyncset.done $0x0  }
0x169: {  	[sflag:s24] =	ssyncadd.s32 $0xFFFFEC00  }
0x16a: {  	[spmem:s6] =	stream.indirect.scatter.add.f32 [tilespmem:s25], [sflag:$0x3], $0x10, s9, s28, $0xb8;
	[tilespmem:$0x1CD00] =	vst v63  }
0x16b: {  	s12 =	sadd.s32 $0x1, s12;
	_ =	swait.ge [sflag:s24], $0x280  }
0x16c: {  	p0 =	sne.s32 s12, $0xFA;
	[sflag:s24] =	ssyncset.done $0x0  }
.Ltmp2:
0x16d: {  	[sflag:s24] =	ssyncadd.s32 $0xFFFFFD80;
	(pc) =	sbr.rel @p0 .LBB2_4-.Ltmp2, $4  }
0x16e: {  	[spmem:s6] =	stream.indirect.scatter.add.f32 [tilespmem:s3], [sflag:$0x3], $0x10, s26, s28, $0xb8;
	[tilespmem:$0x1CD00] =	vst v63  }
0x16f: {  	_ =	swait.ge [sflag:s24], $0x280  }
0x170: {  	[sflag:s24] =	ssyncset.done $0x0  }
0x171: {  	[sflag:s24] =	ssyncadd.s32 $0xFFFFFD80  }
0x172: {  	s11 =	stileid.u32  }
0x173: {  	s11 =	sshll.u32 s11, $0x6  }
0x174: {  	[bflag:$0x0] =	sbarrier.arrive $0xFFFF;
	s12 =	sshrl.u32 s13, $0x3;
	s11 =	sor.u32 $0x1C03, s11  }
0x175: {  	[hbm:s19], [sflag:s11] =	dma.local [spmem:s12], $0x2800  }
0x176: {  	s10 =	sadd.s32 $0x1, s10;
	_ =	swait.ge [sflag:s24], $0x2800  }
0x177: {  	p0 =	sne.s32 s10, s21;
	[sflag:s24] =	ssyncset.done $0x0  }
.Ltmp3:
0x178: {  	s18 =	sshrl.u32 s14, $0x3;
	[sflag:s24] =	ssyncadd.s32 $0xFFFFD800;
	(pc) =	sbr.rel @p0 .LBB2_1-.Ltmp3, $4  }
0x179: {  	[hbm:s20], [sflag:s11] =	dma.local [spmem:s18], $0x2800  }
0x17a: {  	_ =	swait.ge [sflag:s24], $0x2800  }
0x17b: {  	[sflag:s24] =	ssyncset.done $0x0  }
0x17c: {  	[sflag:s24] =	ssyncadd.s32 $0xFFFFD800  }
0x17d: {  	_ =	sfence.sel $0x180000  }
0x17e: {  	[bflag:$0x0] =	sbarrier.arrive $0xFFFF  }
0x17f: {  	_ =	strace $0x90000047  }
0x180: {  	s0 =	stileid.u32;
	[bflag:$0x2] =	sbarrier.arrive $0xFFFF  }
0x181: {  	p0 =	sne.s32 s0, $0x0;
	s0 =	rddreg [dreg:$0x7]  }
0x182: {  	s0 =	sadd.s32 @!p0 $0x100000, s0  }
0x183: {  	[sflag:s0] =	ssyncadd.tile.s32 @!p0 $0x1;
	_ =	shalt  }
.Lfunc_end2:
_tile_overlayer_lowered:
.L_overlay_start_2:
0x184: {  	(tag) =	ssettag $0x2  }
0x185: {  	s0 =	rddreg [dreg:$0x0];
	s2 =	stileid.u32  }
0x186: {  	s1 =	rddreg [dreg:$0x1];
	p0 =	sne.s32 s2, $0x0  }
0x187: {  	s3 =	rddreg [dreg:$0x2];
	[bflag:$0x3] =	sbarrier.arrive $0xFFFF;
	s2 =	simm.s32 @!p0 $0x1C03  }
0x188: {  	[timem:s3], [sflag:s2] =	dma.local @!p0 [hbm:s0], s1  }
0x189: {  	s0 =	simm.s32 @!p0 $0x3  }
0x18a: {  	_ =	swait.ge @!p0 [sflag:s0], s1  }
0x18b: {  	s1 =	ssub.s32 @!p0 $0x0, s1;
	[sflag:s0] =	ssyncset.done @!p0 $0x0  }
0x18c: {  	[sflag:s0] =	ssyncadd.s32 @!p0 s1  }
0x18d: {  	[bflag:$0x3] =	sbarrier.arrive $0xFFFF  }
0x18e: {  	_ =	shalt  }

</sc_bundles>
